<compile_context>
chip_gen: v7x
topology: tpu7x:2x2x1
jax: 0.10.2.dev20260603
libtpu: 0.0.44.dev20260713+nightly
codegen_flags: <defaults>
</compile_context>

<pallas_src>
import functools

import jax
import jax.numpy as jnp
from jax import lax
from jax.experimental import pallas as pl
from jax.experimental.pallas import tpu as pltpu
from jax.experimental.pallas import tpu_sc as plsc

N = 10000
NPAD = 10240
E = 320000
NW = 32
NS = 16
ET = E // NW
CHUNK = 80
NCHUNK = ET // CHUNK
ROWS_PER_TILE = NPAD // NS

@functools.lru_cache(maxsize=None)
def _mesh():
    return plsc.VectorSubcoreMesh(core_axis_name="c", subcore_axis_name="s",
                                  num_cores=2, num_subcores=NS)


def _deg_body(srcr, dstr, zeros1, out_hbm, src_v, dst_v, ones_v, acc_o, acc_i):
    c = lax.axis_index("c")
    s = lax.axis_index("s")
    wid = s * 2 + c
    pltpu.sync_copy(zeros1.at[pl.ds(s * ROWS_PER_TILE, ROWS_PER_TILE)],
                    acc_o.at[pl.ds(s * ROWS_PER_TILE, ROWS_PER_TILE)])
    pltpu.sync_copy(zeros1.at[pl.ds(s * ROWS_PER_TILE, ROWS_PER_TILE)],
                    acc_i.at[pl.ds(s * ROWS_PER_TILE, ROWS_PER_TILE)])
    for i in range(CHUNK // 16):
        ones_v[pl.ds(i * 16, 16)] = jnp.ones((16,), jnp.float32)
    pltpu.sync_copy(srcr.at[wid], src_v)
    pltpu.sync_copy(dstr.at[wid], dst_v)
    plsc.subcore_barrier()

    def step(j, carry):
        pltpu.sync_copy(ones_v, acc_o.at[src_v.at[j]], add=True)
        pltpu.sync_copy(ones_v, acc_i.at[dst_v.at[j]], add=True)
        return carry

    lax.fori_loop(0, NCHUNK, step, 0)
    plsc.subcore_barrier()
    pltpu.sync_copy(acc_o.at[pl.ds(s * ROWS_PER_TILE, ROWS_PER_TILE)],
                    out_hbm.at[0, c, pl.ds(s * ROWS_PER_TILE, ROWS_PER_TILE)])
    pltpu.sync_copy(acc_i.at[pl.ds(s * ROWS_PER_TILE, ROWS_PER_TILE)],
                    out_hbm.at[1, c, pl.ds(s * ROWS_PER_TILE, ROWS_PER_TILE)])


@functools.lru_cache(maxsize=None)
def _deg_kernel():
    return pl.kernel(
        _deg_body,
        out_type=jax.ShapeDtypeStruct((2, 2, NPAD), jnp.float32),
        mesh=_mesh(),
        scratch_types=[
            pltpu.VMEM((NCHUNK, CHUNK), jnp.int32),
            pltpu.VMEM((NCHUNK, CHUNK), jnp.int32),
            pltpu.VMEM((CHUNK,), jnp.float32),
            pltpu.VMEM_SHARED((NPAD,), jnp.float32),
            pltpu.VMEM_SHARED((NPAD,), jnp.float32),
        ],
    )


def _agg_body(table, srcr, dstr, zeros2, out_hbm,
              src_v, dst_v, rows_v, acc, sem):
    c = lax.axis_index("c")
    s = lax.axis_index("s")
    wid = s * 2 + c
    pltpu.sync_copy(zeros2.at[pl.ds(s * ROWS_PER_TILE, ROWS_PER_TILE)],
                    acc.at[pl.ds(s * ROWS_PER_TILE, ROWS_PER_TILE)])
    pltpu.sync_copy(srcr.at[wid], src_v)
    pltpu.sync_copy(dstr.at[wid], dst_v)
    plsc.subcore_barrier()

    def step(j, carry):
        pltpu.async_copy(table.at[src_v.at[j]], rows_v, sem).wait()
        pltpu.sync_copy(rows_v, acc.at[dst_v.at[j]], add=True)
        return carry

    lax.fori_loop(0, NCHUNK, step, 0)
    plsc.subcore_barrier()
    pltpu.sync_copy(acc.at[pl.ds(s * ROWS_PER_TILE, ROWS_PER_TILE)],
                    out_hbm.at[c, pl.ds(s * ROWS_PER_TILE, ROWS_PER_TILE)])


@functools.lru_cache(maxsize=None)
def _agg_kernel():
    return pl.kernel(
        _agg_body,
        out_type=jax.ShapeDtypeStruct((2, NPAD, 128), jnp.float32),
        mesh=_mesh(),
        scratch_types=[
            pltpu.VMEM((NCHUNK, CHUNK), jnp.int32),
            pltpu.VMEM((NCHUNK, CHUNK), jnp.int32),
            pltpu.VMEM((CHUNK, 128), jnp.float32),
            pltpu.VMEM_SHARED((NPAD, 128), jnp.float32),
            pltpu.SemaphoreType.DMA,
        ],
    )


def _proj_body(t1, t2, idx1r, idx2r, o1, o2, i1_v, i2_v, rows_v, sem):
    c = lax.axis_index("c")
    s = lax.axis_index("s")
    wid = s * 2 + c
    pltpu.sync_copy(idx1r.at[wid], i1_v)
    pltpu.sync_copy(idx2r.at[wid], i2_v)
    for j in range(4):
        pltpu.async_copy(t1.at[i1_v.at[j]], rows_v, sem).wait()
        pltpu.sync_copy(rows_v, o1.at[pl.ds(wid * 320 + j * CHUNK, CHUNK)])
        pltpu.async_copy(t2.at[i2_v.at[j]], rows_v, sem).wait()
        pltpu.sync_copy(rows_v, o2.at[pl.ds(wid * 320 + j * CHUNK, CHUNK)])


@functools.lru_cache(maxsize=None)
def _proj_kernel():
    return pl.kernel(
        _proj_body,
        out_type=[jax.ShapeDtypeStruct((NPAD, 128), jnp.float32),
                  jax.ShapeDtypeStruct((NPAD, 128), jnp.float32)],
        mesh=_mesh(),
        scratch_types=[
            pltpu.VMEM((4, CHUNK), jnp.int32),
            pltpu.VMEM((4, CHUNK), jnp.int32),
            pltpu.VMEM((CHUNK, 128), jnp.float32),
            pltpu.SemaphoreType.DMA,
        ],
    )


R = 1024


def _t0_body(degp_ref, feats_ref, xs_ref, rs_ref):
    d_out = degp_ref[0, 0] + degp_ref[0, 1]
    d_in = degp_ref[1, 0] + degp_ref[1, 1]
    rs_out = lax.rsqrt(jnp.maximum(d_out, 1.0))
    rs_in = lax.rsqrt(jnp.maximum(d_in, 1.0))
    xs_ref[...] = feats_ref[...] * rs_out[:, None]
    rs_ref[0, :] = rs_out
    rs_ref[1, :] = rs_in


def _t0(degp, feats):
    return pl.pallas_call(
        _t0_body,
        grid=(10,),
        in_specs=[
            pl.BlockSpec((2, 2, R), lambda i: (0, 0, i)),
            pl.BlockSpec((R, 128), lambda i: (i, 0)),
        ],
        out_specs=[
            pl.BlockSpec((R, 128), lambda i: (i, 0)),
            pl.BlockSpec((2, R), lambda i: (0, i)),
        ],
        out_shape=[jax.ShapeDtypeStruct((NPAD, 128), jnp.float32),
                   jax.ShapeDtypeStruct((2, NPAD), jnp.float32)],
    )(degp, feats)


def _t1_body(aggp_ref, rs_ref, w1_ref, b1_ref, ha_ref, hb_ref):
    a = (aggp_ref[0] + aggp_ref[1]) * rs_ref[1, :][:, None]
    h = jnp.dot(a, w1_ref[...], preferred_element_type=jnp.float32)
    h = jnp.maximum(h + b1_ref[...], 0.0) * rs_ref[0, :][:, None]
    ha_ref[...] = h[:, :128]
    hb_ref[...] = h[:, 128:]


def _t1(aggp, rs, W1, b1):
    return pl.pallas_call(
        _t1_body,
        grid=(10,),
        in_specs=[
            pl.BlockSpec((2, R, 128), lambda i: (0, i, 0)),
            pl.BlockSpec((2, R), lambda i: (0, i)),
            pl.BlockSpec((128, 256), lambda i: (0, 0)),
            pl.BlockSpec((1, 256), lambda i: (0, 0)),
        ],
        out_specs=[
            pl.BlockSpec((R, 128), lambda i: (i, 0)),
            pl.BlockSpec((R, 128), lambda i: (i, 0)),
        ],
        out_shape=[jax.ShapeDtypeStruct((NPAD, 128), jnp.float32),
                   jax.ShapeDtypeStruct((NPAD, 128), jnp.float32)],
    )(aggp, rs, W1, b1)


def _knorm_body(cb_ref, w1_ref, b1_ref, w2_ref, b2_ref, cbn_ref, tab_ref):
    cb = cb_ref[...]
    nrm = jnp.sqrt(jnp.sum(cb * cb, axis=1, keepdims=True))
    cbn = cb / (nrm + 1e-12)
    cbn_ref[...] = cbn
    t = jnp.dot(cbn, w1_ref[...], preferred_element_type=jnp.float32)
    t = jnp.maximum(t + b1_ref[...], 0.0)
    t = jnp.dot(t, w2_ref[...], preferred_element_type=jnp.float32)
    CB = t.shape[0]
    tab_ref[...] = jnp.concatenate(
        [t + b2_ref[...], jnp.zeros((CB, 64), jnp.float32)], axis=1)


def _knorm(cb, w1, b1, w2, b2):
    CB = cb.shape[0]
    return pl.pallas_call(
        _knorm_body,
        grid=(1,),
        in_specs=[
            pl.BlockSpec((CB, 256), lambda i: (0, 0)),
            pl.BlockSpec((256, 128), lambda i: (0, 0)),
            pl.BlockSpec((1, 128), lambda i: (0, 0)),
            pl.BlockSpec((128, 64), lambda i: (0, 0)),
            pl.BlockSpec((1, 64), lambda i: (0, 0)),
        ],
        out_specs=[
            pl.BlockSpec((CB, 256), lambda i: (0, 0)),
            pl.BlockSpec((CB, 128), lambda i: (0, 0)),
        ],
        out_shape=[jax.ShapeDtypeStruct((CB, 256), jnp.float32),
                   jax.ShapeDtypeStruct((CB, 128), jnp.float32)],
    )(cb, w1, b1, w2, b2)


def _argmax_rows(s):
    m = jnp.max(s, axis=1)
    ii = lax.broadcasted_iota(jnp.int32, s.shape, 1)
    idx = jnp.min(jnp.where(s == m[:, None], ii, jnp.int32(2**30)), axis=1)
    return m, idx


def _t2_body(aa_ref, ab_ref, rs_ref, w2_ref, b2_ref, c1t_ref, c2t_ref,
             i1_ref, i2_ref, sums_ref):
    i = pl.program_id(0)
    a = jnp.concatenate([aa_ref[0] + aa_ref[1], ab_ref[0] + ab_ref[1]],
                        axis=1) * rs_ref[1, :][:, None]
    h = jnp.dot(a, w2_ref[...], preferred_element_type=jnp.float32)
    h = h + b2_ref[...]
    nrm2 = jnp.sum(h * h, axis=1, keepdims=True)
    nrm = jnp.sqrt(nrm2) + 1e-12
    hn = h / nrm
    s1 = jnp.dot(hn, c1t_ref[...], preferred_element_type=jnp.float32)
    s2 = jnp.dot(hn, c2t_ref[...], preferred_element_type=jnp.float32)
    m1, idx1 = _argmax_rows(s1)
    m2, idx2 = _argmax_rows(s2)
    i1_ref[...] = idx1.reshape(1, 1, R)
    i2_ref[...] = idx2.reshape(1, 1, R)
    valid = (i * R + lax.broadcasted_iota(jnp.int32, (R, 1), 0)) < N
    p0 = jnp.sum(jnp.where(valid, nrm2, 0.0)).reshape(1, 1)
    p1 = jnp.sum(jnp.where(valid, m1[:, None] * nrm, 0.0)).reshape(1, 1)
    p2 = jnp.sum(jnp.where(valid, m2[:, None] * nrm, 0.0)).reshape(1, 1)
    vals = jnp.concatenate([p0, p1, p2, jnp.zeros((1, 125), jnp.float32)],
                           axis=1)

    @pl.when(i == 0)
    def _():
        sums_ref[...] = jnp.zeros((1, 128), jnp.float32)

    sums_ref[...] += vals


def _t2(a2a, a2b, rs, W2, b2, c1t, c2t):
    return pl.pallas_call(
        _t2_body,
        grid=(10,),
        in_specs=[
            pl.BlockSpec((2, R, 128), lambda i: (0, i, 0)),
            pl.BlockSpec((2, R, 128), lambda i: (0, i, 0)),
            pl.BlockSpec((2, R), lambda i: (0, i)),
            pl.BlockSpec((256, 256), lambda i: (0, 0)),
            pl.BlockSpec((1, 256), lambda i: (0, 0)),
            pl.BlockSpec((256, 512), lambda i: (0, 0)),
            pl.BlockSpec((256, 1024), lambda i: (0, 0)),
        ],
        out_specs=[
            pl.BlockSpec((1, 1, R), lambda i: (i, 0, 0)),
            pl.BlockSpec((1, 1, R), lambda i: (i, 0, 0)),
            pl.BlockSpec((1, 128), lambda i: (0, 0)),
        ],
        out_shape=[jax.ShapeDtypeStruct((10, 1, R), jnp.int32),
                   jax.ShapeDtypeStruct((10, 1, R), jnp.int32),
                   jax.ShapeDtypeStruct((1, 128), jnp.float32)],
    )(a2a, a2b, rs, W2, b2, c1t, c2t)


def _pad_rows(x):
    return jnp.concatenate(
        [x, jnp.zeros((NPAD - N,) + x.shape[1:], x.dtype)], axis=0)


def kernel(feats, edge_index, W1, b1, W2, b2, cb1, cb2,
           p1w1, p1b1, p1w2, p1b2, p2w1, p2b1, p2w2, p2b2):
    order = jnp.argsort(edge_index[1], stable=True).astype(jnp.int32)
    srcr = edge_index[0][order].reshape(NW, NCHUNK, CHUNK)
    dstr = edge_index[1][order].reshape(NW, NCHUNK, CHUNK)
    zeros1 = jnp.zeros((NPAD,), jnp.float32)
    zeros2 = jnp.zeros((NPAD, 128), jnp.float32)

    degp = _deg_kernel()(srcr, dstr, zeros1)
    xs, rs = _t0(degp, _pad_rows(feats))

    agg1p = _agg_kernel()(xs, srcr, dstr, zeros2)
    h1a, h1b = _t1(agg1p, rs, W1, b1.reshape(1, 256))

    a2a = _agg_kernel()(h1a, srcr, dstr, zeros2)
    a2b = _agg_kernel()(h1b, srcr, dstr, zeros2)

    cbn1, tab1 = _knorm(cb1, p1w1, p1b1.reshape(1, 128),
                        p1w2, p1b2.reshape(1, 64))
    cbn2, tab2 = _knorm(cb2, p2w1, p2b1.reshape(1, 128),
                        p2w2, p2b2.reshape(1, 64))

    idx1, idx2, sums = _t2(a2a, a2b, rs, W2, b2.reshape(1, 256),
                           cbn1.T, cbn2.T)
    i1r = idx1.reshape(NW, 4, CHUNK)
    i2r = idx2.reshape(NW, 4, CHUNK)

    o1, o2 = _proj_kernel()(tab1, tab2, i1r, i2r)
    proj1 = o1[:N, :64]
    proj2 = o2[:N, :64]

    scale = 0.25 / (N * 256)
    c1 = scale * (N - 2.0 * sums[0, 1] + sums[0, 0])
    c2 = scale * (N - 2.0 * sums[0, 2] + sums[0, 0])
    return (proj1, proj2, c1, c2)

# --- scband reference (transcript-rebuilt; emitter-appended) ---
"""Pipeline reference for scband-dual-vqgnn-16724602651150 (READ-ONLY COPY).

The authoritative reference and input builder live on the scoring server;
editing this copy changes nothing except your own understanding.
"""

import jax, jax.numpy as jnp
import numpy as np

N = 10000
E = 320000
D_IN = 128
D_HID = 256
D_OUT = 256
VQ_DIM = 256
CB1 = 512
CB2 = 1024
PH_H = 128
PH_O = 64
COMMIT_W = 0.25


def setup_inputs(seed: int = 0) -> dict:
    key = jax.random.key(seed)
    ks = jax.random.split(key, 20)
    feats = jax.random.normal(ks[0], (N, D_IN), jnp.float32)
    edge_index = jax.random.randint(ks[1], (2, E), 0, N, dtype=jnp.int32)
    W1 = jax.random.normal(ks[2], (D_IN, D_HID), jnp.float32) / np.sqrt(D_IN)
    b1 = jnp.zeros((D_HID,), jnp.float32)
    W2 = jax.random.normal(ks[3], (D_HID, D_OUT), jnp.float32) / np.sqrt(D_HID)
    b2 = jnp.zeros((D_OUT,), jnp.float32)
    cb1 = jax.random.normal(ks[4], (CB1, VQ_DIM), jnp.float32)
    cb2 = jax.random.normal(ks[5], (CB2, VQ_DIM), jnp.float32)
    p1w1 = jax.random.normal(ks[6], (VQ_DIM, PH_H), jnp.float32) / np.sqrt(VQ_DIM)
    p1b1 = jnp.zeros((PH_H,), jnp.float32)
    p1w2 = jax.random.normal(ks[7], (PH_H, PH_O), jnp.float32) / np.sqrt(PH_H)
    p1b2 = jnp.zeros((PH_O,), jnp.float32)
    p2w1 = jax.random.normal(ks[8], (VQ_DIM, PH_H), jnp.float32) / np.sqrt(VQ_DIM)
    p2b1 = jnp.zeros((PH_H,), jnp.float32)
    p2w2 = jax.random.normal(ks[9], (PH_H, PH_O), jnp.float32) / np.sqrt(PH_H)
    p2b2 = jnp.zeros((PH_O,), jnp.float32)
    return {"feats": feats, "edge_index": edge_index, "W1": W1, "b1": b1,
            "W2": W2, "b2": b2, "cb1": cb1, "cb2": cb2,
            "p1w1": p1w1, "p1b1": p1b1, "p1w2": p1w2, "p1b2": p1b2,
            "p2w1": p2w1, "p2b1": p2b1, "p2w2": p2w2, "p2b2": p2b2}


def _l2norm(t):
    return t / (jnp.linalg.norm(t, axis=-1, keepdims=True) + 1e-12)


def _graph_conv(x, src, dst, W, b):
    # DGL GraphConv norm='both': D_out^{-1/2} on src side, sum-aggregate, D_in^{-1/2} on dst side
    deg_out = jnp.clip(jnp.bincount(src, length=N).astype(x.dtype), 1.0)
    deg_in = jnp.clip(jnp.bincount(dst, length=N).astype(x.dtype), 1.0)
    h = x * (deg_out ** -0.5)[:, None]
    msg = jnp.take(h, src, axis=0)
    agg = jax.ops.segment_sum(msg, dst, num_segments=N)
    agg = agg * (deg_in ** -0.5)[:, None]
    return agg @ W + b


def _vq(h, codebook):
    hn = _l2norm(h)
    cbn = _l2norm(codebook)
    sim = hn @ cbn.T
    idx = jnp.argmax(sim, axis=-1)
    q = jnp.take(cbn, idx, axis=0)
    commit = COMMIT_W * jnp.mean((jax.lax.stop_gradient(q) - h) ** 2)
    q_st = h + jax.lax.stop_gradient(q - h)
    return q_st, idx, commit


def reference(feats, edge_index, W1, b1, W2, b2, cb1, cb2,
              p1w1, p1b1, p1w2, p1b2, p2w1, p2b1, p2w2, p2b2):
    src = edge_index[0]
    dst = edge_index[1]
    h = _graph_conv(feats, src, dst, W1, b1)
    h = jax.nn.relu(h)
    # dropout_ratio = 0.0 -> identity
    h = _graph_conv(h, src, dst, W2, b2)
    q1, _, c1 = _vq(h, cb1)
    q2, _, c2 = _vq(h, cb2)
    proj1 = jax.nn.relu(q1 @ p1w1 + p1b1) @ p1w2 + p1b2
    proj2 = jax.nn.relu(q2 @ p2w1 + p2b1) @ p2w2 + p2b2
    return (proj1, proj2, c1, c2)

if __name__ == "__main__":
    import jax
    _d = setup_inputs()
    print(jax.jit(kernel)(*tuple(_d.values())))

</pallas_src>

<mosaic_0001>
#map = affine_map<(d0, d1) -> (0, 0, 0)>
#map1 = affine_map<(d0, d1) -> (0)>
module attributes {stable_mosaic.version = 14 : i64} {
  func.func @_deg_body(%arg0: i32, %arg1: i32, %arg2: memref<32x125x80xi32, #tpu.memory_space<hbm>>, %arg3: memref<32x125x80xi32, #tpu.memory_space<hbm>>, %arg4: memref<10240xf32, #tpu.memory_space<hbm>>, %arg5: memref<2x2x10240xf32, #tpu.memory_space<hbm>>, %arg6: memref<125x80xi32, #tpu.memory_space<vmem>>, %arg7: memref<125x80xi32, #tpu.memory_space<vmem>>, %arg8: memref<80xf32, #tpu.memory_space<vmem>>, %arg9: memref<10240xf32, #tpu.memory_space<vmem_shared>>, %arg10: memref<10240xf32, #tpu.memory_space<vmem_shared>>) attributes {dimension_semantics = [#tpu.dimension_semantics<core_parallel>, #tpu.dimension_semantics<subcore_parallel>], iteration_bounds = array<i64: 2, 16>, scalar_prefetch = 0 : i64, scratch_operands = 5 : i64, tpu.core_type = #tpu.core_type<sc_vector_subcore>, window_params = [{transform_indices = #map}, {transform_indices = #map}, {transform_indices = #map1}, {transform_indices = #map}]} {
    %mul3A = arith.constant 2 : i32
    %mul3A_0 = arith.muli %arg1, %mul3A : i32
    %add3A = arith.addi %mul3A_0, %arg0 : i32
    %mul3A_1 = arith.constant 640 : i32
    %mul3A_2 = arith.muli %arg1, %mul3A_1 : i32
    %mul3A_3 = arith.constant 640 : i32
    %mul3A_4 = arith.muli %arg1, %mul3A_3 : i32
    "tpu.region"() ({
      %run_scoped3A_52 = tpu.sem_alloc : memref<!tpu.dma_semaphore, #tpu.memory_space<semaphore_mem>>
      %dma_start3A = tpu.memref_slice %arg9[%mul3A_4] : memref<10240xf32, #tpu.memory_space<vmem_shared>> -> memref<640xf32, #tpu.memory_space<vmem_shared>>
      %dma_start3A_53 = tpu.memref_slice %arg4[%mul3A_2] : memref<10240xf32, #tpu.memory_space<hbm>> -> memref<640xf32, #tpu.memory_space<hbm>>
      tpu.enqueue_dma source(%dma_start3A_53 : memref<640xf32, #tpu.memory_space<hbm>>) target(%dma_start3A : memref<640xf32, #tpu.memory_space<vmem_shared>>) target_semaphore(%run_scoped3A_52 : memref<!tpu.dma_semaphore, #tpu.memory_space<semaphore_mem>>)
      %dma_wait3A = tpu.memref_slice %arg9[%mul3A_4] : memref<10240xf32, #tpu.memory_space<vmem_shared>> -> memref<640xf32, #tpu.memory_space<vmem_shared>>
      %dma_wait3A_54 = tpu.memref_slice %arg4[%mul3A_2] : memref<10240xf32, #tpu.memory_space<hbm>> -> memref<640xf32, #tpu.memory_space<hbm>>
      tpu.wait_dma2 semaphore(%run_scoped3A_52 : memref<!tpu.dma_semaphore, #tpu.memory_space<semaphore_mem>>) src(%dma_wait3A_54 : memref<640xf32, #tpu.memory_space<hbm>>) dst(%dma_wait3A : memref<640xf32, #tpu.memory_space<vmem_shared>>)
      tpu.yield
    }) : () -> ()
    %mul3A_5 = arith.constant 640 : i32
    %mul3A_6 = arith.muli %arg1, %mul3A_5 : i32
    %mul3A_7 = arith.constant 640 : i32
    %mul3A_8 = arith.muli %arg1, %mul3A_7 : i32
    "tpu.region"() ({
      %run_scoped3A_52 = tpu.sem_alloc : memref<!tpu.dma_semaphore, #tpu.memory_space<semaphore_mem>>
      %dma_start3A = tpu.memref_slice %arg10[%mul3A_8] : memref<10240xf32, #tpu.memory_space<vmem_shared>> -> memref<640xf32, #tpu.memory_space<vmem_shared>>
      %dma_start3A_53 = tpu.memref_slice %arg4[%mul3A_6] : memref<10240xf32, #tpu.memory_space<hbm>> -> memref<640xf32, #tpu.memory_space<hbm>>
      tpu.enqueue_dma source(%dma_start3A_53 : memref<640xf32, #tpu.memory_space<hbm>>) target(%dma_start3A : memref<640xf32, #tpu.memory_space<vmem_shared>>) target_semaphore(%run_scoped3A_52 : memref<!tpu.dma_semaphore, #tpu.memory_space<semaphore_mem>>)
      %dma_wait3A = tpu.memref_slice %arg10[%mul3A_8] : memref<10240xf32, #tpu.memory_space<vmem_shared>> -> memref<640xf32, #tpu.memory_space<vmem_shared>>
      %dma_wait3A_54 = tpu.memref_slice %arg4[%mul3A_6] : memref<10240xf32, #tpu.memory_space<hbm>> -> memref<640xf32, #tpu.memory_space<hbm>>
      tpu.wait_dma2 semaphore(%run_scoped3A_52 : memref<!tpu.dma_semaphore, #tpu.memory_space<semaphore_mem>>) src(%dma_wait3A_54 : memref<640xf32, #tpu.memory_space<hbm>>) dst(%dma_wait3A : memref<640xf32, #tpu.memory_space<vmem_shared>>)
      tpu.yield
    }) : () -> ()
    %broadcast_in_dim3A = arith.constant 1.000000e+00 : f32
    %broadcast_in_dim3A_9 = vector.broadcast %broadcast_in_dim3A : f32 to vector<16xf32>
    %swap3A = arith.constant 0 : index
    %swap3A_10 = tpu.vector_load %arg8[%swap3A] {strides = array<i32>} : memref<80xf32, #tpu.memory_space<vmem>>, vector<16xf32>,
    %swap3A_11 = vector.shape_cast %swap3A_10 : vector<16xf32> to vector<16xf32>
    %swap3A_12 = vector.shape_cast %broadcast_in_dim3A_9 : vector<16xf32> to vector<16xf32>
    tpu.vector_store %arg8[%swap3A], %swap3A_12 {strides = array<i32>} : memref<80xf32, #tpu.memory_space<vmem>>, vector<16xf32>,
    %broadcast_in_dim3A_13 = arith.constant 1.000000e+00 : f32
    %broadcast_in_dim3A_14 = vector.broadcast %broadcast_in_dim3A_13 : f32 to vector<16xf32>
    %swap3A_15 = arith.constant 16 : index
    %swap3A_16 = tpu.vector_load %arg8[%swap3A_15] {strides = array<i32>} : memref<80xf32, #tpu.memory_space<vmem>>, vector<16xf32>,
    %swap3A_17 = vector.shape_cast %swap3A_16 : vector<16xf32> to vector<16xf32>
    %swap3A_18 = vector.shape_cast %broadcast_in_dim3A_14 : vector<16xf32> to vector<16xf32>
    tpu.vector_store %arg8[%swap3A_15], %swap3A_18 {strides = array<i32>} : memref<80xf32, #tpu.memory_space<vmem>>, vector<16xf32>,
    %broadcast_in_dim3A_19 = arith.constant 1.000000e+00 : f32
    %broadcast_in_dim3A_20 = vector.broadcast %broadcast_in_dim3A_19 : f32 to vector<16xf32>
    %swap3A_21 = arith.constant 32 : index
    %swap3A_22 = tpu.vector_load %arg8[%swap3A_21] {strides = array<i32>} : memref<80xf32, #tpu.memory_space<vmem>>, vector<16xf32>,
    %swap3A_23 = vector.shape_cast %swap3A_22 : vector<16xf32> to vector<16xf32>
    %swap3A_24 = vector.shape_cast %broadcast_in_dim3A_20 : vector<16xf32> to vector<16xf32>
    tpu.vector_store %arg8[%swap3A_21], %swap3A_24 {strides = array<i32>} : memref<80xf32, #tpu.memory_space<vmem>>, vector<16xf32>,
    %broadcast_in_dim3A_25 = arith.constant 1.000000e+00 : f32
    %broadcast_in_dim3A_26 = vector.broadcast %broadcast_in_dim3A_25 : f32 to vector<16xf32>
    %swap3A_27 = arith.constant 48 : index
    %swap3A_28 = tpu.vector_load %arg8[%swap3A_27] {strides = array<i32>} : memref<80xf32, #tpu.memory_space<vmem>>, vector<16xf32>,
    %swap3A_29 = vector.shape_cast %swap3A_28 : vector<16xf32> to vector<16xf32>
    %swap3A_30 = vector.shape_cast %broadcast_in_dim3A_26 : vector<16xf32> to vector<16xf32>
    tpu.vector_store %arg8[%swap3A_27], %swap3A_30 {strides = array<i32>} : memref<80xf32, #tpu.memory_space<vmem>>, vector<16xf32>,
    %broadcast_in_dim3A_31 = arith.constant 1.000000e+00 : f32
    %broadcast_in_dim3A_32 = vector.broadcast %broadcast_in_dim3A_31 : f32 to vector<16xf32>
    %swap3A_33 = arith.constant 64 : index
    %swap3A_34 = tpu.vector_load %arg8[%swap3A_33] {strides = array<i32>} : memref<80xf32, #tpu.memory_space<vmem>>, vector<16xf32>,
    %swap3A_35 = vector.shape_cast %swap3A_34 : vector<16xf32> to vector<16xf32>
    %swap3A_36 = vector.shape_cast %broadcast_in_dim3A_32 : vector<16xf32> to vector<16xf32>
    tpu.vector_store %arg8[%swap3A_33], %swap3A_36 {strides = array<i32>} : memref<80xf32, #tpu.memory_space<vmem>>, vector<16xf32>,
    "tpu.region"() ({
      %run_scoped3A_52 = tpu.sem_alloc : memref<!tpu.dma_semaphore, #tpu.memory_space<semaphore_mem>>
      %dma_start3A = arith.constant 0 : i32
      %dma_start3A_53 = arith.constant 0 : i32
      %dma_start3A_54 = tpu.memref_slice %arg2[%add3A, %dma_start3A, %dma_start3A_53] : memref<32x125x80xi32, #tpu.memory_space<hbm>> -> memref<1x125x80xi32, #tpu.memory_space<hbm>>
      %dma_start3A_55 = tpu.memref_squeeze %dma_start3A_54 : memref<1x125x80xi32, #tpu.memory_space<hbm>> -> memref<125x80xi32, #tpu.memory_space<hbm>>
      %dma_start3A_56 = arith.constant 0 : i32
      %dma_start3A_57 = arith.constant 0 : i32
      %dma_start3A_58 = tpu.memref_slice %arg2[%add3A, %dma_start3A_56, %dma_start3A_57] : memref<32x125x80xi32, #tpu.memory_space<hbm>> -> memref<1x125x80xi32, #tpu.memory_space<hbm>>
      %dma_start3A_59 = tpu.memref_squeeze %dma_start3A_58 : memref<1x125x80xi32, #tpu.memory_space<hbm>> -> memref<125x80xi32, #tpu.memory_space<hbm>>
      tpu.enqueue_dma source(%dma_start3A_59 : memref<125x80xi32, #tpu.memory_space<hbm>>) target(%arg6 : memref<125x80xi32, #tpu.memory_space<vmem>>) target_semaphore(%run_scoped3A_52 : memref<!tpu.dma_semaphore, #tpu.memory_space<semaphore_mem>>)
      %dma_wait3A = arith.constant 0 : i32
      %dma_wait3A_60 = arith.constant 0 : i32
      %dma_wait3A_61 = tpu.memref_slice %arg2[%add3A, %dma_wait3A, %dma_wait3A_60] : memref<32x125x80xi32, #tpu.memory_space<hbm>> -> memref<1x125x80xi32, #tpu.memory_space<hbm>>
      %dma_wait3A_62 = tpu.memref_squeeze %dma_wait3A_61 : memref<1x125x80xi32, #tpu.memory_space<hbm>> -> memref<125x80xi32, #tpu.memory_space<hbm>>
      %dma_wait3A_63 = arith.constant 0 : i32
      %dma_wait3A_64 = arith.constant 0 : i32
      %dma_wait3A_65 = tpu.memref_slice %arg2[%add3A, %dma_wait3A_63, %dma_wait3A_64] : memref<32x125x80xi32, #tpu.memory_space<hbm>> -> memref<1x125x80xi32, #tpu.memory_space<hbm>>
      %dma_wait3A_66 = tpu.memref_squeeze %dma_wait3A_65 : memref<1x125x80xi32, #tpu.memory_space<hbm>> -> memref<125x80xi32, #tpu.memory_space<hbm>>
      tpu.wait_dma2 semaphore(%run_scoped3A_52 : memref<!tpu.dma_semaphore, #tpu.memory_space<semaphore_mem>>) src(%dma_wait3A_66 : memref<125x80xi32, #tpu.memory_space<hbm>>) dst(%arg6 : memref<125x80xi32, #tpu.memory_space<vmem>>)
      tpu.yield
    }) : () -> ()
    "tpu.region"() ({
      %run_scoped3A_52 = tpu.sem_alloc : memref<!tpu.dma_semaphore, #tpu.memory_space<semaphore_mem>>
      %dma_start3A = arith.constant 0 : i32
      %dma_start3A_53 = arith.constant 0 : i32
      %dma_start3A_54 = tpu.memref_slice %arg3[%add3A, %dma_start3A, %dma_start3A_53] : memref<32x125x80xi32, #tpu.memory_space<hbm>> -> memref<1x125x80xi32, #tpu.memory_space<hbm>>
      %dma_start3A_55 = tpu.memref_squeeze %dma_start3A_54 : memref<1x125x80xi32, #tpu.memory_space<hbm>> -> memref<125x80xi32, #tpu.memory_space<hbm>>
      %dma_start3A_56 = arith.constant 0 : i32
      %dma_start3A_57 = arith.constant 0 : i32
      %dma_start3A_58 = tpu.memref_slice %arg3[%add3A, %dma_start3A_56, %dma_start3A_57] : memref<32x125x80xi32, #tpu.memory_space<hbm>> -> memref<1x125x80xi32, #tpu.memory_space<hbm>>
      %dma_start3A_59 = tpu.memref_squeeze %dma_start3A_58 : memref<1x125x80xi32, #tpu.memory_space<hbm>> -> memref<125x80xi32, #tpu.memory_space<hbm>>
      tpu.enqueue_dma source(%dma_start3A_59 : memref<125x80xi32, #tpu.memory_space<hbm>>) target(%arg7 : memref<125x80xi32, #tpu.memory_space<vmem>>) target_semaphore(%run_scoped3A_52 : memref<!tpu.dma_semaphore, #tpu.memory_space<semaphore_mem>>)
      %dma_wait3A = arith.constant 0 : i32
      %dma_wait3A_60 = arith.constant 0 : i32
      %dma_wait3A_61 = tpu.memref_slice %arg3[%add3A, %dma_wait3A, %dma_wait3A_60] : memref<32x125x80xi32, #tpu.memory_space<hbm>> -> memref<1x125x80xi32, #tpu.memory_space<hbm>>
      %dma_wait3A_62 = tpu.memref_squeeze %dma_wait3A_61 : memref<1x125x80xi32, #tpu.memory_space<hbm>> -> memref<125x80xi32, #tpu.memory_space<hbm>>
      %dma_wait3A_63 = arith.constant 0 : i32
      %dma_wait3A_64 = arith.constant 0 : i32
      %dma_wait3A_65 = tpu.memref_slice %arg3[%add3A, %dma_wait3A_63, %dma_wait3A_64] : memref<32x125x80xi32, #tpu.memory_space<hbm>> -> memref<1x125x80xi32, #tpu.memory_space<hbm>>
      %dma_wait3A_66 = tpu.memref_squeeze %dma_wait3A_65 : memref<1x125x80xi32, #tpu.memory_space<hbm>> -> memref<125x80xi32, #tpu.memory_space<hbm>>
      tpu.wait_dma2 semaphore(%run_scoped3A_52 : memref<!tpu.dma_semaphore, #tpu.memory_space<semaphore_mem>>) src(%dma_wait3A_66 : memref<125x80xi32, #tpu.memory_space<hbm>>) dst(%arg7 : memref<125x80xi32, #tpu.memory_space<vmem>>)
      tpu.yield
    }) : () -> ()
    %barrier3A = arith.constant 0 : index
    tpu.barrier barrier_id(%barrier3A)
    %scan3A = arith.constant 0 : i32
    %scan3A_37 = arith.constant 0 : i32
    %scan3A_38 = arith.constant 125 : i32
    %scan3A_39 = arith.addi %scan3A_37, %scan3A_38 : i32
    %scan3A_40 = arith.constant 1 : i32
    scf.for %scan3A_52 = %scan3A_37 to %scan3A_39 step %scan3A_40  : i32 {
      "tpu.region"() ({
        %run_scoped3A_53 = tpu.sem_alloc : memref<!tpu.dma_semaphore, #tpu.memory_space<semaphore_mem>>
        %dma_start3A = arith.constant 0 : i32
        %dma_start3A_54 = tpu.memref_slice %arg6[%scan3A_52, %dma_start3A] : memref<125x80xi32, #tpu.memory_space<vmem>> -> memref<1x80xi32, #tpu.memory_space<vmem>>
        %dma_start3A_55 = tpu.memref_squeeze %dma_start3A_54 : memref<1x80xi32, #tpu.memory_space<vmem>> -> memref<80xi32, #tpu.memory_space<vmem>>
        %dma_start3A_56 = arith.constant 0 : i32
        %dma_start3A_57 = tpu.memref_slice %arg9[%dma_start3A_56] : memref<10240xf32, #tpu.memory_space<vmem_shared>> -> memref<10240xf32, #tpu.memory_space<vmem_shared>>
        tpu.enqueue_indirect_dma source(%arg8 : memref<80xf32, #tpu.memory_space<vmem>>) target(%dma_start3A_57 : memref<10240xf32, #tpu.memory_space<vmem_shared>>) offsets(%dma_start3A_55 : memref<80xi32, #tpu.memory_space<vmem>>) semaphore(%run_scoped3A_53 : memref<!tpu.dma_semaphore, #tpu.memory_space<semaphore_mem>>) {add = true}
        %dma_wait3A = arith.constant 0 : i32
        %dma_wait3A_58 = tpu.memref_slice %arg6[%scan3A_52, %dma_wait3A] : memref<125x80xi32, #tpu.memory_space<vmem>> -> memref<1x80xi32, #tpu.memory_space<vmem>>
        %dma_wait3A_59 = tpu.memref_squeeze %dma_wait3A_58 : memref<1x80xi32, #tpu.memory_space<vmem>> -> memref<80xi32, #tpu.memory_space<vmem>>
        %dma_wait3A_60 = arith.constant 0 : i32
        %dma_wait3A_61 = tpu.memref_slice %arg9[%dma_wait3A_60] : memref<10240xf32, #tpu.memory_space<vmem_shared>> -> memref<10240xf32, #tpu.memory_space<vmem_shared>>
        tpu.wait_indirect_dma semaphore(%run_scoped3A_53 : memref<!tpu.dma_semaphore, #tpu.memory_space<semaphore_mem>>) src(%arg8 : memref<80xf32, #tpu.memory_space<vmem>>) dst(%dma_wait3A_61 : memref<10240xf32, #tpu.memory_space<vmem_shared>>)
        tpu.yield
      }) : () -> ()
      "tpu.region"() ({
        %run_scoped3A_53 = tpu.sem_alloc : memref<!tpu.dma_semaphore, #tpu.memory_space<semaphore_mem>>
        %dma_start3A = arith.constant 0 : i32
        %dma_start3A_54 = tpu.memref_slice %arg7[%scan3A_52, %dma_start3A] : memref<125x80xi32, #tpu.memory_space<vmem>> -> memref<1x80xi32, #tpu.memory_space<vmem>>
        %dma_start3A_55 = tpu.memref_squeeze %dma_start3A_54 : memref<1x80xi32, #tpu.memory_space<vmem>> -> memref<80xi32, #tpu.memory_space<vmem>>
        %dma_start3A_56 = arith.constant 0 : i32
        %dma_start3A_57 = tpu.memref_slice %arg10[%dma_start3A_56] : memref<10240xf32, #tpu.memory_space<vmem_shared>> -> memref<10240xf32, #tpu.memory_space<vmem_shared>>
        tpu.enqueue_indirect_dma source(%arg8 : memref<80xf32, #tpu.memory_space<vmem>>) target(%dma_start3A_57 : memref<10240xf32, #tpu.memory_space<vmem_shared>>) offsets(%dma_start3A_55 : memref<80xi32, #tpu.memory_space<vmem>>) semaphore(%run_scoped3A_53 : memref<!tpu.dma_semaphore, #tpu.memory_space<semaphore_mem>>) {add = true}
        %dma_wait3A = arith.constant 0 : i32
        %dma_wait3A_58 = tpu.memref_slice %arg7[%scan3A_52, %dma_wait3A] : memref<125x80xi32, #tpu.memory_space<vmem>> -> memref<1x80xi32, #tpu.memory_space<vmem>>
        %dma_wait3A_59 = tpu.memref_squeeze %dma_wait3A_58 : memref<1x80xi32, #tpu.memory_space<vmem>> -> memref<80xi32, #tpu.memory_space<vmem>>
        %dma_wait3A_60 = arith.constant 0 : i32
        %dma_wait3A_61 = tpu.memref_slice %arg10[%dma_wait3A_60] : memref<10240xf32, #tpu.memory_space<vmem_shared>> -> memref<10240xf32, #tpu.memory_space<vmem_shared>>
        tpu.wait_indirect_dma semaphore(%run_scoped3A_53 : memref<!tpu.dma_semaphore, #tpu.memory_space<semaphore_mem>>) src(%arg8 : memref<80xf32, #tpu.memory_space<vmem>>) dst(%dma_wait3A_61 : memref<10240xf32, #tpu.memory_space<vmem_shared>>)
        tpu.yield
      }) : () -> ()
    }
    %scan3A_41 = arith.constant 125 : i32
    %barrier3A_42 = arith.constant 0 : index
    tpu.barrier barrier_id(%barrier3A_42)
    %mul3A_43 = arith.constant 640 : i32
    %mul3A_44 = arith.muli %arg1, %mul3A_43 : i32
    %mul3A_45 = arith.constant 640 : i32
    %mul3A_46 = arith.muli %arg1, %mul3A_45 : i32
    %run_scoped3A = arith.constant 0 : i32
    "tpu.region"() ({
      %run_scoped3A_52 = tpu.sem_alloc : memref<!tpu.dma_semaphore, #tpu.memory_space<semaphore_mem>>
      %dma_start3A = tpu.memref_slice %arg5[%run_scoped3A, %arg0, %mul3A_46] : memref<2x2x10240xf32, #tpu.memory_space<hbm>> -> memref<1x1x640xf32, #tpu.memory_space<hbm>>
      %dma_start3A_53 = tpu.memref_squeeze %dma_start3A : memref<1x1x640xf32, #tpu.memory_space<hbm>> -> memref<640xf32, #tpu.memory_space<hbm>>
      %dma_start3A_54 = tpu.memref_slice %arg9[%mul3A_44] : memref<10240xf32, #tpu.memory_space<vmem_shared>> -> memref<640xf32, #tpu.memory_space<vmem_shared>>
      tpu.enqueue_dma source(%dma_start3A_54 : memref<640xf32, #tpu.memory_space<vmem_shared>>) target(%dma_start3A_53 : memref<640xf32, #tpu.memory_space<hbm>>) target_semaphore(%run_scoped3A_52 : memref<!tpu.dma_semaphore, #tpu.memory_space<semaphore_mem>>)
      %dma_wait3A = tpu.memref_slice %arg5[%run_scoped3A, %arg0, %mul3A_46] : memref<2x2x10240xf32, #tpu.memory_space<hbm>> -> memref<1x1x640xf32, #tpu.memory_space<hbm>>
      %dma_wait3A_55 = tpu.memref_squeeze %dma_wait3A : memref<1x1x640xf32, #tpu.memory_space<hbm>> -> memref<640xf32, #tpu.memory_space<hbm>>
      %dma_wait3A_56 = tpu.memref_slice %arg9[%mul3A_44] : memref<10240xf32, #tpu.memory_space<vmem_shared>> -> memref<640xf32, #tpu.memory_space<vmem_shared>>
      tpu.wait_dma2 semaphore(%run_scoped3A_52 : memref<!tpu.dma_semaphore, #tpu.memory_space<semaphore_mem>>) src(%dma_wait3A_56 : memref<640xf32, #tpu.memory_space<vmem_shared>>) dst(%dma_wait3A_55 : memref<640xf32, #tpu.memory_space<hbm>>)
      tpu.yield
    }) : () -> ()
    %mul3A_47 = arith.constant 640 : i32
    %mul3A_48 = arith.muli %arg1, %mul3A_47 : i32
    %mul3A_49 = arith.constant 640 : i32
    %mul3A_50 = arith.muli %arg1, %mul3A_49 : i32
    %run_scoped3A_51 = arith.constant 1 : i32
    "tpu.region"() ({
      %run_scoped3A_52 = tpu.sem_alloc : memref<!tpu.dma_semaphore, #tpu.memory_space<semaphore_mem>>
      %dma_start3A = tpu.memref_slice %arg5[%run_scoped3A_51, %arg0, %mul3A_50] : memref<2x2x10240xf32, #tpu.memory_space<hbm>> -> memref<1x1x640xf32, #tpu.memory_space<hbm>>
      %dma_start3A_53 = tpu.memref_squeeze %dma_start3A : memref<1x1x640xf32, #tpu.memory_space<hbm>> -> memref<640xf32, #tpu.memory_space<hbm>>
      %dma_start3A_54 = tpu.memref_slice %arg10[%mul3A_48] : memref<10240xf32, #tpu.memory_space<vmem_shared>> -> memref<640xf32, #tpu.memory_space<vmem_shared>>
      tpu.enqueue_dma source(%dma_start3A_54 : memref<640xf32, #tpu.memory_space<vmem_shared>>) target(%dma_start3A_53 : memref<640xf32, #tpu.memory_space<hbm>>) target_semaphore(%run_scoped3A_52 : memref<!tpu.dma_semaphore, #tpu.memory_space<semaphore_mem>>)
      %dma_wait3A = tpu.memref_slice %arg5[%run_scoped3A_51, %arg0, %mul3A_50] : memref<2x2x10240xf32, #tpu.memory_space<hbm>> -> memref<1x1x640xf32, #tpu.memory_space<hbm>>
      %dma_wait3A_55 = tpu.memref_squeeze %dma_wait3A : memref<1x1x640xf32, #tpu.memory_space<hbm>> -> memref<640xf32, #tpu.memory_space<hbm>>
      %dma_wait3A_56 = tpu.memref_slice %arg10[%mul3A_48] : memref<10240xf32, #tpu.memory_space<vmem_shared>> -> memref<640xf32, #tpu.memory_space<vmem_shared>>
      tpu.wait_dma2 semaphore(%run_scoped3A_52 : memref<!tpu.dma_semaphore, #tpu.memory_space<semaphore_mem>>) src(%dma_wait3A_56 : memref<640xf32, #tpu.memory_space<vmem_shared>>) dst(%dma_wait3A_55 : memref<640xf32, #tpu.memory_space<hbm>>)
      tpu.yield
    }) : () -> ()
    return
  }
}

#map = affine_map<(d0, d1) -> (0, 0)>
#map1 = affine_map<(d0, d1) -> (0, 0, 0)>
module attributes {stable_mosaic.version = 14 : i64} {
  func.func @_agg_body(%arg0: i32, %arg1: i32, %arg2: memref<10240x128xf32, #tpu.memory_space<hbm>>, %arg3: memref<32x125x80xi32, #tpu.memory_space<hbm>>, %arg4: memref<32x125x80xi32, #tpu.memory_space<hbm>>, %arg5: memref<10240x128xf32, #tpu.memory_space<hbm>>, %arg6: memref<2x10240x128xf32, #tpu.memory_space<hbm>>, %arg7: memref<125x80xi32, #tpu.memory_space<vmem>>, %arg8: memref<125x80xi32, #tpu.memory_space<vmem>>, %arg9: memref<80x128xf32, #tpu.memory_space<vmem>>, %arg10: memref<10240x128xf32, #tpu.memory_space<vmem_shared>>, %arg11: memref<!tpu.dma_semaphore, #tpu.memory_space<semaphore_mem>>) attributes {dimension_semantics = [#tpu.dimension_semantics<core_parallel>, #tpu.dimension_semantics<subcore_parallel>], iteration_bounds = array<i64: 2, 16>, scalar_prefetch = 0 : i64, scratch_operands = 5 : i64, tpu.core_type = #tpu.core_type<sc_vector_subcore>, window_params = [{transform_indices = #map}, {transform_indices = #map1}, {transform_indices = #map1}, {transform_indices = #map}, {transform_indices = #map1}]} {
    %mul3A = arith.constant 2 : i32
    %mul3A_0 = arith.muli %arg1, %mul3A : i32
    %add3A = arith.addi %mul3A_0, %arg0 : i32
    %mul3A_1 = arith.constant 640 : i32
    %mul3A_2 = arith.muli %arg1, %mul3A_1 : i32
    %mul3A_3 = arith.constant 640 : i32
    %mul3A_4 = arith.muli %arg1, %mul3A_3 : i32
    "tpu.region"() ({
      %run_scoped3A = tpu.sem_alloc : memref<!tpu.dma_semaphore, #tpu.memory_space<semaphore_mem>>
      %dma_start3A = arith.constant 0 : i32
      %dma_start3A_15 = tpu.memref_slice %arg10[%mul3A_4, %dma_start3A] : memref<10240x128xf32, #tpu.memory_space<vmem_shared>> -> memref<640x128xf32, #tpu.memory_space<vmem_shared>>
      %dma_start3A_16 = arith.constant 0 : i32
      %dma_start3A_17 = tpu.memref_slice %arg5[%mul3A_2, %dma_start3A_16] : memref<10240x128xf32, #tpu.memory_space<hbm>> -> memref<640x128xf32, #tpu.memory_space<hbm>>
      tpu.enqueue_dma source(%dma_start3A_17 : memref<640x128xf32, #tpu.memory_space<hbm>>) target(%dma_start3A_15 : memref<640x128xf32, #tpu.memory_space<vmem_shared>>) target_semaphore(%run_scoped3A : memref<!tpu.dma_semaphore, #tpu.memory_space<semaphore_mem>>)
      %dma_wait3A = arith.constant 0 : i32
      %dma_wait3A_18 = tpu.memref_slice %arg10[%mul3A_4, %dma_wait3A] : memref<10240x128xf32, #tpu.memory_space<vmem_shared>> -> memref<640x128xf32, #tpu.memory_space<vmem_shared>>
      %dma_wait3A_19 = arith.constant 0 : i32
      %dma_wait3A_20 = tpu.memref_slice %arg5[%mul3A_2, %dma_wait3A_19] : memref<10240x128xf32, #tpu.memory_space<hbm>> -> memref<640x128xf32, #tpu.memory_space<hbm>>
      tpu.wait_dma2 semaphore(%run_scoped3A : memref<!tpu.dma_semaphore, #tpu.memory_space<semaphore_mem>>) src(%dma_wait3A_20 : memref<640x128xf32, #tpu.memory_space<hbm>>) dst(%dma_wait3A_18 : memref<640x128xf32, #tpu.memory_space<vmem_shared>>)
      tpu.yield
    }) : () -> ()
    "tpu.region"() ({
      %run_scoped3A = tpu.sem_alloc : memref<!tpu.dma_semaphore, #tpu.memory_space<semaphore_mem>>
      %dma_start3A = arith.constant 0 : i32
      %dma_start3A_15 = arith.constant 0 : i32
      %dma_start3A_16 = tpu.memref_slice %arg3[%add3A, %dma_start3A, %dma_start3A_15] : memref<32x125x80xi32, #tpu.memory_space<hbm>> -> memref<1x125x80xi32, #tpu.memory_space<hbm>>
      %dma_start3A_17 = tpu.memref_squeeze %dma_start3A_16 : memref<1x125x80xi32, #tpu.memory_space<hbm>> -> memref<125x80xi32, #tpu.memory_space<hbm>>
      %dma_start3A_18 = arith.constant 0 : i32
      %dma_start3A_19 = arith.constant 0 : i32
      %dma_start3A_20 = tpu.memref_slice %arg3[%add3A, %dma_start3A_18, %dma_start3A_19] : memref<32x125x80xi32, #tpu.memory_space<hbm>> -> memref<1x125x80xi32, #tpu.memory_space<hbm>>
      %dma_start3A_21 = tpu.memref_squeeze %dma_start3A_20 : memref<1x125x80xi32, #tpu.memory_space<hbm>> -> memref<125x80xi32, #tpu.memory_space<hbm>>
      tpu.enqueue_dma source(%dma_start3A_21 : memref<125x80xi32, #tpu.memory_space<hbm>>) target(%arg7 : memref<125x80xi32, #tpu.memory_space<vmem>>) target_semaphore(%run_scoped3A : memref<!tpu.dma_semaphore, #tpu.memory_space<semaphore_mem>>)
      %dma_wait3A = arith.constant 0 : i32
      %dma_wait3A_22 = arith.constant 0 : i32
      %dma_wait3A_23 = tpu.memref_slice %arg3[%add3A, %dma_wait3A, %dma_wait3A_22] : memref<32x125x80xi32, #tpu.memory_space<hbm>> -> memref<1x125x80xi32, #tpu.memory_space<hbm>>
      %dma_wait3A_24 = tpu.memref_squeeze %dma_wait3A_23 : memref<1x125x80xi32, #tpu.memory_space<hbm>> -> memref<125x80xi32, #tpu.memory_space<hbm>>
      %dma_wait3A_25 = arith.constant 0 : i32
      %dma_wait3A_26 = arith.constant 0 : i32
      %dma_wait3A_27 = tpu.memref_slice %arg3[%add3A, %dma_wait3A_25, %dma_wait3A_26] : memref<32x125x80xi32, #tpu.memory_space<hbm>> -> memref<1x125x80xi32, #tpu.memory_space<hbm>>
      %dma_wait3A_28 = tpu.memref_squeeze %dma_wait3A_27 : memref<1x125x80xi32, #tpu.memory_space<hbm>> -> memref<125x80xi32, #tpu.memory_space<hbm>>
      tpu.wait_dma2 semaphore(%run_scoped3A : memref<!tpu.dma_semaphore, #tpu.memory_space<semaphore_mem>>) src(%dma_wait3A_28 : memref<125x80xi32, #tpu.memory_space<hbm>>) dst(%arg7 : memref<125x80xi32, #tpu.memory_space<vmem>>)
      tpu.yield
    }) : () -> ()
    "tpu.region"() ({
      %run_scoped3A = tpu.sem_alloc : memref<!tpu.dma_semaphore, #tpu.memory_space<semaphore_mem>>
      %dma_start3A = arith.constant 0 : i32
      %dma_start3A_15 = arith.constant 0 : i32
      %dma_start3A_16 = tpu.memref_slice %arg4[%add3A, %dma_start3A, %dma_start3A_15] : memref<32x125x80xi32, #tpu.memory_space<hbm>> -> memref<1x125x80xi32, #tpu.memory_space<hbm>>
      %dma_start3A_17 = tpu.memref_squeeze %dma_start3A_16 : memref<1x125x80xi32, #tpu.memory_space<hbm>> -> memref<125x80xi32, #tpu.memory_space<hbm>>
      %dma_start3A_18 = arith.constant 0 : i32
      %dma_start3A_19 = arith.constant 0 : i32
      %dma_start3A_20 = tpu.memref_slice %arg4[%add3A, %dma_start3A_18, %dma_start3A_19] : memref<32x125x80xi32, #tpu.memory_space<hbm>> -> memref<1x125x80xi32, #tpu.memory_space<hbm>>
      %dma_start3A_21 = tpu.memref_squeeze %dma_start3A_20 : memref<1x125x80xi32, #tpu.memory_space<hbm>> -> memref<125x80xi32, #tpu.memory_space<hbm>>
      tpu.enqueue_dma source(%dma_start3A_21 : memref<125x80xi32, #tpu.memory_space<hbm>>) target(%arg8 : memref<125x80xi32, #tpu.memory_space<vmem>>) target_semaphore(%run_scoped3A : memref<!tpu.dma_semaphore, #tpu.memory_space<semaphore_mem>>)
      %dma_wait3A = arith.constant 0 : i32
      %dma_wait3A_22 = arith.constant 0 : i32
      %dma_wait3A_23 = tpu.memref_slice %arg4[%add3A, %dma_wait3A, %dma_wait3A_22] : memref<32x125x80xi32, #tpu.memory_space<hbm>> -> memref<1x125x80xi32, #tpu.memory_space<hbm>>
      %dma_wait3A_24 = tpu.memref_squeeze %dma_wait3A_23 : memref<1x125x80xi32, #tpu.memory_space<hbm>> -> memref<125x80xi32, #tpu.memory_space<hbm>>
      %dma_wait3A_25 = arith.constant 0 : i32
      %dma_wait3A_26 = arith.constant 0 : i32
      %dma_wait3A_27 = tpu.memref_slice %arg4[%add3A, %dma_wait3A_25, %dma_wait3A_26] : memref<32x125x80xi32, #tpu.memory_space<hbm>> -> memref<1x125x80xi32, #tpu.memory_space<hbm>>
      %dma_wait3A_28 = tpu.memref_squeeze %dma_wait3A_27 : memref<1x125x80xi32, #tpu.memory_space<hbm>> -> memref<125x80xi32, #tpu.memory_space<hbm>>
      tpu.wait_dma2 semaphore(%run_scoped3A : memref<!tpu.dma_semaphore, #tpu.memory_space<semaphore_mem>>) src(%dma_wait3A_28 : memref<125x80xi32, #tpu.memory_space<hbm>>) dst(%arg8 : memref<125x80xi32, #tpu.memory_space<vmem>>)
      tpu.yield
    }) : () -> ()
    %barrier3A = arith.constant 0 : index
    tpu.barrier barrier_id(%barrier3A)
    %scan3A = arith.constant 0 : i32
    %scan3A_5 = arith.constant 0 : i32
    %scan3A_6 = arith.constant 125 : i32
    %scan3A_7 = arith.addi %scan3A_5, %scan3A_6 : i32
    %scan3A_8 = arith.constant 1 : i32
    scf.for %scan3A_15 = %scan3A_5 to %scan3A_7 step %scan3A_8  : i32 {
      %dma_start3A = arith.constant 0 : i32
      %dma_start3A_16 = tpu.memref_slice %arg7[%scan3A_15, %dma_start3A] : memref<125x80xi32, #tpu.memory_space<vmem>> -> memref<1x80xi32, #tpu.memory_space<vmem>>
      %dma_start3A_17 = tpu.memref_squeeze %dma_start3A_16 : memref<1x80xi32, #tpu.memory_space<vmem>> -> memref<80xi32, #tpu.memory_space<vmem>>
      %dma_start3A_18 = arith.constant 0 : i32
      %dma_start3A_19 = arith.constant 0 : i32
      %dma_start3A_20 = tpu.memref_slice %arg2[%dma_start3A_18, %dma_start3A_19] : memref<10240x128xf32, #tpu.memory_space<hbm>> -> memref<10240x128xf32, #tpu.memory_space<hbm>>
      tpu.enqueue_indirect_dma source(%dma_start3A_20 : memref<10240x128xf32, #tpu.memory_space<hbm>>) target(%arg9 : memref<80x128xf32, #tpu.memory_space<vmem>>) offsets(%dma_start3A_17 : memref<80xi32, #tpu.memory_space<vmem>>) semaphore(%arg11 : memref<!tpu.dma_semaphore, #tpu.memory_space<semaphore_mem>>)
      %dma_wait3A = arith.constant 0 : i32
      %dma_wait3A_21 = tpu.memref_slice %arg7[%scan3A_15, %dma_wait3A] : memref<125x80xi32, #tpu.memory_space<vmem>> -> memref<1x80xi32, #tpu.memory_space<vmem>>
      %dma_wait3A_22 = tpu.memref_squeeze %dma_wait3A_21 : memref<1x80xi32, #tpu.memory_space<vmem>> -> memref<80xi32, #tpu.memory_space<vmem>>
      %dma_wait3A_23 = arith.constant 0 : i32
      %dma_wait3A_24 = arith.constant 0 : i32
      %dma_wait3A_25 = tpu.memref_slice %arg2[%dma_wait3A_23, %dma_wait3A_24] : memref<10240x128xf32, #tpu.memory_space<hbm>> -> memref<10240x128xf32, #tpu.memory_space<hbm>>
      tpu.wait_indirect_dma semaphore(%arg11 : memref<!tpu.dma_semaphore, #tpu.memory_space<semaphore_mem>>) src(%dma_wait3A_25 : memref<10240x128xf32, #tpu.memory_space<hbm>>) dst(%arg9 : memref<80x128xf32, #tpu.memory_space<vmem>>)
      "tpu.region"() ({
        %run_scoped3A = tpu.sem_alloc : memref<!tpu.dma_semaphore, #tpu.memory_space<semaphore_mem>>
        %dma_start3A_26 = arith.constant 0 : i32
        %dma_start3A_27 = tpu.memref_slice %arg8[%scan3A_15, %dma_start3A_26] : memref<125x80xi32, #tpu.memory_space<vmem>> -> memref<1x80xi32, #tpu.memory_space<vmem>>
        %dma_start3A_28 = tpu.memref_squeeze %dma_start3A_27 : memref<1x80xi32, #tpu.memory_space<vmem>> -> memref<80xi32, #tpu.memory_space<vmem>>
        %dma_start3A_29 = arith.constant 0 : i32
        %dma_start3A_30 = arith.constant 0 : i32
        %dma_start3A_31 = tpu.memref_slice %arg10[%dma_start3A_29, %dma_start3A_30] : memref<10240x128xf32, #tpu.memory_space<vmem_shared>> -> memref<10240x128xf32, #tpu.memory_space<vmem_shared>>
        tpu.enqueue_indirect_dma source(%arg9 : memref<80x128xf32, #tpu.memory_space<vmem>>) target(%dma_start3A_31 : memref<10240x128xf32, #tpu.memory_space<vmem_shared>>) offsets(%dma_start3A_28 : memref<80xi32, #tpu.memory_space<vmem>>) semaphore(%run_scoped3A : memref<!tpu.dma_semaphore, #tpu.memory_space<semaphore_mem>>) {add = true}
        %dma_wait3A_32 = arith.constant 0 : i32
        %dma_wait3A_33 = tpu.memref_slice %arg8[%scan3A_15, %dma_wait3A_32] : memref<125x80xi32, #tpu.memory_space<vmem>> -> memref<1x80xi32, #tpu.memory_space<vmem>>
        %dma_wait3A_34 = tpu.memref_squeeze %dma_wait3A_33 : memref<1x80xi32, #tpu.memory_space<vmem>> -> memref<80xi32, #tpu.memory_space<vmem>>
        %dma_wait3A_35 = arith.constant 0 : i32
        %dma_wait3A_36 = arith.constant 0 : i32
        %dma_wait3A_37 = tpu.memref_slice %arg10[%dma_wait3A_35, %dma_wait3A_36] : memref<10240x128xf32, #tpu.memory_space<vmem_shared>> -> memref<10240x128xf32, #tpu.memory_space<vmem_shared>>
        tpu.wait_indirect_dma semaphore(%run_scoped3A : memref<!tpu.dma_semaphore, #tpu.memory_space<semaphore_mem>>) src(%arg9 : memref<80x128xf32, #tpu.memory_space<vmem>>) dst(%dma_wait3A_37 : memref<10240x128xf32, #tpu.memory_space<vmem_shared>>)
        tpu.yield
      }) : () -> ()
    }
    %scan3A_9 = arith.constant 125 : i32
    %barrier3A_10 = arith.constant 0 : index
    tpu.barrier barrier_id(%barrier3A_10)
    %mul3A_11 = arith.constant 640 : i32
    %mul3A_12 = arith.muli %arg1, %mul3A_11 : i32
    %mul3A_13 = arith.constant 640 : i32
    %mul3A_14 = arith.muli %arg1, %mul3A_13 : i32
    "tpu.region"() ({
      %run_scoped3A = tpu.sem_alloc : memref<!tpu.dma_semaphore, #tpu.memory_space<semaphore_mem>>
      %dma_start3A = arith.constant 0 : i32
      %dma_start3A_15 = tpu.memref_slice %arg6[%arg0, %mul3A_14, %dma_start3A] : memref<2x10240x128xf32, #tpu.memory_space<hbm>> -> memref<1x640x128xf32, #tpu.memory_space<hbm>>
      %dma_start3A_16 = tpu.memref_squeeze %dma_start3A_15 : memref<1x640x128xf32, #tpu.memory_space<hbm>> -> memref<640x128xf32, #tpu.memory_space<hbm>>
      %dma_start3A_17 = arith.constant 0 : i32
      %dma_start3A_18 = tpu.memref_slice %arg10[%mul3A_12, %dma_start3A_17] : memref<10240x128xf32, #tpu.memory_space<vmem_shared>> -> memref<640x128xf32, #tpu.memory_space<vmem_shared>>
      tpu.enqueue_dma source(%dma_start3A_18 : memref<640x128xf32, #tpu.memory_space<vmem_shared>>) target(%dma_start3A_16 : memref<640x128xf32, #tpu.memory_space<hbm>>) target_semaphore(%run_scoped3A : memref<!tpu.dma_semaphore, #tpu.memory_space<semaphore_mem>>)
      %dma_wait3A = arith.constant 0 : i32
      %dma_wait3A_19 = tpu.memref_slice %arg6[%arg0, %mul3A_14, %dma_wait3A] : memref<2x10240x128xf32, #tpu.memory_space<hbm>> -> memref<1x640x128xf32, #tpu.memory_space<hbm>>
      %dma_wait3A_20 = tpu.memref_squeeze %dma_wait3A_19 : memref<1x640x128xf32, #tpu.memory_space<hbm>> -> memref<640x128xf32, #tpu.memory_space<hbm>>
      %dma_wait3A_21 = arith.constant 0 : i32
      %dma_wait3A_22 = tpu.memref_slice %arg10[%mul3A_12, %dma_wait3A_21] : memref<10240x128xf32, #tpu.memory_space<vmem_shared>> -> memref<640x128xf32, #tpu.memory_space<vmem_shared>>
      tpu.wait_dma2 semaphore(%run_scoped3A : memref<!tpu.dma_semaphore, #tpu.memory_space<semaphore_mem>>) src(%dma_wait3A_22 : memref<640x128xf32, #tpu.memory_space<vmem_shared>>) dst(%dma_wait3A_20 : memref<640x128xf32, #tpu.memory_space<hbm>>)
      tpu.yield
    }) : () -> ()
    return
  }
}

#map = affine_map<(d0, d1) -> (0, 0)>
#map1 = affine_map<(d0, d1) -> (0, 0, 0)>
module attributes {stable_mosaic.version = 14 : i64} {
  func.func @_agg_body(%arg0: i32, %arg1: i32, %arg2: memref<10240x128xf32, #tpu.memory_space<hbm>>, %arg3: memref<32x125x80xi32, #tpu.memory_space<hbm>>, %arg4: memref<32x125x80xi32, #tpu.memory_space<hbm>>, %arg5: memref<10240x128xf32, #tpu.memory_space<hbm>>, %arg6: memref<2x10240x128xf32, #tpu.memory_space<hbm>>, %arg7: memref<125x80xi32, #tpu.memory_space<vmem>>, %arg8: memref<125x80xi32, #tpu.memory_space<vmem>>, %arg9: memref<80x128xf32, #tpu.memory_space<vmem>>, %arg10: memref<10240x128xf32, #tpu.memory_space<vmem_shared>>, %arg11: memref<!tpu.dma_semaphore, #tpu.memory_space<semaphore_mem>>) attributes {dimension_semantics = [#tpu.dimension_semantics<core_parallel>, #tpu.dimension_semantics<subcore_parallel>], iteration_bounds = array<i64: 2, 16>, scalar_prefetch = 0 : i64, scratch_operands = 5 : i64, tpu.core_type = #tpu.core_type<sc_vector_subcore>, window_params = [{transform_indices = #map}, {transform_indices = #map1}, {transform_indices = #map1}, {transform_indices = #map}, {transform_indices = #map1}]} {
    %mul3A = arith.constant 2 : i32
    %mul3A_0 = arith.muli %arg1, %mul3A : i32
    %add3A = arith.addi %mul3A_0, %arg0 : i32
    %mul3A_1 = arith.constant 640 : i32
    %mul3A_2 = arith.muli %arg1, %mul3A_1 : i32
    %mul3A_3 = arith.constant 640 : i32
    %mul3A_4 = arith.muli %arg1, %mul3A_3 : i32
    "tpu.region"() ({
      %run_scoped3A = tpu.sem_alloc : memref<!tpu.dma_semaphore, #tpu.memory_space<semaphore_mem>>
      %dma_start3A = arith.constant 0 : i32
      %dma_start3A_15 = tpu.memref_slice %arg10[%mul3A_4, %dma_start3A] : memref<10240x128xf32, #tpu.memory_space<vmem_shared>> -> memref<640x128xf32, #tpu.memory_space<vmem_shared>>
      %dma_start3A_16 = arith.constant 0 : i32
      %dma_start3A_17 = tpu.memref_slice %arg5[%mul3A_2, %dma_start3A_16] : memref<10240x128xf32, #tpu.memory_space<hbm>> -> memref<640x128xf32, #tpu.memory_space<hbm>>
      tpu.enqueue_dma source(%dma_start3A_17 : memref<640x128xf32, #tpu.memory_space<hbm>>) target(%dma_start3A_15 : memref<640x128xf32, #tpu.memory_space<vmem_shared>>) target_semaphore(%run_scoped3A : memref<!tpu.dma_semaphore, #tpu.memory_space<semaphore_mem>>)
      %dma_wait3A = arith.constant 0 : i32
      %dma_wait3A_18 = tpu.memref_slice %arg10[%mul3A_4, %dma_wait3A] : memref<10240x128xf32, #tpu.memory_space<vmem_shared>> -> memref<640x128xf32, #tpu.memory_space<vmem_shared>>
      %dma_wait3A_19 = arith.constant 0 : i32
      %dma_wait3A_20 = tpu.memref_slice %arg5[%mul3A_2, %dma_wait3A_19] : memref<10240x128xf32, #tpu.memory_space<hbm>> -> memref<640x128xf32, #tpu.memory_space<hbm>>
      tpu.wait_dma2 semaphore(%run_scoped3A : memref<!tpu.dma_semaphore, #tpu.memory_space<semaphore_mem>>) src(%dma_wait3A_20 : memref<640x128xf32, #tpu.memory_space<hbm>>) dst(%dma_wait3A_18 : memref<640x128xf32, #tpu.memory_space<vmem_shared>>)
      tpu.yield
    }) : () -> ()
    "tpu.region"() ({
      %run_scoped3A = tpu.sem_alloc : memref<!tpu.dma_semaphore, #tpu.memory_space<semaphore_mem>>
      %dma_start3A = arith.constant 0 : i32
      %dma_start3A_15 = arith.constant 0 : i32
      %dma_start3A_16 = tpu.memref_slice %arg3[%add3A, %dma_start3A, %dma_start3A_15] : memref<32x125x80xi32, #tpu.memory_space<hbm>> -> memref<1x125x80xi32, #tpu.memory_space<hbm>>
      %dma_start3A_17 = tpu.memref_squeeze %dma_start3A_16 : memref<1x125x80xi32, #tpu.memory_space<hbm>> -> memref<125x80xi32, #tpu.memory_space<hbm>>
      %dma_start3A_18 = arith.constant 0 : i32
      %dma_start3A_19 = arith.constant 0 : i32
      %dma_start3A_20 = tpu.memref_slice %arg3[%add3A, %dma_start3A_18, %dma_start3A_19] : memref<32x125x80xi32, #tpu.memory_space<hbm>> -> memref<1x125x80xi32, #tpu.memory_space<hbm>>
      %dma_start3A_21 = tpu.memref_squeeze %dma_start3A_20 : memref<1x125x80xi32, #tpu.memory_space<hbm>> -> memref<125x80xi32, #tpu.memory_space<hbm>>
      tpu.enqueue_dma source(%dma_start3A_21 : memref<125x80xi32, #tpu.memory_space<hbm>>) target(%arg7 : memref<125x80xi32, #tpu.memory_space<vmem>>) target_semaphore(%run_scoped3A : memref<!tpu.dma_semaphore, #tpu.memory_space<semaphore_mem>>)
      %dma_wait3A = arith.constant 0 : i32
      %dma_wait3A_22 = arith.constant 0 : i32
      %dma_wait3A_23 = tpu.memref_slice %arg3[%add3A, %dma_wait3A, %dma_wait3A_22] : memref<32x125x80xi32, #tpu.memory_space<hbm>> -> memref<1x125x80xi32, #tpu.memory_space<hbm>>
      %dma_wait3A_24 = tpu.memref_squeeze %dma_wait3A_23 : memref<1x125x80xi32, #tpu.memory_space<hbm>> -> memref<125x80xi32, #tpu.memory_space<hbm>>
      %dma_wait3A_25 = arith.constant 0 : i32
      %dma_wait3A_26 = arith.constant 0 : i32
      %dma_wait3A_27 = tpu.memref_slice %arg3[%add3A, %dma_wait3A_25, %dma_wait3A_26] : memref<32x125x80xi32, #tpu.memory_space<hbm>> -> memref<1x125x80xi32, #tpu.memory_space<hbm>>
      %dma_wait3A_28 = tpu.memref_squeeze %dma_wait3A_27 : memref<1x125x80xi32, #tpu.memory_space<hbm>> -> memref<125x80xi32, #tpu.memory_space<hbm>>
      tpu.wait_dma2 semaphore(%run_scoped3A : memref<!tpu.dma_semaphore, #tpu.memory_space<semaphore_mem>>) src(%dma_wait3A_28 : memref<125x80xi32, #tpu.memory_space<hbm>>) dst(%arg7 : memref<125x80xi32, #tpu.memory_space<vmem>>)
      tpu.yield
    }) : () -> ()
    "tpu.region"() ({
      %run_scoped3A = tpu.sem_alloc : memref<!tpu.dma_semaphore, #tpu.memory_space<semaphore_mem>>
      %dma_start3A = arith.constant 0 : i32
      %dma_start3A_15 = arith.constant 0 : i32
      %dma_start3A_16 = tpu.memref_slice %arg4[%add3A, %dma_start3A, %dma_start3A_15] : memref<32x125x80xi32, #tpu.memory_space<hbm>> -> memref<1x125x80xi32, #tpu.memory_space<hbm>>
      %dma_start3A_17 = tpu.memref_squeeze %dma_start3A_16 : memref<1x125x80xi32, #tpu.memory_space<hbm>> -> memref<125x80xi32, #tpu.memory_space<hbm>>
      %dma_start3A_18 = arith.constant 0 : i32
      %dma_start3A_19 = arith.constant 0 : i32
      %dma_start3A_20 = tpu.memref_slice %arg4[%add3A, %dma_start3A_18, %dma_start3A_19] : memref<32x125x80xi32, #tpu.memory_space<hbm>> -> memref<1x125x80xi32, #tpu.memory_space<hbm>>
      %dma_start3A_21 = tpu.memref_squeeze %dma_start3A_20 : memref<1x125x80xi32, #tpu.memory_space<hbm>> -> memref<125x80xi32, #tpu.memory_space<hbm>>
      tpu.enqueue_dma source(%dma_start3A_21 : memref<125x80xi32, #tpu.memory_space<hbm>>) target(%arg8 : memref<125x80xi32, #tpu.memory_space<vmem>>) target_semaphore(%run_scoped3A : memref<!tpu.dma_semaphore, #tpu.memory_space<semaphore_mem>>)
      %dma_wait3A = arith.constant 0 : i32
      %dma_wait3A_22 = arith.constant 0 : i32
      %dma_wait3A_23 = tpu.memref_slice %arg4[%add3A, %dma_wait3A, %dma_wait3A_22] : memref<32x125x80xi32, #tpu.memory_space<hbm>> -> memref<1x125x80xi32, #tpu.memory_space<hbm>>
      %dma_wait3A_24 = tpu.memref_squeeze %dma_wait3A_23 : memref<1x125x80xi32, #tpu.memory_space<hbm>> -> memref<125x80xi32, #tpu.memory_space<hbm>>
      %dma_wait3A_25 = arith.constant 0 : i32
      %dma_wait3A_26 = arith.constant 0 : i32
      %dma_wait3A_27 = tpu.memref_slice %arg4[%add3A, %dma_wait3A_25, %dma_wait3A_26] : memref<32x125x80xi32, #tpu.memory_space<hbm>> -> memref<1x125x80xi32, #tpu.memory_space<hbm>>
      %dma_wait3A_28 = tpu.memref_squeeze %dma_wait3A_27 : memref<1x125x80xi32, #tpu.memory_space<hbm>> -> memref<125x80xi32, #tpu.memory_space<hbm>>
      tpu.wait_dma2 semaphore(%run_scoped3A : memref<!tpu.dma_semaphore, #tpu.memory_space<semaphore_mem>>) src(%dma_wait3A_28 : memref<125x80xi32, #tpu.memory_space<hbm>>) dst(%arg8 : memref<125x80xi32, #tpu.memory_space<vmem>>)
      tpu.yield
    }) : () -> ()
    %barrier3A = arith.constant 0 : index
    tpu.barrier barrier_id(%barrier3A)
    %scan3A = arith.constant 0 : i32
    %scan3A_5 = arith.constant 0 : i32
    %scan3A_6 = arith.constant 125 : i32
    %scan3A_7 = arith.addi %scan3A_5, %scan3A_6 : i32
    %scan3A_8 = arith.constant 1 : i32
    scf.for %scan3A_15 = %scan3A_5 to %scan3A_7 step %scan3A_8  : i32 {
      %dma_start3A = arith.constant 0 : i32
      %dma_start3A_16 = tpu.memref_slice %arg7[%scan3A_15, %dma_start3A] : memref<125x80xi32, #tpu.memory_space<vmem>> -> memref<1x80xi32, #tpu.memory_space<vmem>>
      %dma_start3A_17 = tpu.memref_squeeze %dma_start3A_16 : memref<1x80xi32, #tpu.memory_space<vmem>> -> memref<80xi32, #tpu.memory_space<vmem>>
      %dma_start3A_18 = arith.constant 0 : i32
      %dma_start3A_19 = arith.constant 0 : i32
      %dma_start3A_20 = tpu.memref_slice %arg2[%dma_start3A_18, %dma_start3A_19] : memref<10240x128xf32, #tpu.memory_space<hbm>> -> memref<10240x128xf32, #tpu.memory_space<hbm>>
      tpu.enqueue_indirect_dma source(%dma_start3A_20 : memref<10240x128xf32, #tpu.memory_space<hbm>>) target(%arg9 : memref<80x128xf32, #tpu.memory_space<vmem>>) offsets(%dma_start3A_17 : memref<80xi32, #tpu.memory_space<vmem>>) semaphore(%arg11 : memref<!tpu.dma_semaphore, #tpu.memory_space<semaphore_mem>>)
      %dma_wait3A = arith.constant 0 : i32
      %dma_wait3A_21 = tpu.memref_slice %arg7[%scan3A_15, %dma_wait3A] : memref<125x80xi32, #tpu.memory_space<vmem>> -> memref<1x80xi32, #tpu.memory_space<vmem>>
      %dma_wait3A_22 = tpu.memref_squeeze %dma_wait3A_21 : memref<1x80xi32, #tpu.memory_space<vmem>> -> memref<80xi32, #tpu.memory_space<vmem>>
      %dma_wait3A_23 = arith.constant 0 : i32
      %dma_wait3A_24 = arith.constant 0 : i32
      %dma_wait3A_25 = tpu.memref_slice %arg2[%dma_wait3A_23, %dma_wait3A_24] : memref<10240x128xf32, #tpu.memory_space<hbm>> -> memref<10240x128xf32, #tpu.memory_space<hbm>>
      tpu.wait_indirect_dma semaphore(%arg11 : memref<!tpu.dma_semaphore, #tpu.memory_space<semaphore_mem>>) src(%dma_wait3A_25 : memref<10240x128xf32, #tpu.memory_space<hbm>>) dst(%arg9 : memref<80x128xf32, #tpu.memory_space<vmem>>)
      "tpu.region"() ({
        %run_scoped3A = tpu.sem_alloc : memref<!tpu.dma_semaphore, #tpu.memory_space<semaphore_mem>>
        %dma_start3A_26 = arith.constant 0 : i32
        %dma_start3A_27 = tpu.memref_slice %arg8[%scan3A_15, %dma_start3A_26] : memref<125x80xi32, #tpu.memory_space<vmem>> -> memref<1x80xi32, #tpu.memory_space<vmem>>
        %dma_start3A_28 = tpu.memref_squeeze %dma_start3A_27 : memref<1x80xi32, #tpu.memory_space<vmem>> -> memref<80xi32, #tpu.memory_space<vmem>>
        %dma_start3A_29 = arith.constant 0 : i32
        %dma_start3A_30 = arith.constant 0 : i32
        %dma_start3A_31 = tpu.memref_slice %arg10[%dma_start3A_29, %dma_start3A_30] : memref<10240x128xf32, #tpu.memory_space<vmem_shared>> -> memref<10240x128xf32, #tpu.memory_space<vmem_shared>>
        tpu.enqueue_indirect_dma source(%arg9 : memref<80x128xf32, #tpu.memory_space<vmem>>) target(%dma_start3A_31 : memref<10240x128xf32, #tpu.memory_space<vmem_shared>>) offsets(%dma_start3A_28 : memref<80xi32, #tpu.memory_space<vmem>>) semaphore(%run_scoped3A : memref<!tpu.dma_semaphore, #tpu.memory_space<semaphore_mem>>) {add = true}
        %dma_wait3A_32 = arith.constant 0 : i32
        %dma_wait3A_33 = tpu.memref_slice %arg8[%scan3A_15, %dma_wait3A_32] : memref<125x80xi32, #tpu.memory_space<vmem>> -> memref<1x80xi32, #tpu.memory_space<vmem>>
        %dma_wait3A_34 = tpu.memref_squeeze %dma_wait3A_33 : memref<1x80xi32, #tpu.memory_space<vmem>> -> memref<80xi32, #tpu.memory_space<vmem>>
        %dma_wait3A_35 = arith.constant 0 : i32
        %dma_wait3A_36 = arith.constant 0 : i32
        %dma_wait3A_37 = tpu.memref_slice %arg10[%dma_wait3A_35, %dma_wait3A_36] : memref<10240x128xf32, #tpu.memory_space<vmem_shared>> -> memref<10240x128xf32, #tpu.memory_space<vmem_shared>>
        tpu.wait_indirect_dma semaphore(%run_scoped3A : memref<!tpu.dma_semaphore, #tpu.memory_space<semaphore_mem>>) src(%arg9 : memref<80x128xf32, #tpu.memory_space<vmem>>) dst(%dma_wait3A_37 : memref<10240x128xf32, #tpu.memory_space<vmem_shared>>)
        tpu.yield
      }) : () -> ()
    }
    %scan3A_9 = arith.constant 125 : i32
    %barrier3A_10 = arith.constant 0 : index
    tpu.barrier barrier_id(%barrier3A_10)
    %mul3A_11 = arith.constant 640 : i32
    %mul3A_12 = arith.muli %arg1, %mul3A_11 : i32
    %mul3A_13 = arith.constant 640 : i32
    %mul3A_14 = arith.muli %arg1, %mul3A_13 : i32
    "tpu.region"() ({
      %run_scoped3A = tpu.sem_alloc : memref<!tpu.dma_semaphore, #tpu.memory_space<semaphore_mem>>
      %dma_start3A = arith.constant 0 : i32
      %dma_start3A_15 = tpu.memref_slice %arg6[%arg0, %mul3A_14, %dma_start3A] : memref<2x10240x128xf32, #tpu.memory_space<hbm>> -> memref<1x640x128xf32, #tpu.memory_space<hbm>>
      %dma_start3A_16 = tpu.memref_squeeze %dma_start3A_15 : memref<1x640x128xf32, #tpu.memory_space<hbm>> -> memref<640x128xf32, #tpu.memory_space<hbm>>
      %dma_start3A_17 = arith.constant 0 : i32
      %dma_start3A_18 = tpu.memref_slice %arg10[%mul3A_12, %dma_start3A_17] : memref<10240x128xf32, #tpu.memory_space<vmem_shared>> -> memref<640x128xf32, #tpu.memory_space<vmem_shared>>
      tpu.enqueue_dma source(%dma_start3A_18 : memref<640x128xf32, #tpu.memory_space<vmem_shared>>) target(%dma_start3A_16 : memref<640x128xf32, #tpu.memory_space<hbm>>) target_semaphore(%run_scoped3A : memref<!tpu.dma_semaphore, #tpu.memory_space<semaphore_mem>>)
      %dma_wait3A = arith.constant 0 : i32
      %dma_wait3A_19 = tpu.memref_slice %arg6[%arg0, %mul3A_14, %dma_wait3A] : memref<2x10240x128xf32, #tpu.memory_space<hbm>> -> memref<1x640x128xf32, #tpu.memory_space<hbm>>
      %dma_wait3A_20 = tpu.memref_squeeze %dma_wait3A_19 : memref<1x640x128xf32, #tpu.memory_space<hbm>> -> memref<640x128xf32, #tpu.memory_space<hbm>>
      %dma_wait3A_21 = arith.constant 0 : i32
      %dma_wait3A_22 = tpu.memref_slice %arg10[%mul3A_12, %dma_wait3A_21] : memref<10240x128xf32, #tpu.memory_space<vmem_shared>> -> memref<640x128xf32, #tpu.memory_space<vmem_shared>>
      tpu.wait_dma2 semaphore(%run_scoped3A : memref<!tpu.dma_semaphore, #tpu.memory_space<semaphore_mem>>) src(%dma_wait3A_22 : memref<640x128xf32, #tpu.memory_space<vmem_shared>>) dst(%dma_wait3A_20 : memref<640x128xf32, #tpu.memory_space<hbm>>)
      tpu.yield
    }) : () -> ()
    return
  }
}

#map = affine_map<(d0, d1) -> (0, 0)>
#map1 = affine_map<(d0, d1) -> (0, 0, 0)>
module attributes {stable_mosaic.version = 14 : i64} {
  func.func @_agg_body(%arg0: i32, %arg1: i32, %arg2: memref<10240x128xf32, #tpu.memory_space<hbm>>, %arg3: memref<32x125x80xi32, #tpu.memory_space<hbm>>, %arg4: memref<32x125x80xi32, #tpu.memory_space<hbm>>, %arg5: memref<10240x128xf32, #tpu.memory_space<hbm>>, %arg6: memref<2x10240x128xf32, #tpu.memory_space<hbm>>, %arg7: memref<125x80xi32, #tpu.memory_space<vmem>>, %arg8: memref<125x80xi32, #tpu.memory_space<vmem>>, %arg9: memref<80x128xf32, #tpu.memory_space<vmem>>, %arg10: memref<10240x128xf32, #tpu.memory_space<vmem_shared>>, %arg11: memref<!tpu.dma_semaphore, #tpu.memory_space<semaphore_mem>>) attributes {dimension_semantics = [#tpu.dimension_semantics<core_parallel>, #tpu.dimension_semantics<subcore_parallel>], iteration_bounds = array<i64: 2, 16>, scalar_prefetch = 0 : i64, scratch_operands = 5 : i64, tpu.core_type = #tpu.core_type<sc_vector_subcore>, window_params = [{transform_indices = #map}, {transform_indices = #map1}, {transform_indices = #map1}, {transform_indices = #map}, {transform_indices = #map1}]} {
    %mul3A = arith.constant 2 : i32
    %mul3A_0 = arith.muli %arg1, %mul3A : i32
    %add3A = arith.addi %mul3A_0, %arg0 : i32
    %mul3A_1 = arith.constant 640 : i32
    %mul3A_2 = arith.muli %arg1, %mul3A_1 : i32
    %mul3A_3 = arith.constant 640 : i32
    %mul3A_4 = arith.muli %arg1, %mul3A_3 : i32
    "tpu.region"() ({
      %run_scoped3A = tpu.sem_alloc : memref<!tpu.dma_semaphore, #tpu.memory_space<semaphore_mem>>
      %dma_start3A = arith.constant 0 : i32
      %dma_start3A_15 = tpu.memref_slice %arg10[%mul3A_4, %dma_start3A] : memref<10240x128xf32, #tpu.memory_space<vmem_shared>> -> memref<640x128xf32, #tpu.memory_space<vmem_shared>>
      %dma_start3A_16 = arith.constant 0 : i32
      %dma_start3A_17 = tpu.memref_slice %arg5[%mul3A_2, %dma_start3A_16] : memref<10240x128xf32, #tpu.memory_space<hbm>> -> memref<640x128xf32, #tpu.memory_space<hbm>>
      tpu.enqueue_dma source(%dma_start3A_17 : memref<640x128xf32, #tpu.memory_space<hbm>>) target(%dma_start3A_15 : memref<640x128xf32, #tpu.memory_space<vmem_shared>>) target_semaphore(%run_scoped3A : memref<!tpu.dma_semaphore, #tpu.memory_space<semaphore_mem>>)
      %dma_wait3A = arith.constant 0 : i32
      %dma_wait3A_18 = tpu.memref_slice %arg10[%mul3A_4, %dma_wait3A] : memref<10240x128xf32, #tpu.memory_space<vmem_shared>> -> memref<640x128xf32, #tpu.memory_space<vmem_shared>>
      %dma_wait3A_19 = arith.constant 0 : i32
      %dma_wait3A_20 = tpu.memref_slice %arg5[%mul3A_2, %dma_wait3A_19] : memref<10240x128xf32, #tpu.memory_space<hbm>> -> memref<640x128xf32, #tpu.memory_space<hbm>>
      tpu.wait_dma2 semaphore(%run_scoped3A : memref<!tpu.dma_semaphore, #tpu.memory_space<semaphore_mem>>) src(%dma_wait3A_20 : memref<640x128xf32, #tpu.memory_space<hbm>>) dst(%dma_wait3A_18 : memref<640x128xf32, #tpu.memory_space<vmem_shared>>)
      tpu.yield
    }) : () -> ()
    "tpu.region"() ({
      %run_scoped3A = tpu.sem_alloc : memref<!tpu.dma_semaphore, #tpu.memory_space<semaphore_mem>>
      %dma_start3A = arith.constant 0 : i32
      %dma_start3A_15 = arith.constant 0 : i32
      %dma_start3A_16 = tpu.memref_slice %arg3[%add3A, %dma_start3A, %dma_start3A_15] : memref<32x125x80xi32, #tpu.memory_space<hbm>> -> memref<1x125x80xi32, #tpu.memory_space<hbm>>
      %dma_start3A_17 = tpu.memref_squeeze %dma_start3A_16 : memref<1x125x80xi32, #tpu.memory_space<hbm>> -> memref<125x80xi32, #tpu.memory_space<hbm>>
      %dma_start3A_18 = arith.constant 0 : i32
      %dma_start3A_19 = arith.constant 0 : i32
      %dma_start3A_20 = tpu.memref_slice %arg3[%add3A, %dma_start3A_18, %dma_start3A_19] : memref<32x125x80xi32, #tpu.memory_space<hbm>> -> memref<1x125x80xi32, #tpu.memory_space<hbm>>
      %dma_start3A_21 = tpu.memref_squeeze %dma_start3A_20 : memref<1x125x80xi32, #tpu.memory_space<hbm>> -> memref<125x80xi32, #tpu.memory_space<hbm>>
      tpu.enqueue_dma source(%dma_start3A_21 : memref<125x80xi32, #tpu.memory_space<hbm>>) target(%arg7 : memref<125x80xi32, #tpu.memory_space<vmem>>) target_semaphore(%run_scoped3A : memref<!tpu.dma_semaphore, #tpu.memory_space<semaphore_mem>>)
      %dma_wait3A = arith.constant 0 : i32
      %dma_wait3A_22 = arith.constant 0 : i32
      %dma_wait3A_23 = tpu.memref_slice %arg3[%add3A, %dma_wait3A, %dma_wait3A_22] : memref<32x125x80xi32, #tpu.memory_space<hbm>> -> memref<1x125x80xi32, #tpu.memory_space<hbm>>
      %dma_wait3A_24 = tpu.memref_squeeze %dma_wait3A_23 : memref<1x125x80xi32, #tpu.memory_space<hbm>> -> memref<125x80xi32, #tpu.memory_space<hbm>>
      %dma_wait3A_25 = arith.constant 0 : i32
      %dma_wait3A_26 = arith.constant 0 : i32
      %dma_wait3A_27 = tpu.memref_slice %arg3[%add3A, %dma_wait3A_25, %dma_wait3A_26] : memref<32x125x80xi32, #tpu.memory_space<hbm>> -> memref<1x125x80xi32, #tpu.memory_space<hbm>>
      %dma_wait3A_28 = tpu.memref_squeeze %dma_wait3A_27 : memref<1x125x80xi32, #tpu.memory_space<hbm>> -> memref<125x80xi32, #tpu.memory_space<hbm>>
      tpu.wait_dma2 semaphore(%run_scoped3A : memref<!tpu.dma_semaphore, #tpu.memory_space<semaphore_mem>>) src(%dma_wait3A_28 : memref<125x80xi32, #tpu.memory_space<hbm>>) dst(%arg7 : memref<125x80xi32, #tpu.memory_space<vmem>>)
      tpu.yield
    }) : () -> ()
    "tpu.region"() ({
      %run_scoped3A = tpu.sem_alloc : memref<!tpu.dma_semaphore, #tpu.memory_space<semaphore_mem>>
      %dma_start3A = arith.constant 0 : i32
      %dma_start3A_15 = arith.constant 0 : i32
      %dma_start3A_16 = tpu.memref_slice %arg4[%add3A, %dma_start3A, %dma_start3A_15] : memref<32x125x80xi32, #tpu.memory_space<hbm>> -> memref<1x125x80xi32, #tpu.memory_space<hbm>>
      %dma_start3A_17 = tpu.memref_squeeze %dma_start3A_16 : memref<1x125x80xi32, #tpu.memory_space<hbm>> -> memref<125x80xi32, #tpu.memory_space<hbm>>
      %dma_start3A_18 = arith.constant 0 : i32
      %dma_start3A_19 = arith.constant 0 : i32
      %dma_start3A_20 = tpu.memref_slice %arg4[%add3A, %dma_start3A_18, %dma_start3A_19] : memref<32x125x80xi32, #tpu.memory_space<hbm>> -> memref<1x125x80xi32, #tpu.memory_space<hbm>>
      %dma_start3A_21 = tpu.memref_squeeze %dma_start3A_20 : memref<1x125x80xi32, #tpu.memory_space<hbm>> -> memref<125x80xi32, #tpu.memory_space<hbm>>
      tpu.enqueue_dma source(%dma_start3A_21 : memref<125x80xi32, #tpu.memory_space<hbm>>) target(%arg8 : memref<125x80xi32, #tpu.memory_space<vmem>>) target_semaphore(%run_scoped3A : memref<!tpu.dma_semaphore, #tpu.memory_space<semaphore_mem>>)
      %dma_wait3A = arith.constant 0 : i32
      %dma_wait3A_22 = arith.constant 0 : i32
      %dma_wait3A_23 = tpu.memref_slice %arg4[%add3A, %dma_wait3A, %dma_wait3A_22] : memref<32x125x80xi32, #tpu.memory_space<hbm>> -> memref<1x125x80xi32, #tpu.memory_space<hbm>>
      %dma_wait3A_24 = tpu.memref_squeeze %dma_wait3A_23 : memref<1x125x80xi32, #tpu.memory_space<hbm>> -> memref<125x80xi32, #tpu.memory_space<hbm>>
      %dma_wait3A_25 = arith.constant 0 : i32
      %dma_wait3A_26 = arith.constant 0 : i32
      %dma_wait3A_27 = tpu.memref_slice %arg4[%add3A, %dma_wait3A_25, %dma_wait3A_26] : memref<32x125x80xi32, #tpu.memory_space<hbm>> -> memref<1x125x80xi32, #tpu.memory_space<hbm>>
      %dma_wait3A_28 = tpu.memref_squeeze %dma_wait3A_27 : memref<1x125x80xi32, #tpu.memory_space<hbm>> -> memref<125x80xi32, #tpu.memory_space<hbm>>
      tpu.wait_dma2 semaphore(%run_scoped3A : memref<!tpu.dma_semaphore, #tpu.memory_space<semaphore_mem>>) src(%dma_wait3A_28 : memref<125x80xi32, #tpu.memory_space<hbm>>) dst(%arg8 : memref<125x80xi32, #tpu.memory_space<vmem>>)
      tpu.yield
    }) : () -> ()
    %barrier3A = arith.constant 0 : index
    tpu.barrier barrier_id(%barrier3A)
    %scan3A = arith.constant 0 : i32
    %scan3A_5 = arith.constant 0 : i32
    %scan3A_6 = arith.constant 125 : i32
    %scan3A_7 = arith.addi %scan3A_5, %scan3A_6 : i32
    %scan3A_8 = arith.constant 1 : i32
    scf.for %scan3A_15 = %scan3A_5 to %scan3A_7 step %scan3A_8  : i32 {
      %dma_start3A = arith.constant 0 : i32
      %dma_start3A_16 = tpu.memref_slice %arg7[%scan3A_15, %dma_start3A] : memref<125x80xi32, #tpu.memory_space<vmem>> -> memref<1x80xi32, #tpu.memory_space<vmem>>
      %dma_start3A_17 = tpu.memref_squeeze %dma_start3A_16 : memref<1x80xi32, #tpu.memory_space<vmem>> -> memref<80xi32, #tpu.memory_space<vmem>>
      %dma_start3A_18 = arith.constant 0 : i32
      %dma_start3A_19 = arith.constant 0 : i32
      %dma_start3A_20 = tpu.memref_slice %arg2[%dma_start3A_18, %dma_start3A_19] : memref<10240x128xf32, #tpu.memory_space<hbm>> -> memref<10240x128xf32, #tpu.memory_space<hbm>>
      tpu.enqueue_indirect_dma source(%dma_start3A_20 : memref<10240x128xf32, #tpu.memory_space<hbm>>) target(%arg9 : memref<80x128xf32, #tpu.memory_space<vmem>>) offsets(%dma_start3A_17 : memref<80xi32, #tpu.memory_space<vmem>>) semaphore(%arg11 : memref<!tpu.dma_semaphore, #tpu.memory_space<semaphore_mem>>)
      %dma_wait3A = arith.constant 0 : i32
      %dma_wait3A_21 = tpu.memref_slice %arg7[%scan3A_15, %dma_wait3A] : memref<125x80xi32, #tpu.memory_space<vmem>> -> memref<1x80xi32, #tpu.memory_space<vmem>>
      %dma_wait3A_22 = tpu.memref_squeeze %dma_wait3A_21 : memref<1x80xi32, #tpu.memory_space<vmem>> -> memref<80xi32, #tpu.memory_space<vmem>>
      %dma_wait3A_23 = arith.constant 0 : i32
      %dma_wait3A_24 = arith.constant 0 : i32
      %dma_wait3A_25 = tpu.memref_slice %arg2[%dma_wait3A_23, %dma_wait3A_24] : memref<10240x128xf32, #tpu.memory_space<hbm>> -> memref<10240x128xf32, #tpu.memory_space<hbm>>
      tpu.wait_indirect_dma semaphore(%arg11 : memref<!tpu.dma_semaphore, #tpu.memory_space<semaphore_mem>>) src(%dma_wait3A_25 : memref<10240x128xf32, #tpu.memory_space<hbm>>) dst(%arg9 : memref<80x128xf32, #tpu.memory_space<vmem>>)
      "tpu.region"() ({
        %run_scoped3A = tpu.sem_alloc : memref<!tpu.dma_semaphore, #tpu.memory_space<semaphore_mem>>
        %dma_start3A_26 = arith.constant 0 : i32
        %dma_start3A_27 = tpu.memref_slice %arg8[%scan3A_15, %dma_start3A_26] : memref<125x80xi32, #tpu.memory_space<vmem>> -> memref<1x80xi32, #tpu.memory_space<vmem>>
        %dma_start3A_28 = tpu.memref_squeeze %dma_start3A_27 : memref<1x80xi32, #tpu.memory_space<vmem>> -> memref<80xi32, #tpu.memory_space<vmem>>
        %dma_start3A_29 = arith.constant 0 : i32
        %dma_start3A_30 = arith.constant 0 : i32
        %dma_start3A_31 = tpu.memref_slice %arg10[%dma_start3A_29, %dma_start3A_30] : memref<10240x128xf32, #tpu.memory_space<vmem_shared>> -> memref<10240x128xf32, #tpu.memory_space<vmem_shared>>
        tpu.enqueue_indirect_dma source(%arg9 : memref<80x128xf32, #tpu.memory_space<vmem>>) target(%dma_start3A_31 : memref<10240x128xf32, #tpu.memory_space<vmem_shared>>) offsets(%dma_start3A_28 : memref<80xi32, #tpu.memory_space<vmem>>) semaphore(%run_scoped3A : memref<!tpu.dma_semaphore, #tpu.memory_space<semaphore_mem>>) {add = true}
        %dma_wait3A_32 = arith.constant 0 : i32
        %dma_wait3A_33 = tpu.memref_slice %arg8[%scan3A_15, %dma_wait3A_32] : memref<125x80xi32, #tpu.memory_space<vmem>> -> memref<1x80xi32, #tpu.memory_space<vmem>>
        %dma_wait3A_34 = tpu.memref_squeeze %dma_wait3A_33 : memref<1x80xi32, #tpu.memory_space<vmem>> -> memref<80xi32, #tpu.memory_space<vmem>>
        %dma_wait3A_35 = arith.constant 0 : i32
        %dma_wait3A_36 = arith.constant 0 : i32
        %dma_wait3A_37 = tpu.memref_slice %arg10[%dma_wait3A_35, %dma_wait3A_36] : memref<10240x128xf32, #tpu.memory_space<vmem_shared>> -> memref<10240x128xf32, #tpu.memory_space<vmem_shared>>
        tpu.wait_indirect_dma semaphore(%run_scoped3A : memref<!tpu.dma_semaphore, #tpu.memory_space<semaphore_mem>>) src(%arg9 : memref<80x128xf32, #tpu.memory_space<vmem>>) dst(%dma_wait3A_37 : memref<10240x128xf32, #tpu.memory_space<vmem_shared>>)
        tpu.yield
      }) : () -> ()
    }
    %scan3A_9 = arith.constant 125 : i32
    %barrier3A_10 = arith.constant 0 : index
    tpu.barrier barrier_id(%barrier3A_10)
    %mul3A_11 = arith.constant 640 : i32
    %mul3A_12 = arith.muli %arg1, %mul3A_11 : i32
    %mul3A_13 = arith.constant 640 : i32
    %mul3A_14 = arith.muli %arg1, %mul3A_13 : i32
    "tpu.region"() ({
      %run_scoped3A = tpu.sem_alloc : memref<!tpu.dma_semaphore, #tpu.memory_space<semaphore_mem>>
      %dma_start3A = arith.constant 0 : i32
      %dma_start3A_15 = tpu.memref_slice %arg6[%arg0, %mul3A_14, %dma_start3A] : memref<2x10240x128xf32, #tpu.memory_space<hbm>> -> memref<1x640x128xf32, #tpu.memory_space<hbm>>
      %dma_start3A_16 = tpu.memref_squeeze %dma_start3A_15 : memref<1x640x128xf32, #tpu.memory_space<hbm>> -> memref<640x128xf32, #tpu.memory_space<hbm>>
      %dma_start3A_17 = arith.constant 0 : i32
      %dma_start3A_18 = tpu.memref_slice %arg10[%mul3A_12, %dma_start3A_17] : memref<10240x128xf32, #tpu.memory_space<vmem_shared>> -> memref<640x128xf32, #tpu.memory_space<vmem_shared>>
      tpu.enqueue_dma source(%dma_start3A_18 : memref<640x128xf32, #tpu.memory_space<vmem_shared>>) target(%dma_start3A_16 : memref<640x128xf32, #tpu.memory_space<hbm>>) target_semaphore(%run_scoped3A : memref<!tpu.dma_semaphore, #tpu.memory_space<semaphore_mem>>)
      %dma_wait3A = arith.constant 0 : i32
      %dma_wait3A_19 = tpu.memref_slice %arg6[%arg0, %mul3A_14, %dma_wait3A] : memref<2x10240x128xf32, #tpu.memory_space<hbm>> -> memref<1x640x128xf32, #tpu.memory_space<hbm>>
      %dma_wait3A_20 = tpu.memref_squeeze %dma_wait3A_19 : memref<1x640x128xf32, #tpu.memory_space<hbm>> -> memref<640x128xf32, #tpu.memory_space<hbm>>
      %dma_wait3A_21 = arith.constant 0 : i32
      %dma_wait3A_22 = tpu.memref_slice %arg10[%mul3A_12, %dma_wait3A_21] : memref<10240x128xf32, #tpu.memory_space<vmem_shared>> -> memref<640x128xf32, #tpu.memory_space<vmem_shared>>
      tpu.wait_dma2 semaphore(%run_scoped3A : memref<!tpu.dma_semaphore, #tpu.memory_space<semaphore_mem>>) src(%dma_wait3A_22 : memref<640x128xf32, #tpu.memory_space<vmem_shared>>) dst(%dma_wait3A_20 : memref<640x128xf32, #tpu.memory_space<hbm>>)
      tpu.yield
    }) : () -> ()
    return
  }
}

#map = affine_map<(d0, d1) -> (0, 0)>
#map1 = affine_map<(d0, d1) -> (0, 0, 0)>
module attributes {stable_mosaic.version = 14 : i64} {
  func.func @_proj_body(%arg0: i32, %arg1: i32, %arg2: memref<512x128xf32, #tpu.memory_space<hbm>>, %arg3: memref<1024x128xf32, #tpu.memory_space<hbm>>, %arg4: memref<32x4x80xi32, #tpu.memory_space<hbm>>, %arg5: memref<32x4x80xi32, #tpu.memory_space<hbm>>, %arg6: memref<10240x128xf32, #tpu.memory_space<hbm>>, %arg7: memref<10240x128xf32, #tpu.memory_space<hbm>>, %arg8: memref<4x80xi32, #tpu.memory_space<vmem>>, %arg9: memref<4x80xi32, #tpu.memory_space<vmem>>, %arg10: memref<80x128xf32, #tpu.memory_space<vmem>>, %arg11: memref<!tpu.dma_semaphore, #tpu.memory_space<semaphore_mem>>) attributes {dimension_semantics = [#tpu.dimension_semantics<core_parallel>, #tpu.dimension_semantics<subcore_parallel>], iteration_bounds = array<i64: 2, 16>, scalar_prefetch = 0 : i64, scratch_operands = 4 : i64, tpu.core_type = #tpu.core_type<sc_vector_subcore>, window_params = [{transform_indices = #map}, {transform_indices = #map}, {transform_indices = #map1}, {transform_indices = #map1}, {transform_indices = #map}, {transform_indices = #map}]} {
    %mul3A = arith.constant 2 : i32
    %mul3A_0 = arith.muli %arg1, %mul3A : i32
    %add3A = arith.addi %mul3A_0, %arg0 : i32
    "tpu.region"() ({
      %run_scoped3A = tpu.sem_alloc : memref<!tpu.dma_semaphore, #tpu.memory_space<semaphore_mem>>
      %dma_start3A_143 = arith.constant 0 : i32
      %dma_start3A_144 = arith.constant 0 : i32
      %dma_start3A_145 = tpu.memref_slice %arg4[%add3A, %dma_start3A_143, %dma_start3A_144] : memref<32x4x80xi32, #tpu.memory_space<hbm>> -> memref<1x4x80xi32, #tpu.memory_space<hbm>>
      %dma_start3A_146 = tpu.memref_squeeze %dma_start3A_145 : memref<1x4x80xi32, #tpu.memory_space<hbm>> -> memref<4x80xi32, #tpu.memory_space<hbm>>
      %dma_start3A_147 = arith.constant 0 : i32
      %dma_start3A_148 = arith.constant 0 : i32
      %dma_start3A_149 = tpu.memref_slice %arg4[%add3A, %dma_start3A_147, %dma_start3A_148] : memref<32x4x80xi32, #tpu.memory_space<hbm>> -> memref<1x4x80xi32, #tpu.memory_space<hbm>>
      %dma_start3A_150 = tpu.memref_squeeze %dma_start3A_149 : memref<1x4x80xi32, #tpu.memory_space<hbm>> -> memref<4x80xi32, #tpu.memory_space<hbm>>
      tpu.enqueue_dma source(%dma_start3A_150 : memref<4x80xi32, #tpu.memory_space<hbm>>) target(%arg8 : memref<4x80xi32, #tpu.memory_space<vmem>>) target_semaphore(%run_scoped3A : memref<!tpu.dma_semaphore, #tpu.memory_space<semaphore_mem>>)
      %dma_wait3A_151 = arith.constant 0 : i32
      %dma_wait3A_152 = arith.constant 0 : i32
      %dma_wait3A_153 = tpu.memref_slice %arg4[%add3A, %dma_wait3A_151, %dma_wait3A_152] : memref<32x4x80xi32, #tpu.memory_space<hbm>> -> memref<1x4x80xi32, #tpu.memory_space<hbm>>
      %dma_wait3A_154 = tpu.memref_squeeze %dma_wait3A_153 : memref<1x4x80xi32, #tpu.memory_space<hbm>> -> memref<4x80xi32, #tpu.memory_space<hbm>>
      %dma_wait3A_155 = arith.constant 0 : i32
      %dma_wait3A_156 = arith.constant 0 : i32
      %dma_wait3A_157 = tpu.memref_slice %arg4[%add3A, %dma_wait3A_155, %dma_wait3A_156] : memref<32x4x80xi32, #tpu.memory_space<hbm>> -> memref<1x4x80xi32, #tpu.memory_space<hbm>>
      %dma_wait3A_158 = tpu.memref_squeeze %dma_wait3A_157 : memref<1x4x80xi32, #tpu.memory_space<hbm>> -> memref<4x80xi32, #tpu.memory_space<hbm>>
      tpu.wait_dma2 semaphore(%run_scoped3A : memref<!tpu.dma_semaphore, #tpu.memory_space<semaphore_mem>>) src(%dma_wait3A_158 : memref<4x80xi32, #tpu.memory_space<hbm>>) dst(%arg8 : memref<4x80xi32, #tpu.memory_space<vmem>>)
      tpu.yield
    }) : () -> ()
    "tpu.region"() ({
      %run_scoped3A = tpu.sem_alloc : memref<!tpu.dma_semaphore, #tpu.memory_space<semaphore_mem>>
      %dma_start3A_143 = arith.constant 0 : i32
      %dma_start3A_144 = arith.constant 0 : i32
      %dma_start3A_145 = tpu.memref_slice %arg5[%add3A, %dma_start3A_143, %dma_start3A_144] : memref<32x4x80xi32, #tpu.memory_space<hbm>> -> memref<1x4x80xi32, #tpu.memory_space<hbm>>
      %dma_start3A_146 = tpu.memref_squeeze %dma_start3A_145 : memref<1x4x80xi32, #tpu.memory_space<hbm>> -> memref<4x80xi32, #tpu.memory_space<hbm>>
      %dma_start3A_147 = arith.constant 0 : i32
      %dma_start3A_148 = arith.constant 0 : i32
      %dma_start3A_149 = tpu.memref_slice %arg5[%add3A, %dma_start3A_147, %dma_start3A_148] : memref<32x4x80xi32, #tpu.memory_space<hbm>> -> memref<1x4x80xi32, #tpu.memory_space<hbm>>
      %dma_start3A_150 = tpu.memref_squeeze %dma_start3A_149 : memref<1x4x80xi32, #tpu.memory_space<hbm>> -> memref<4x80xi32, #tpu.memory_space<hbm>>
      tpu.enqueue_dma source(%dma_start3A_150 : memref<4x80xi32, #tpu.memory_space<hbm>>) target(%arg9 : memref<4x80xi32, #tpu.memory_space<vmem>>) target_semaphore(%run_scoped3A : memref<!tpu.dma_semaphore, #tpu.memory_space<semaphore_mem>>)
      %dma_wait3A_151 = arith.constant 0 : i32
      %dma_wait3A_152 = arith.constant 0 : i32
      %dma_wait3A_153 = tpu.memref_slice %arg5[%add3A, %dma_wait3A_151, %dma_wait3A_152] : memref<32x4x80xi32, #tpu.memory_space<hbm>> -> memref<1x4x80xi32, #tpu.memory_space<hbm>>
      %dma_wait3A_154 = tpu.memref_squeeze %dma_wait3A_153 : memref<1x4x80xi32, #tpu.memory_space<hbm>> -> memref<4x80xi32, #tpu.memory_space<hbm>>
      %dma_wait3A_155 = arith.constant 0 : i32
      %dma_wait3A_156 = arith.constant 0 : i32
      %dma_wait3A_157 = tpu.memref_slice %arg5[%add3A, %dma_wait3A_155, %dma_wait3A_156] : memref<32x4x80xi32, #tpu.memory_space<hbm>> -> memref<1x4x80xi32, #tpu.memory_space<hbm>>
      %dma_wait3A_158 = tpu.memref_squeeze %dma_wait3A_157 : memref<1x4x80xi32, #tpu.memory_space<hbm>> -> memref<4x80xi32, #tpu.memory_space<hbm>>
      tpu.wait_dma2 semaphore(%run_scoped3A : memref<!tpu.dma_semaphore, #tpu.memory_space<semaphore_mem>>) src(%dma_wait3A_158 : memref<4x80xi32, #tpu.memory_space<hbm>>) dst(%arg9 : memref<4x80xi32, #tpu.memory_space<vmem>>)
      tpu.yield
    }) : () -> ()
    %dma_start3A = arith.constant 0 : i32
    %dma_start3A_1 = arith.constant 0 : i32
    %dma_start3A_2 = tpu.memref_slice %arg8[%dma_start3A, %dma_start3A_1] : memref<4x80xi32, #tpu.memory_space<vmem>> -> memref<1x80xi32, #tpu.memory_space<vmem>>
    %dma_start3A_3 = tpu.memref_squeeze %dma_start3A_2 : memref<1x80xi32, #tpu.memory_space<vmem>> -> memref<80xi32, #tpu.memory_space<vmem>>
    %dma_start3A_4 = arith.constant 0 : i32
    %dma_start3A_5 = arith.constant 0 : i32
    %dma_start3A_6 = tpu.memref_slice %arg2[%dma_start3A_4, %dma_start3A_5] : memref<512x128xf32, #tpu.memory_space<hbm>> -> memref<512x128xf32, #tpu.memory_space<hbm>>
    tpu.enqueue_indirect_dma source(%dma_start3A_6 : memref<512x128xf32, #tpu.memory_space<hbm>>) target(%arg10 : memref<80x128xf32, #tpu.memory_space<vmem>>) offsets(%dma_start3A_3 : memref<80xi32, #tpu.memory_space<vmem>>) semaphore(%arg11 : memref<!tpu.dma_semaphore, #tpu.memory_space<semaphore_mem>>)
    %dma_wait3A = arith.constant 0 : i32
    %dma_wait3A_7 = arith.constant 0 : i32
    %dma_wait3A_8 = tpu.memref_slice %arg8[%dma_wait3A, %dma_wait3A_7] : memref<4x80xi32, #tpu.memory_space<vmem>> -> memref<1x80xi32, #tpu.memory_space<vmem>>
    %dma_wait3A_9 = tpu.memref_squeeze %dma_wait3A_8 : memref<1x80xi32, #tpu.memory_space<vmem>> -> memref<80xi32, #tpu.memory_space<vmem>>
    %dma_wait3A_10 = arith.constant 0 : i32
    %dma_wait3A_11 = arith.constant 0 : i32
    %dma_wait3A_12 = tpu.memref_slice %arg2[%dma_wait3A_10, %dma_wait3A_11] : memref<512x128xf32, #tpu.memory_space<hbm>> -> memref<512x128xf32, #tpu.memory_space<hbm>>
    tpu.wait_indirect_dma semaphore(%arg11 : memref<!tpu.dma_semaphore, #tpu.memory_space<semaphore_mem>>) src(%dma_wait3A_12 : memref<512x128xf32, #tpu.memory_space<hbm>>) dst(%arg10 : memref<80x128xf32, #tpu.memory_space<vmem>>)
    %mul3A_13 = arith.constant 320 : i32
    %mul3A_14 = arith.muli %add3A, %mul3A_13 : i32
    %add3A_15 = arith.constant 0 : i32
    %add3A_16 = arith.addi %mul3A_14, %add3A_15 : i32
    "tpu.region"() ({
      %run_scoped3A = tpu.sem_alloc : memref<!tpu.dma_semaphore, #tpu.memory_space<semaphore_mem>>
      %dma_start3A_143 = arith.constant 0 : i32
      %dma_start3A_144 = tpu.memref_slice %arg6[%add3A_16, %dma_start3A_143] : memref<10240x128xf32, #tpu.memory_space<hbm>> -> memref<80x128xf32, #tpu.memory_space<hbm>>
      %dma_start3A_145 = arith.constant 0 : i32
      %dma_start3A_146 = tpu.memref_slice %arg6[%add3A_16, %dma_start3A_145] : memref<10240x128xf32, #tpu.memory_space<hbm>> -> memref<80x128xf32, #tpu.memory_space<hbm>>
      tpu.enqueue_dma source(%arg10 : memref<80x128xf32, #tpu.memory_space<vmem>>) target(%dma_start3A_146 : memref<80x128xf32, #tpu.memory_space<hbm>>) target_semaphore(%run_scoped3A : memref<!tpu.dma_semaphore, #tpu.memory_space<semaphore_mem>>)
      %dma_wait3A_147 = arith.constant 0 : i32
      %dma_wait3A_148 = tpu.memref_slice %arg6[%add3A_16, %dma_wait3A_147] : memref<10240x128xf32, #tpu.memory_space<hbm>> -> memref<80x128xf32, #tpu.memory_space<hbm>>
      %dma_wait3A_149 = arith.constant 0 : i32
      %dma_wait3A_150 = tpu.memref_slice %arg6[%add3A_16, %dma_wait3A_149] : memref<10240x128xf32, #tpu.memory_space<hbm>> -> memref<80x128xf32, #tpu.memory_space<hbm>>
      tpu.wait_dma2 semaphore(%run_scoped3A : memref<!tpu.dma_semaphore, #tpu.memory_space<semaphore_mem>>) src(%arg10 : memref<80x128xf32, #tpu.memory_space<vmem>>) dst(%dma_wait3A_150 : memref<80x128xf32, #tpu.memory_space<hbm>>)
      tpu.yield
    }) : () -> ()
    %dma_start3A_17 = arith.constant 0 : i32
    %dma_start3A_18 = arith.constant 0 : i32
    %dma_start3A_19 = tpu.memref_slice %arg9[%dma_start3A_17, %dma_start3A_18] : memref<4x80xi32, #tpu.memory_space<vmem>> -> memref<1x80xi32, #tpu.memory_space<vmem>>
    %dma_start3A_20 = tpu.memref_squeeze %dma_start3A_19 : memref<1x80xi32, #tpu.memory_space<vmem>> -> memref<80xi32, #tpu.memory_space<vmem>>
    %dma_start3A_21 = arith.constant 0 : i32
    %dma_start3A_22 = arith.constant 0 : i32
    %dma_start3A_23 = tpu.memref_slice %arg3[%dma_start3A_21, %dma_start3A_22] : memref<1024x128xf32, #tpu.memory_space<hbm>> -> memref<1024x128xf32, #tpu.memory_space<hbm>>
    tpu.enqueue_indirect_dma source(%dma_start3A_23 : memref<1024x128xf32, #tpu.memory_space<hbm>>) target(%arg10 : memref<80x128xf32, #tpu.memory_space<vmem>>) offsets(%dma_start3A_20 : memref<80xi32, #tpu.memory_space<vmem>>) semaphore(%arg11 : memref<!tpu.dma_semaphore, #tpu.memory_space<semaphore_mem>>)
    %dma_wait3A_24 = arith.constant 0 : i32
    %dma_wait3A_25 = arith.constant 0 : i32
    %dma_wait3A_26 = tpu.memref_slice %arg9[%dma_wait3A_24, %dma_wait3A_25] : memref<4x80xi32, #tpu.memory_space<vmem>> -> memref<1x80xi32, #tpu.memory_space<vmem>>
    %dma_wait3A_27 = tpu.memref_squeeze %dma_wait3A_26 : memref<1x80xi32, #tpu.memory_space<vmem>> -> memref<80xi32, #tpu.memory_space<vmem>>
    %dma_wait3A_28 = arith.constant 0 : i32
    %dma_wait3A_29 = arith.constant 0 : i32
    %dma_wait3A_30 = tpu.memref_slice %arg3[%dma_wait3A_28, %dma_wait3A_29] : memref<1024x128xf32, #tpu.memory_space<hbm>> -> memref<1024x128xf32, #tpu.memory_space<hbm>>
    tpu.wait_indirect_dma semaphore(%arg11 : memref<!tpu.dma_semaphore, #tpu.memory_space<semaphore_mem>>) src(%dma_wait3A_30 : memref<1024x128xf32, #tpu.memory_space<hbm>>) dst(%arg10 : memref<80x128xf32, #tpu.memory_space<vmem>>)
    %mul3A_31 = arith.constant 320 : i32
    %mul3A_32 = arith.muli %add3A, %mul3A_31 : i32
    %add3A_33 = arith.constant 0 : i32
    %add3A_34 = arith.addi %mul3A_32, %add3A_33 : i32
    "tpu.region"() ({
      %run_scoped3A = tpu.sem_alloc : memref<!tpu.dma_semaphore, #tpu.memory_space<semaphore_mem>>
      %dma_start3A_143 = arith.constant 0 : i32
      %dma_start3A_144 = tpu.memref_slice %arg7[%add3A_34, %dma_start3A_143] : memref<10240x128xf32, #tpu.memory_space<hbm>> -> memref<80x128xf32, #tpu.memory_space<hbm>>
      %dma_start3A_145 = arith.constant 0 : i32
      %dma_start3A_146 = tpu.memref_slice %arg7[%add3A_34, %dma_start3A_145] : memref<10240x128xf32, #tpu.memory_space<hbm>> -> memref<80x128xf32, #tpu.memory_space<hbm>>
      tpu.enqueue_dma source(%arg10 : memref<80x128xf32, #tpu.memory_space<vmem>>) target(%dma_start3A_146 : memref<80x128xf32, #tpu.memory_space<hbm>>) target_semaphore(%run_scoped3A : memref<!tpu.dma_semaphore, #tpu.memory_space<semaphore_mem>>)
      %dma_wait3A_147 = arith.constant 0 : i32
      %dma_wait3A_148 = tpu.memref_slice %arg7[%add3A_34, %dma_wait3A_147] : memref<10240x128xf32, #tpu.memory_space<hbm>> -> memref<80x128xf32, #tpu.memory_space<hbm>>
      %dma_wait3A_149 = arith.constant 0 : i32
      %dma_wait3A_150 = tpu.memref_slice %arg7[%add3A_34, %dma_wait3A_149] : memref<10240x128xf32, #tpu.memory_space<hbm>> -> memref<80x128xf32, #tpu.memory_space<hbm>>
      tpu.wait_dma2 semaphore(%run_scoped3A : memref<!tpu.dma_semaphore, #tpu.memory_space<semaphore_mem>>) src(%arg10 : memref<80x128xf32, #tpu.memory_space<vmem>>) dst(%dma_wait3A_150 : memref<80x128xf32, #tpu.memory_space<hbm>>)
      tpu.yield
    }) : () -> ()
    %dma_start3A_35 = arith.constant 1 : i32
    %dma_start3A_36 = arith.constant 0 : i32
    %dma_start3A_37 = tpu.memref_slice %arg8[%dma_start3A_35, %dma_start3A_36] : memref<4x80xi32, #tpu.memory_space<vmem>> -> memref<1x80xi32, #tpu.memory_space<vmem>>
    %dma_start3A_38 = tpu.memref_squeeze %dma_start3A_37 : memref<1x80xi32, #tpu.memory_space<vmem>> -> memref<80xi32, #tpu.memory_space<vmem>>
    %dma_start3A_39 = arith.constant 0 : i32
    %dma_start3A_40 = arith.constant 0 : i32
    %dma_start3A_41 = tpu.memref_slice %arg2[%dma_start3A_39, %dma_start3A_40] : memref<512x128xf32, #tpu.memory_space<hbm>> -> memref<512x128xf32, #tpu.memory_space<hbm>>
    tpu.enqueue_indirect_dma source(%dma_start3A_41 : memref<512x128xf32, #tpu.memory_space<hbm>>) target(%arg10 : memref<80x128xf32, #tpu.memory_space<vmem>>) offsets(%dma_start3A_38 : memref<80xi32, #tpu.memory_space<vmem>>) semaphore(%arg11 : memref<!tpu.dma_semaphore, #tpu.memory_space<semaphore_mem>>)
    %dma_wait3A_42 = arith.constant 1 : i32
    %dma_wait3A_43 = arith.constant 0 : i32
    %dma_wait3A_44 = tpu.memref_slice %arg8[%dma_wait3A_42, %dma_wait3A_43] : memref<4x80xi32, #tpu.memory_space<vmem>> -> memref<1x80xi32, #tpu.memory_space<vmem>>
    %dma_wait3A_45 = tpu.memref_squeeze %dma_wait3A_44 : memref<1x80xi32, #tpu.memory_space<vmem>> -> memref<80xi32, #tpu.memory_space<vmem>>
    %dma_wait3A_46 = arith.constant 0 : i32
    %dma_wait3A_47 = arith.constant 0 : i32
    %dma_wait3A_48 = tpu.memref_slice %arg2[%dma_wait3A_46, %dma_wait3A_47] : memref<512x128xf32, #tpu.memory_space<hbm>> -> memref<512x128xf32, #tpu.memory_space<hbm>>
    tpu.wait_indirect_dma semaphore(%arg11 : memref<!tpu.dma_semaphore, #tpu.memory_space<semaphore_mem>>) src(%dma_wait3A_48 : memref<512x128xf32, #tpu.memory_space<hbm>>) dst(%arg10 : memref<80x128xf32, #tpu.memory_space<vmem>>)
    %mul3A_49 = arith.constant 320 : i32
    %mul3A_50 = arith.muli %add3A, %mul3A_49 : i32
    %add3A_51 = arith.constant 80 : i32
    %add3A_52 = arith.addi %mul3A_50, %add3A_51 : i32
    "tpu.region"() ({
      %run_scoped3A = tpu.sem_alloc : memref<!tpu.dma_semaphore, #tpu.memory_space<semaphore_mem>>
      %dma_start3A_143 = arith.constant 0 : i32
      %dma_start3A_144 = tpu.memref_slice %arg6[%add3A_52, %dma_start3A_143] : memref<10240x128xf32, #tpu.memory_space<hbm>> -> memref<80x128xf32, #tpu.memory_space<hbm>>
      %dma_start3A_145 = arith.constant 0 : i32
      %dma_start3A_146 = tpu.memref_slice %arg6[%add3A_52, %dma_start3A_145] : memref<10240x128xf32, #tpu.memory_space<hbm>> -> memref<80x128xf32, #tpu.memory_space<hbm>>
      tpu.enqueue_dma source(%arg10 : memref<80x128xf32, #tpu.memory_space<vmem>>) target(%dma_start3A_146 : memref<80x128xf32, #tpu.memory_space<hbm>>) target_semaphore(%run_scoped3A : memref<!tpu.dma_semaphore, #tpu.memory_space<semaphore_mem>>)
      %dma_wait3A_147 = arith.constant 0 : i32
      %dma_wait3A_148 = tpu.memref_slice %arg6[%add3A_52, %dma_wait3A_147] : memref<10240x128xf32, #tpu.memory_space<hbm>> -> memref<80x128xf32, #tpu.memory_space<hbm>>
      %dma_wait3A_149 = arith.constant 0 : i32
      %dma_wait3A_150 = tpu.memref_slice %arg6[%add3A_52, %dma_wait3A_149] : memref<10240x128xf32, #tpu.memory_space<hbm>> -> memref<80x128xf32, #tpu.memory_space<hbm>>
      tpu.wait_dma2 semaphore(%run_scoped3A : memref<!tpu.dma_semaphore, #tpu.memory_space<semaphore_mem>>) src(%arg10 : memref<80x128xf32, #tpu.memory_space<vmem>>) dst(%dma_wait3A_150 : memref<80x128xf32, #tpu.memory_space<hbm>>)
      tpu.yield
    }) : () -> ()
    %dma_start3A_53 = arith.constant 1 : i32
    %dma_start3A_54 = arith.constant 0 : i32
    %dma_start3A_55 = tpu.memref_slice %arg9[%dma_start3A_53, %dma_start3A_54] : memref<4x80xi32, #tpu.memory_space<vmem>> -> memref<1x80xi32, #tpu.memory_space<vmem>>
    %dma_start3A_56 = tpu.memref_squeeze %dma_start3A_55 : memref<1x80xi32, #tpu.memory_space<vmem>> -> memref<80xi32, #tpu.memory_space<vmem>>
    %dma_start3A_57 = arith.constant 0 : i32
    %dma_start3A_58 = arith.constant 0 : i32
    %dma_start3A_59 = tpu.memref_slice %arg3[%dma_start3A_57, %dma_start3A_58] : memref<1024x128xf32, #tpu.memory_space<hbm>> -> memref<1024x128xf32, #tpu.memory_space<hbm>>
    tpu.enqueue_indirect_dma source(%dma_start3A_59 : memref<1024x128xf32, #tpu.memory_space<hbm>>) target(%arg10 : memref<80x128xf32, #tpu.memory_space<vmem>>) offsets(%dma_start3A_56 : memref<80xi32, #tpu.memory_space<vmem>>) semaphore(%arg11 : memref<!tpu.dma_semaphore, #tpu.memory_space<semaphore_mem>>)
    %dma_wait3A_60 = arith.constant 1 : i32
    %dma_wait3A_61 = arith.constant 0 : i32
    %dma_wait3A_62 = tpu.memref_slice %arg9[%dma_wait3A_60, %dma_wait3A_61] : memref<4x80xi32, #tpu.memory_space<vmem>> -> memref<1x80xi32, #tpu.memory_space<vmem>>
    %dma_wait3A_63 = tpu.memref_squeeze %dma_wait3A_62 : memref<1x80xi32, #tpu.memory_space<vmem>> -> memref<80xi32, #tpu.memory_space<vmem>>
    %dma_wait3A_64 = arith.constant 0 : i32
    %dma_wait3A_65 = arith.constant 0 : i32
    %dma_wait3A_66 = tpu.memref_slice %arg3[%dma_wait3A_64, %dma_wait3A_65] : memref<1024x128xf32, #tpu.memory_space<hbm>> -> memref<1024x128xf32, #tpu.memory_space<hbm>>
    tpu.wait_indirect_dma semaphore(%arg11 : memref<!tpu.dma_semaphore, #tpu.memory_space<semaphore_mem>>) src(%dma_wait3A_66 : memref<1024x128xf32, #tpu.memory_space<hbm>>) dst(%arg10 : memref<80x128xf32, #tpu.memory_space<vmem>>)
    %mul3A_67 = arith.constant 320 : i32
    %mul3A_68 = arith.muli %add3A, %mul3A_67 : i32
    %add3A_69 = arith.constant 80 : i32
    %add3A_70 = arith.addi %mul3A_68, %add3A_69 : i32
    "tpu.region"() ({
      %run_scoped3A = tpu.sem_alloc : memref<!tpu.dma_semaphore, #tpu.memory_space<semaphore_mem>>
      %dma_start3A_143 = arith.constant 0 : i32
      %dma_start3A_144 = tpu.memref_slice %arg7[%add3A_70, %dma_start3A_143] : memref<10240x128xf32, #tpu.memory_space<hbm>> -> memref<80x128xf32, #tpu.memory_space<hbm>>
      %dma_start3A_145 = arith.constant 0 : i32
      %dma_start3A_146 = tpu.memref_slice %arg7[%add3A_70, %dma_start3A_145] : memref<10240x128xf32, #tpu.memory_space<hbm>> -> memref<80x128xf32, #tpu.memory_space<hbm>>
      tpu.enqueue_dma source(%arg10 : memref<80x128xf32, #tpu.memory_space<vmem>>) target(%dma_start3A_146 : memref<80x128xf32, #tpu.memory_space<hbm>>) target_semaphore(%run_scoped3A : memref<!tpu.dma_semaphore, #tpu.memory_space<semaphore_mem>>)
      %dma_wait3A_147 = arith.constant 0 : i32
      %dma_wait3A_148 = tpu.memref_slice %arg7[%add3A_70, %dma_wait3A_147] : memref<10240x128xf32, #tpu.memory_space<hbm>> -> memref<80x128xf32, #tpu.memory_space<hbm>>
      %dma_wait3A_149 = arith.constant 0 : i32
      %dma_wait3A_150 = tpu.memref_slice %arg7[%add3A_70, %dma_wait3A_149] : memref<10240x128xf32, #tpu.memory_space<hbm>> -> memref<80x128xf32, #tpu.memory_space<hbm>>
      tpu.wait_dma2 semaphore(%run_scoped3A : memref<!tpu.dma_semaphore, #tpu.memory_space<semaphore_mem>>) src(%arg10 : memref<80x128xf32, #tpu.memory_space<vmem>>) dst(%dma_wait3A_150 : memref<80x128xf32, #tpu.memory_space<hbm>>)
      tpu.yield
    }) : () -> ()
    %dma_start3A_71 = arith.constant 2 : i32
    %dma_start3A_72 = arith.constant 0 : i32
    %dma_start3A_73 = tpu.memref_slice %arg8[%dma_start3A_71, %dma_start3A_72] : memref<4x80xi32, #tpu.memory_space<vmem>> -> memref<1x80xi32, #tpu.memory_space<vmem>>
    %dma_start3A_74 = tpu.memref_squeeze %dma_start3A_73 : memref<1x80xi32, #tpu.memory_space<vmem>> -> memref<80xi32, #tpu.memory_space<vmem>>
    %dma_start3A_75 = arith.constant 0 : i32
    %dma_start3A_76 = arith.constant 0 : i32
    %dma_start3A_77 = tpu.memref_slice %arg2[%dma_start3A_75, %dma_start3A_76] : memref<512x128xf32, #tpu.memory_space<hbm>> -> memref<512x128xf32, #tpu.memory_space<hbm>>
    tpu.enqueue_indirect_dma source(%dma_start3A_77 : memref<512x128xf32, #tpu.memory_space<hbm>>) target(%arg10 : memref<80x128xf32, #tpu.memory_space<vmem>>) offsets(%dma_start3A_74 : memref<80xi32, #tpu.memory_space<vmem>>) semaphore(%arg11 : memref<!tpu.dma_semaphore, #tpu.memory_space<semaphore_mem>>)
    %dma_wait3A_78 = arith.constant 2 : i32
    %dma_wait3A_79 = arith.constant 0 : i32
    %dma_wait3A_80 = tpu.memref_slice %arg8[%dma_wait3A_78, %dma_wait3A_79] : memref<4x80xi32, #tpu.memory_space<vmem>> -> memref<1x80xi32, #tpu.memory_space<vmem>>
    %dma_wait3A_81 = tpu.memref_squeeze %dma_wait3A_80 : memref<1x80xi32, #tpu.memory_space<vmem>> -> memref<80xi32, #tpu.memory_space<vmem>>
    %dma_wait3A_82 = arith.constant 0 : i32
    %dma_wait3A_83 = arith.constant 0 : i32
    %dma_wait3A_84 = tpu.memref_slice %arg2[%dma_wait3A_82, %dma_wait3A_83] : memref<512x128xf32, #tpu.memory_space<hbm>> -> memref<512x128xf32, #tpu.memory_space<hbm>>
    tpu.wait_indirect_dma semaphore(%arg11 : memref<!tpu.dma_semaphore, #tpu.memory_space<semaphore_mem>>) src(%dma_wait3A_84 : memref<512x128xf32, #tpu.memory_space<hbm>>) dst(%arg10 : memref<80x128xf32, #tpu.memory_space<vmem>>)
    %mul3A_85 = arith.constant 320 : i32
    %mul3A_86 = arith.muli %add3A, %mul3A_85 : i32
    %add3A_87 = arith.constant 160 : i32
    %add3A_88 = arith.addi %mul3A_86, %add3A_87 : i32
    "tpu.region"() ({
      %run_scoped3A = tpu.sem_alloc : memref<!tpu.dma_semaphore, #tpu.memory_space<semaphore_mem>>
      %dma_start3A_143 = arith.constant 0 : i32
      %dma_start3A_144 = tpu.memref_slice %arg6[%add3A_88, %dma_start3A_143] : memref<10240x128xf32, #tpu.memory_space<hbm>> -> memref<80x128xf32, #tpu.memory_space<hbm>>
      %dma_start3A_145 = arith.constant 0 : i32
      %dma_start3A_146 = tpu.memref_slice %arg6[%add3A_88, %dma_start3A_145] : memref<10240x128xf32, #tpu.memory_space<hbm>> -> memref<80x128xf32, #tpu.memory_space<hbm>>
      tpu.enqueue_dma source(%arg10 : memref<80x128xf32, #tpu.memory_space<vmem>>) target(%dma_start3A_146 : memref<80x128xf32, #tpu.memory_space<hbm>>) target_semaphore(%run_scoped3A : memref<!tpu.dma_semaphore, #tpu.memory_space<semaphore_mem>>)
      %dma_wait3A_147 = arith.constant 0 : i32
      %dma_wait3A_148 = tpu.memref_slice %arg6[%add3A_88, %dma_wait3A_147] : memref<10240x128xf32, #tpu.memory_space<hbm>> -> memref<80x128xf32, #tpu.memory_space<hbm>>
      %dma_wait3A_149 = arith.constant 0 : i32
      %dma_wait3A_150 = tpu.memref_slice %arg6[%add3A_88, %dma_wait3A_149] : memref<10240x128xf32, #tpu.memory_space<hbm>> -> memref<80x128xf32, #tpu.memory_space<hbm>>
      tpu.wait_dma2 semaphore(%run_scoped3A : memref<!tpu.dma_semaphore, #tpu.memory_space<semaphore_mem>>) src(%arg10 : memref<80x128xf32, #tpu.memory_space<vmem>>) dst(%dma_wait3A_150 : memref<80x128xf32, #tpu.memory_space<hbm>>)
      tpu.yield
    }) : () -> ()
    %dma_start3A_89 = arith.constant 2 : i32
    %dma_start3A_90 = arith.constant 0 : i32
    %dma_start3A_91 = tpu.memref_slice %arg9[%dma_start3A_89, %dma_start3A_90] : memref<4x80xi32, #tpu.memory_space<vmem>> -> memref<1x80xi32, #tpu.memory_space<vmem>>
    %dma_start3A_92 = tpu.memref_squeeze %dma_start3A_91 : memref<1x80xi32, #tpu.memory_space<vmem>> -> memref<80xi32, #tpu.memory_space<vmem>>
    %dma_start3A_93 = arith.constant 0 : i32
    %dma_start3A_94 = arith.constant 0 : i32
    %dma_start3A_95 = tpu.memref_slice %arg3[%dma_start3A_93, %dma_start3A_94] : memref<1024x128xf32, #tpu.memory_space<hbm>> -> memref<1024x128xf32, #tpu.memory_space<hbm>>
    tpu.enqueue_indirect_dma source(%dma_start3A_95 : memref<1024x128xf32, #tpu.memory_space<hbm>>) target(%arg10 : memref<80x128xf32, #tpu.memory_space<vmem>>) offsets(%dma_start3A_92 : memref<80xi32, #tpu.memory_space<vmem>>) semaphore(%arg11 : memref<!tpu.dma_semaphore, #tpu.memory_space<semaphore_mem>>)
    %dma_wait3A_96 = arith.constant 2 : i32
    %dma_wait3A_97 = arith.constant 0 : i32
    %dma_wait3A_98 = tpu.memref_slice %arg9[%dma_wait3A_96, %dma_wait3A_97] : memref<4x80xi32, #tpu.memory_space<vmem>> -> memref<1x80xi32, #tpu.memory_space<vmem>>
    %dma_wait3A_99 = tpu.memref_squeeze %dma_wait3A_98 : memref<1x80xi32, #tpu.memory_space<vmem>> -> memref<80xi32, #tpu.memory_space<vmem>>
    %dma_wait3A_100 = arith.constant 0 : i32
    %dma_wait3A_101 = arith.constant 0 : i32
    %dma_wait3A_102 = tpu.memref_slice %arg3[%dma_wait3A_100, %dma_wait3A_101] : memref<1024x128xf32, #tpu.memory_space<hbm>> -> memref<1024x128xf32, #tpu.memory_space<hbm>>
    tpu.wait_indirect_dma semaphore(%arg11 : memref<!tpu.dma_semaphore, #tpu.memory_space<semaphore_mem>>) src(%dma_wait3A_102 : memref<1024x128xf32, #tpu.memory_space<hbm>>) dst(%arg10 : memref<80x128xf32, #tpu.memory_space<vmem>>)
    %mul3A_103 = arith.constant 320 : i32
    %mul3A_104 = arith.muli %add3A, %mul3A_103 : i32
    %add3A_105 = arith.constant 160 : i32
    %add3A_106 = arith.addi %mul3A_104, %add3A_105 : i32
    "tpu.region"() ({
      %run_scoped3A = tpu.sem_alloc : memref<!tpu.dma_semaphore, #tpu.memory_space<semaphore_mem>>
      %dma_start3A_143 = arith.constant 0 : i32
      %dma_start3A_144 = tpu.memref_slice %arg7[%add3A_106, %dma_start3A_143] : memref<10240x128xf32, #tpu.memory_space<hbm>> -> memref<80x128xf32, #tpu.memory_space<hbm>>
      %dma_start3A_145 = arith.constant 0 : i32
      %dma_start3A_146 = tpu.memref_slice %arg7[%add3A_106, %dma_start3A_145] : memref<10240x128xf32, #tpu.memory_space<hbm>> -> memref<80x128xf32, #tpu.memory_space<hbm>>
      tpu.enqueue_dma source(%arg10 : memref<80x128xf32, #tpu.memory_space<vmem>>) target(%dma_start3A_146 : memref<80x128xf32, #tpu.memory_space<hbm>>) target_semaphore(%run_scoped3A : memref<!tpu.dma_semaphore, #tpu.memory_space<semaphore_mem>>)
      %dma_wait3A_147 = arith.constant 0 : i32
      %dma_wait3A_148 = tpu.memref_slice %arg7[%add3A_106, %dma_wait3A_147] : memref<10240x128xf32, #tpu.memory_space<hbm>> -> memref<80x128xf32, #tpu.memory_space<hbm>>
      %dma_wait3A_149 = arith.constant 0 : i32
      %dma_wait3A_150 = tpu.memref_slice %arg7[%add3A_106, %dma_wait3A_149] : memref<10240x128xf32, #tpu.memory_space<hbm>> -> memref<80x128xf32, #tpu.memory_space<hbm>>
      tpu.wait_dma2 semaphore(%run_scoped3A : memref<!tpu.dma_semaphore, #tpu.memory_space<semaphore_mem>>) src(%arg10 : memref<80x128xf32, #tpu.memory_space<vmem>>) dst(%dma_wait3A_150 : memref<80x128xf32, #tpu.memory_space<hbm>>)
      tpu.yield
    }) : () -> ()
    %dma_start3A_107 = arith.constant 3 : i32
    %dma_start3A_108 = arith.constant 0 : i32
    %dma_start3A_109 = tpu.memref_slice %arg8[%dma_start3A_107, %dma_start3A_108] : memref<4x80xi32, #tpu.memory_space<vmem>> -> memref<1x80xi32, #tpu.memory_space<vmem>>
    %dma_start3A_110 = tpu.memref_squeeze %dma_start3A_109 : memref<1x80xi32, #tpu.memory_space<vmem>> -> memref<80xi32, #tpu.memory_space<vmem>>
    %dma_start3A_111 = arith.constant 0 : i32
    %dma_start3A_112 = arith.constant 0 : i32
    %dma_start3A_113 = tpu.memref_slice %arg2[%dma_start3A_111, %dma_start3A_112] : memref<512x128xf32, #tpu.memory_space<hbm>> -> memref<512x128xf32, #tpu.memory_space<hbm>>
    tpu.enqueue_indirect_dma source(%dma_start3A_113 : memref<512x128xf32, #tpu.memory_space<hbm>>) target(%arg10 : memref<80x128xf32, #tpu.memory_space<vmem>>) offsets(%dma_start3A_110 : memref<80xi32, #tpu.memory_space<vmem>>) semaphore(%arg11 : memref<!tpu.dma_semaphore, #tpu.memory_space<semaphore_mem>>)
    %dma_wait3A_114 = arith.constant 3 : i32
    %dma_wait3A_115 = arith.constant 0 : i32
    %dma_wait3A_116 = tpu.memref_slice %arg8[%dma_wait3A_114, %dma_wait3A_115] : memref<4x80xi32, #tpu.memory_space<vmem>> -> memref<1x80xi32, #tpu.memory_space<vmem>>
    %dma_wait3A_117 = tpu.memref_squeeze %dma_wait3A_116 : memref<1x80xi32, #tpu.memory_space<vmem>> -> memref<80xi32, #tpu.memory_space<vmem>>
    %dma_wait3A_118 = arith.constant 0 : i32
    %dma_wait3A_119 = arith.constant 0 : i32
    %dma_wait3A_120 = tpu.memref_slice %arg2[%dma_wait3A_118, %dma_wait3A_119] : memref<512x128xf32, #tpu.memory_space<hbm>> -> memref<512x128xf32, #tpu.memory_space<hbm>>
    tpu.wait_indirect_dma semaphore(%arg11 : memref<!tpu.dma_semaphore, #tpu.memory_space<semaphore_mem>>) src(%dma_wait3A_120 : memref<512x128xf32, #tpu.memory_space<hbm>>) dst(%arg10 : memref<80x128xf32, #tpu.memory_space<vmem>>)
    %mul3A_121 = arith.constant 320 : i32
    %mul3A_122 = arith.muli %add3A, %mul3A_121 : i32
    %add3A_123 = arith.constant 240 : i32
    %add3A_124 = arith.addi %mul3A_122, %add3A_123 : i32
    "tpu.region"() ({
      %run_scoped3A = tpu.sem_alloc : memref<!tpu.dma_semaphore, #tpu.memory_space<semaphore_mem>>
      %dma_start3A_143 = arith.constant 0 : i32
      %dma_start3A_144 = tpu.memref_slice %arg6[%add3A_124, %dma_start3A_143] : memref<10240x128xf32, #tpu.memory_space<hbm>> -> memref<80x128xf32, #tpu.memory_space<hbm>>
      %dma_start3A_145 = arith.constant 0 : i32
      %dma_start3A_146 = tpu.memref_slice %arg6[%add3A_124, %dma_start3A_145] : memref<10240x128xf32, #tpu.memory_space<hbm>> -> memref<80x128xf32, #tpu.memory_space<hbm>>
      tpu.enqueue_dma source(%arg10 : memref<80x128xf32, #tpu.memory_space<vmem>>) target(%dma_start3A_146 : memref<80x128xf32, #tpu.memory_space<hbm>>) target_semaphore(%run_scoped3A : memref<!tpu.dma_semaphore, #tpu.memory_space<semaphore_mem>>)
      %dma_wait3A_147 = arith.constant 0 : i32
      %dma_wait3A_148 = tpu.memref_slice %arg6[%add3A_124, %dma_wait3A_147] : memref<10240x128xf32, #tpu.memory_space<hbm>> -> memref<80x128xf32, #tpu.memory_space<hbm>>
      %dma_wait3A_149 = arith.constant 0 : i32
      %dma_wait3A_150 = tpu.memref_slice %arg6[%add3A_124, %dma_wait3A_149] : memref<10240x128xf32, #tpu.memory_space<hbm>> -> memref<80x128xf32, #tpu.memory_space<hbm>>
      tpu.wait_dma2 semaphore(%run_scoped3A : memref<!tpu.dma_semaphore, #tpu.memory_space<semaphore_mem>>) src(%arg10 : memref<80x128xf32, #tpu.memory_space<vmem>>) dst(%dma_wait3A_150 : memref<80x128xf32, #tpu.memory_space<hbm>>)
      tpu.yield
    }) : () -> ()
    %dma_start3A_125 = arith.constant 3 : i32
    %dma_start3A_126 = arith.constant 0 : i32
    %dma_start3A_127 = tpu.memref_slice %arg9[%dma_start3A_125, %dma_start3A_126] : memref<4x80xi32, #tpu.memory_space<vmem>> -> memref<1x80xi32, #tpu.memory_space<vmem>>
    %dma_start3A_128 = tpu.memref_squeeze %dma_start3A_127 : memref<1x80xi32, #tpu.memory_space<vmem>> -> memref<80xi32, #tpu.memory_space<vmem>>
    %dma_start3A_129 = arith.constant 0 : i32
    %dma_start3A_130 = arith.constant 0 : i32
    %dma_start3A_131 = tpu.memref_slice %arg3[%dma_start3A_129, %dma_start3A_130] : memref<1024x128xf32, #tpu.memory_space<hbm>> -> memref<1024x128xf32, #tpu.memory_space<hbm>>
    tpu.enqueue_indirect_dma source(%dma_start3A_131 : memref<1024x128xf32, #tpu.memory_space<hbm>>) target(%arg10 : memref<80x128xf32, #tpu.memory_space<vmem>>) offsets(%dma_start3A_128 : memref<80xi32, #tpu.memory_space<vmem>>) semaphore(%arg11 : memref<!tpu.dma_semaphore, #tpu.memory_space<semaphore_mem>>)
    %dma_wait3A_132 = arith.constant 3 : i32
    %dma_wait3A_133 = arith.constant 0 : i32
    %dma_wait3A_134 = tpu.memref_slice %arg9[%dma_wait3A_132, %dma_wait3A_133] : memref<4x80xi32, #tpu.memory_space<vmem>> -> memref<1x80xi32, #tpu.memory_space<vmem>>
    %dma_wait3A_135 = tpu.memref_squeeze %dma_wait3A_134 : memref<1x80xi32, #tpu.memory_space<vmem>> -> memref<80xi32, #tpu.memory_space<vmem>>
    %dma_wait3A_136 = arith.constant 0 : i32
    %dma_wait3A_137 = arith.constant 0 : i32
    %dma_wait3A_138 = tpu.memref_slice %arg3[%dma_wait3A_136, %dma_wait3A_137] : memref<1024x128xf32, #tpu.memory_space<hbm>> -> memref<1024x128xf32, #tpu.memory_space<hbm>>
    tpu.wait_indirect_dma semaphore(%arg11 : memref<!tpu.dma_semaphore, #tpu.memory_space<semaphore_mem>>) src(%dma_wait3A_138 : memref<1024x128xf32, #tpu.memory_space<hbm>>) dst(%arg10 : memref<80x128xf32, #tpu.memory_space<vmem>>)
    %mul3A_139 = arith.constant 320 : i32
    %mul3A_140 = arith.muli %add3A, %mul3A_139 : i32
    %add3A_141 = arith.constant 240 : i32
    %add3A_142 = arith.addi %mul3A_140, %add3A_141 : i32
    "tpu.region"() ({
      %run_scoped3A = tpu.sem_alloc : memref<!tpu.dma_semaphore, #tpu.memory_space<semaphore_mem>>
      %dma_start3A_143 = arith.constant 0 : i32
      %dma_start3A_144 = tpu.memref_slice %arg7[%add3A_142, %dma_start3A_143] : memref<10240x128xf32, #tpu.memory_space<hbm>> -> memref<80x128xf32, #tpu.memory_space<hbm>>
      %dma_start3A_145 = arith.constant 0 : i32
      %dma_start3A_146 = tpu.memref_slice %arg7[%add3A_142, %dma_start3A_145] : memref<10240x128xf32, #tpu.memory_space<hbm>> -> memref<80x128xf32, #tpu.memory_space<hbm>>
      tpu.enqueue_dma source(%arg10 : memref<80x128xf32, #tpu.memory_space<vmem>>) target(%dma_start3A_146 : memref<80x128xf32, #tpu.memory_space<hbm>>) target_semaphore(%run_scoped3A : memref<!tpu.dma_semaphore, #tpu.memory_space<semaphore_mem>>)
      %dma_wait3A_147 = arith.constant 0 : i32
      %dma_wait3A_148 = tpu.memref_slice %arg7[%add3A_142, %dma_wait3A_147] : memref<10240x128xf32, #tpu.memory_space<hbm>> -> memref<80x128xf32, #tpu.memory_space<hbm>>
      %dma_wait3A_149 = arith.constant 0 : i32
      %dma_wait3A_150 = tpu.memref_slice %arg7[%add3A_142, %dma_wait3A_149] : memref<10240x128xf32, #tpu.memory_space<hbm>> -> memref<80x128xf32, #tpu.memory_space<hbm>>
      tpu.wait_dma2 semaphore(%run_scoped3A : memref<!tpu.dma_semaphore, #tpu.memory_space<semaphore_mem>>) src(%arg10 : memref<80x128xf32, #tpu.memory_space<vmem>>) dst(%dma_wait3A_150 : memref<80x128xf32, #tpu.memory_space<hbm>>)
      tpu.yield
    }) : () -> ()
    return
  }
}

module attributes {stable_mosaic.version = 14 : i64} {
  func.func @_t0_body(%arg0: i32, %arg1: memref<2x2x1024xf32, #tpu.memory_space<vmem>>, %arg2: memref<1024x128xf32, #tpu.memory_space<vmem>>, %arg3: memref<1024x128xf32, #tpu.memory_space<vmem>>, %arg4: memref<2x1024xf32, #tpu.memory_space<vmem>>) attributes {dimension_semantics = [#tpu.dimension_semantics<arbitrary>], iteration_bounds = array<i64: 10>, scalar_prefetch = 0 : i64, scratch_operands = 0 : i64, tpu.core_type = #tpu.core_type<tc>, window_params = [{transform_indices = @transform_0, window_bounds = array<i64: 2, 2, 1024>}, {transform_indices = @transform_1, window_bounds = array<i64: 1024, 128>}, {transform_indices = @transform_2, window_bounds = array<i64: 1024, 128>}, {transform_indices = @transform_3, window_bounds = array<i64: 2, 1024>}]} {
    %get3A = arith.constant 0 : index
    %get3A_0 = arith.constant 0 : index
    %get3A_1 = arith.constant 0 : index
    %get3A_2 = vector.load %arg1[%get3A, %get3A_0, %get3A_1] : memref<2x2x1024xf32, #tpu.memory_space<vmem>>, vector<1x1x1024xf32>
    %get3A_3 = vector.shape_cast %get3A_2 : vector<1x1x1024xf32> to vector<1024xf32>
    %get3A_4 = arith.constant 0 : index
    %get3A_5 = arith.constant 1 : index
    %get3A_6 = arith.constant 0 : index
    %get3A_7 = vector.load %arg1[%get3A_4, %get3A_5, %get3A_6] : memref<2x2x1024xf32, #tpu.memory_space<vmem>>, vector<1x1x1024xf32>
    %get3A_8 = vector.shape_cast %get3A_7 : vector<1x1x1024xf32> to vector<1024xf32>
    %add3A = arith.addf %get3A_3, %get3A_8 : vector<1024xf32>
    %get3A_9 = arith.constant 1 : index
    %get3A_10 = arith.constant 0 : index
    %get3A_11 = arith.constant 0 : index
    %get3A_12 = vector.load %arg1[%get3A_9, %get3A_10, %get3A_11] : memref<2x2x1024xf32, #tpu.memory_space<vmem>>, vector<1x1x1024xf32>
    %get3A_13 = vector.shape_cast %get3A_12 : vector<1x1x1024xf32> to vector<1024xf32>
    %get3A_14 = arith.constant 1 : index
    %get3A_15 = arith.constant 1 : index
    %get3A_16 = arith.constant 0 : index
    %get3A_17 = vector.load %arg1[%get3A_14, %get3A_15, %get3A_16] : memref<2x2x1024xf32, #tpu.memory_space<vmem>>, vector<1x1x1024xf32>
    %get3A_18 = vector.shape_cast %get3A_17 : vector<1x1x1024xf32> to vector<1024xf32>
    %add3A_19 = arith.addf %get3A_13, %get3A_18 : vector<1024xf32>
    %max3A = arith.constant 1.000000e+00 : f32
    %max3A_20 = vector.broadcast %max3A : f32 to vector<1024xf32>
    %max3A_21 = arith.maximumf %add3A, %max3A_20 : vector<1024xf32>
    %rsqrt3A = math.rsqrt %max3A_21 : vector<1024xf32>
    %max3A_22 = arith.constant 1.000000e+00 : f32
    %max3A_23 = vector.broadcast %max3A_22 : f32 to vector<1024xf32>
    %max3A_24 = arith.maximumf %add3A_19, %max3A_23 : vector<1024xf32>
    %rsqrt3A_25 = math.rsqrt %max3A_24 : vector<1024xf32>
    %get3A_26 = arith.constant 0 : index
    %get3A_27 = arith.constant 0 : index
    %get3A_28 = vector.load %arg2[%get3A_26, %get3A_27] : memref<1024x128xf32, #tpu.memory_space<vmem>>, vector<1024x128xf32>
    %broadcast_in_dim3A = vector.shape_cast %rsqrt3A : vector<1024xf32> to vector<1024x1xf32>
    %mul3A = vector.broadcast %broadcast_in_dim3A : vector<1024x1xf32> to vector<1024x128xf32>
    %mul3A_29 = arith.mulf %get3A_28, %mul3A : vector<1024x128xf32>
    %swap3A = arith.constant 0 : index
    %swap3A_30 = arith.constant 0 : index
    %swap3A_31 = vector.load %arg3[%swap3A, %swap3A_30] : memref<1024x128xf32, #tpu.memory_space<vmem>>, vector<1024x128xf32>
    tpu.vector_store %arg3[%swap3A, %swap3A_30], %mul3A_29 {strides = array<i32>} : memref<1024x128xf32, #tpu.memory_space<vmem>>, vector<1024x128xf32>,
    %swap3A_32 = arith.constant 0 : index
    %swap3A_33 = arith.constant 0 : index
    %swap3A_34 = vector.load %arg4[%swap3A_32, %swap3A_33] : memref<2x1024xf32, #tpu.memory_space<vmem>>, vector<1x1024xf32>
    %swap3A_35 = vector.shape_cast %swap3A_34 : vector<1x1024xf32> to vector<1024xf32>
    %swap3A_36 = vector.shape_cast %rsqrt3A : vector<1024xf32> to vector<1x1024xf32>
    tpu.vector_store %arg4[%swap3A_32, %swap3A_33], %swap3A_36 {strides = array<i32>} : memref<2x1024xf32, #tpu.memory_space<vmem>>, vector<1x1024xf32>,
    %swap3A_37 = arith.constant 1 : index
    %swap3A_38 = arith.constant 0 : index
    %swap3A_39 = vector.load %arg4[%swap3A_37, %swap3A_38] : memref<2x1024xf32, #tpu.memory_space<vmem>>, vector<1x1024xf32>
    %swap3A_40 = vector.shape_cast %swap3A_39 : vector<1x1024xf32> to vector<1024xf32>
    %swap3A_41 = vector.shape_cast %rsqrt3A_25 : vector<1024xf32> to vector<1x1024xf32>
    tpu.vector_store %arg4[%swap3A_37, %swap3A_38], %swap3A_41 {strides = array<i32>} : memref<2x1024xf32, #tpu.memory_space<vmem>>, vector<1x1024xf32>,
    return
  }
  func.func @transform_0(%arg0: i32) -> (i32, i32, i32) {
    %c0_i32 = arith.constant 0 : i32
    %c0_i32_0 = arith.constant 0 : i32
    %c0_i32_1 = arith.constant 0 : i32
    return %c0_i32, %c0_i32_0, %arg0 : i32, i32, i32
  }
  func.func @transform_1(%arg0: i32) -> (i32, i32) {
    %c0_i32 = arith.constant 0 : i32
    %c0_i32_0 = arith.constant 0 : i32
    return %arg0, %c0_i32 : i32, i32
  }
  func.func @transform_2(%arg0: i32) -> (i32, i32) {
    %c0_i32 = arith.constant 0 : i32
    %c0_i32_0 = arith.constant 0 : i32
    return %arg0, %c0_i32 : i32, i32
  }
  func.func @transform_3(%arg0: i32) -> (i32, i32) {
    %c0_i32 = arith.constant 0 : i32
    %c0_i32_0 = arith.constant 0 : i32
    return %c0_i32, %arg0 : i32, i32
  }
}

module attributes {stable_mosaic.version = 14 : i64} {
  func.func @_t1_body(%arg0: i32, %arg1: memref<2x1024x128xf32, #tpu.memory_space<vmem>>, %arg2: memref<2x1024xf32, #tpu.memory_space<vmem>>, %arg3: memref<128x256xf32, #tpu.memory_space<vmem>>, %arg4: memref<1x256xf32, #tpu.memory_space<vmem>>, %arg5: memref<1024x128xf32, #tpu.memory_space<vmem>>, %arg6: memref<1024x128xf32, #tpu.memory_space<vmem>>) attributes {dimension_semantics = [#tpu.dimension_semantics<arbitrary>], iteration_bounds = array<i64: 10>, scalar_prefetch = 0 : i64, scratch_operands = 0 : i64, tpu.core_type = #tpu.core_type<tc>, window_params = [{transform_indices = @transform_0, window_bounds = array<i64: 2, 1024, 128>}, {transform_indices = @transform_1, window_bounds = array<i64: 2, 1024>}, {pipeline_mode = #tpu.pipeline_mode<synchronous>, transform_indices = @transform_2, window_bounds = array<i64: 128, 256>}, {pipeline_mode = #tpu.pipeline_mode<synchronous>, transform_indices = @transform_3, window_bounds = array<i64: 1, 256>}, {transform_indices = @transform_4, window_bounds = array<i64: 1024, 128>}, {transform_indices = @transform_5, window_bounds = array<i64: 1024, 128>}]} {
    %get3A = arith.constant 0 : index
    %get3A_0 = arith.constant 0 : index
    %get3A_1 = arith.constant 0 : index
    %get3A_2 = vector.load %arg1[%get3A, %get3A_0, %get3A_1] : memref<2x1024x128xf32, #tpu.memory_space<vmem>>, vector<1x1024x128xf32>
    %get3A_3 = vector.shape_cast %get3A_2 : vector<1x1024x128xf32> to vector<1024x128xf32>
    %get3A_4 = arith.constant 1 : index
    %get3A_5 = arith.constant 0 : index
    %get3A_6 = arith.constant 0 : index
    %get3A_7 = vector.load %arg1[%get3A_4, %get3A_5, %get3A_6] : memref<2x1024x128xf32, #tpu.memory_space<vmem>>, vector<1x1024x128xf32>
    %get3A_8 = vector.shape_cast %get3A_7 : vector<1x1024x128xf32> to vector<1024x128xf32>
    %add3A = arith.addf %get3A_3, %get3A_8 : vector<1024x128xf32>
    %get3A_9 = arith.constant 1 : index
    %get3A_10 = arith.constant 0 : index
    %get3A_11 = vector.load %arg2[%get3A_9, %get3A_10] : memref<2x1024xf32, #tpu.memory_space<vmem>>, vector<1x1024xf32>
    %get3A_12 = vector.shape_cast %get3A_11 : vector<1x1024xf32> to vector<1024xf32>
    %broadcast_in_dim3A = vector.shape_cast %get3A_12 : vector<1024xf32> to vector<1024x1xf32>
    %mul3A = vector.broadcast %broadcast_in_dim3A : vector<1024x1xf32> to vector<1024x128xf32>
    %mul3A_13 = arith.mulf %add3A, %mul3A : vector<1024x128xf32>
    %get3A_14 = arith.constant 0 : index
    %get3A_15 = arith.constant 0 : index
    %get3A_16 = vector.load %arg3[%get3A_14, %get3A_15] : memref<128x256xf32, #tpu.memory_space<vmem>>, vector<128x256xf32>
    %dot_general3A = arith.constant dense<0.000000e+00> : vector<1024x256xf32>
    %dot_general3A_17 = tpu.matmul %mul3A_13, %get3A_16, %dot_general3A {dimension_numbers = #tpu.dot_dimension_numbers<[1], [0], [0], [1], [0, 0, 1, 1], [], []>, transpose_lhs_hint = false} : vector<1024x128xf32>, vector<128x256xf32>, vector<1024x256xf32> -> vector<1024x256xf32>
    %get3A_18 = arith.constant 0 : index
    %get3A_19 = arith.constant 0 : index
    %get3A_20 = vector.load %arg4[%get3A_18, %get3A_19] : memref<1x256xf32, #tpu.memory_space<vmem>>, vector<1x256xf32>
    %add3A_21 = vector.broadcast %get3A_20 : vector<1x256xf32> to vector<1024x256xf32>
    %add3A_22 = arith.addf %dot_general3A_17, %add3A_21 : vector<1024x256xf32>
    %max3A = arith.constant 0.000000e+00 : f32
    %max3A_23 = vector.broadcast %max3A : f32 to vector<1024x256xf32>
    %max3A_24 = arith.maximumf %add3A_22, %max3A_23 : vector<1024x256xf32>
    %get3A_25 = arith.constant 0 : index
    %get3A_26 = arith.constant 0 : index
    %get3A_27 = vector.load %arg2[%get3A_25, %get3A_26] : memref<2x1024xf32, #tpu.memory_space<vmem>>, vector<1x1024xf32>
    %get3A_28 = vector.shape_cast %get3A_27 : vector<1x1024xf32> to vector<1024xf32>
    %broadcast_in_dim3A_29 = vector.shape_cast %get3A_28 : vector<1024xf32> to vector<1024x1xf32>
    %mul3A_30 = vector.broadcast %broadcast_in_dim3A_29 : vector<1024x1xf32> to vector<1024x256xf32>
    %mul3A_31 = arith.mulf %max3A_24, %mul3A_30 : vector<1024x256xf32>
    %slice3A = vector.extract_strided_slice %mul3A_31 {offsets = [0, 0], sizes = [1024, 128], strides = [1, 1]} : vector<1024x256xf32> to vector<1024x128xf32>
    %swap3A = arith.constant 0 : index
    %swap3A_32 = arith.constant 0 : index
    %swap3A_33 = vector.load %arg5[%swap3A, %swap3A_32] : memref<1024x128xf32, #tpu.memory_space<vmem>>, vector<1024x128xf32>
    tpu.vector_store %arg5[%swap3A, %swap3A_32], %slice3A {strides = array<i32>} : memref<1024x128xf32, #tpu.memory_space<vmem>>, vector<1024x128xf32>,
    %slice3A_34 = vector.extract_strided_slice %mul3A_31 {offsets = [0, 128], sizes = [1024, 128], strides = [1, 1]} : vector<1024x256xf32> to vector<1024x128xf32>
    %swap3A_35 = arith.constant 0 : index
    %swap3A_36 = arith.constant 0 : index
    %swap3A_37 = vector.load %arg6[%swap3A_35, %swap3A_36] : memref<1024x128xf32, #tpu.memory_space<vmem>>, vector<1024x128xf32>
    tpu.vector_store %arg6[%swap3A_35, %swap3A_36], %slice3A_34 {strides = array<i32>} : memref<1024x128xf32, #tpu.memory_space<vmem>>, vector<1024x128xf32>,
    return
  }
  func.func @transform_0(%arg0: i32) -> (i32, i32, i32) {
    %c0_i32 = arith.constant 0 : i32
    %c0_i32_0 = arith.constant 0 : i32
    %c0_i32_1 = arith.constant 0 : i32
    return %c0_i32, %arg0, %c0_i32_0 : i32, i32, i32
  }
  func.func @transform_1(%arg0: i32) -> (i32, i32) {
    %c0_i32 = arith.constant 0 : i32
    %c0_i32_0 = arith.constant 0 : i32
    return %c0_i32, %arg0 : i32, i32
  }
  func.func @transform_2(%arg0: i32) -> (i32, i32) {
    %c0_i32 = arith.constant 0 : i32
    %c0_i32_0 = arith.constant 0 : i32
    %c0_i32_1 = arith.constant 0 : i32
    return %c0_i32, %c0_i32_0 : i32, i32
  }
  func.func @transform_3(%arg0: i32) -> (i32, i32) {
    %c0_i32 = arith.constant 0 : i32
    %c0_i32_0 = arith.constant 0 : i32
    %c0_i32_1 = arith.constant 0 : i32
    return %c0_i32, %c0_i32_0 : i32, i32
  }
  func.func @transform_4(%arg0: i32) -> (i32, i32) {
    %c0_i32 = arith.constant 0 : i32
    %c0_i32_0 = arith.constant 0 : i32
    return %arg0, %c0_i32 : i32, i32
  }
  func.func @transform_5(%arg0: i32) -> (i32, i32) {
    %c0_i32 = arith.constant 0 : i32
    %c0_i32_0 = arith.constant 0 : i32
    return %arg0, %c0_i32 : i32, i32
  }
}

module attributes {stable_mosaic.version = 14 : i64} {
  func.func @_knorm_body(%arg0: i32, %arg1: memref<1024x256xf32, #tpu.memory_space<vmem>>, %arg2: memref<256x128xf32, #tpu.memory_space<vmem>>, %arg3: memref<1x128xf32, #tpu.memory_space<vmem>>, %arg4: memref<128x64xf32, #tpu.memory_space<vmem>>, %arg5: memref<1x64xf32, #tpu.memory_space<vmem>>, %arg6: memref<1024x256xf32, #tpu.memory_space<vmem>>, %arg7: memref<1024x128xf32, #tpu.memory_space<vmem>>) attributes {dimension_semantics = [#tpu.dimension_semantics<arbitrary>], iteration_bounds = array<i64: 1>, scalar_prefetch = 0 : i64, scratch_operands = 0 : i64, tpu.core_type = #tpu.core_type<tc>, window_params = [{pipeline_mode = #tpu.pipeline_mode<synchronous>, transform_indices = @transform_0, window_bounds = array<i64: 1024, 256>}, {pipeline_mode = #tpu.pipeline_mode<synchronous>, transform_indices = @transform_1, window_bounds = array<i64: 256, 128>}, {pipeline_mode = #tpu.pipeline_mode<synchronous>, transform_indices = @transform_2, window_bounds = array<i64: 1, 128>}, {pipeline_mode = #tpu.pipeline_mode<synchronous>, transform_indices = @transform_3, window_bounds = array<i64: 128, 64>}, {pipeline_mode = #tpu.pipeline_mode<synchronous>, transform_indices = @transform_4, window_bounds = array<i64: 1, 64>}, {pipeline_mode = #tpu.pipeline_mode<synchronous>, transform_indices = @transform_5, window_bounds = array<i64: 1024, 256>}, {pipeline_mode = #tpu.pipeline_mode<synchronous>, transform_indices = @transform_6, window_bounds = array<i64: 1024, 128>}]} {
    %get3A = arith.constant 0 : index
    %get3A_0 = arith.constant 0 : index
    %get3A_1 = vector.load %arg1[%get3A, %get3A_0] : memref<1024x256xf32, #tpu.memory_space<vmem>>, vector<1024x256xf32>
    %mul3A = arith.mulf %get3A_1, %get3A_1 : vector<1024x256xf32>
    %reduce_sum3A = arith.constant dense<0.000000e+00> : vector<1024xf32>
    %reduce_sum3A_2 = vector.multi_reduction <add>, %mul3A, %reduce_sum3A [1] : vector<1024x256xf32> to vector<1024xf32>
    %broadcast_in_dim3A = vector.shape_cast %reduce_sum3A_2 : vector<1024xf32> to vector<1024x1xf32>
    %sqrt3A = math.sqrt %broadcast_in_dim3A : vector<1024x1xf32>
    %add3A = arith.constant 9.99999996E-13 : f32
    %add3A_3 = vector.broadcast %add3A : f32 to vector<1024x1xf32>
    %add3A_4 = arith.addf %sqrt3A, %add3A_3 : vector<1024x1xf32>
    %div3A = vector.broadcast %add3A_4 : vector<1024x1xf32> to vector<1024x256xf32>
    %div3A_5 = arith.divf %get3A_1, %div3A : vector<1024x256xf32>
    %swap3A = arith.constant 0 : index
    %swap3A_6 = arith.constant 0 : index
    %swap3A_7 = vector.load %arg6[%swap3A, %swap3A_6] : memref<1024x256xf32, #tpu.memory_space<vmem>>, vector<1024x256xf32>
    tpu.vector_store %arg6[%swap3A, %swap3A_6], %div3A_5 {strides = array<i32>} : memref<1024x256xf32, #tpu.memory_space<vmem>>, vector<1024x256xf32>,
    %get3A_8 = arith.constant 0 : index
    %get3A_9 = arith.constant 0 : index
    %get3A_10 = vector.load %arg2[%get3A_8, %get3A_9] : memref<256x128xf32, #tpu.memory_space<vmem>>, vector<256x128xf32>
    %dot_general3A = arith.constant dense<0.000000e+00> : vector<1024x128xf32>
    %dot_general3A_11 = tpu.matmul %div3A_5, %get3A_10, %dot_general3A {dimension_numbers = #tpu.dot_dimension_numbers<[1], [0], [0], [1], [0, 0, 1, 1], [], []>, transpose_lhs_hint = false} : vector<1024x256xf32>, vector<256x128xf32>, vector<1024x128xf32> -> vector<1024x128xf32>
    %get3A_12 = arith.constant 0 : index
    %get3A_13 = arith.constant 0 : index
    %get3A_14 = vector.load %arg3[%get3A_12, %get3A_13] : memref<1x128xf32, #tpu.memory_space<vmem>>, vector<1x128xf32>
    %add3A_15 = vector.broadcast %get3A_14 : vector<1x128xf32> to vector<1024x128xf32>
    %add3A_16 = arith.addf %dot_general3A_11, %add3A_15 : vector<1024x128xf32>
    %max3A = arith.constant 0.000000e+00 : f32
    %max3A_17 = vector.broadcast %max3A : f32 to vector<1024x128xf32>
    %max3A_18 = arith.maximumf %add3A_16, %max3A_17 : vector<1024x128xf32>
    %get3A_19 = arith.constant 0 : index
    %get3A_20 = arith.constant 0 : index
    %get3A_21 = vector.load %arg4[%get3A_19, %get3A_20] : memref<128x64xf32, #tpu.memory_space<vmem>>, vector<128x64xf32>
    %dot_general3A_22 = arith.constant dense<0.000000e+00> : vector<1024x64xf32>
    %dot_general3A_23 = tpu.matmul %max3A_18, %get3A_21, %dot_general3A_22 {dimension_numbers = #tpu.dot_dimension_numbers<[1], [0], [0], [1], [0, 0, 1, 1], [], []>, transpose_lhs_hint = false} : vector<1024x128xf32>, vector<128x64xf32>, vector<1024x64xf32> -> vector<1024x64xf32>
    %get3A_24 = arith.constant 0 : index
    %get3A_25 = arith.constant 0 : index
    %get3A_26 = vector.load %arg5[%get3A_24, %get3A_25] : memref<1x64xf32, #tpu.memory_space<vmem>>, vector<1x64xf32>
    %add3A_27 = vector.broadcast %get3A_26 : vector<1x64xf32> to vector<1024x64xf32>
    %add3A_28 = arith.addf %dot_general3A_23, %add3A_27 : vector<1024x64xf32>
    %broadcast_in_dim3A_29 = arith.constant 0.000000e+00 : f32
    %broadcast_in_dim3A_30 = vector.broadcast %broadcast_in_dim3A_29 : f32 to vector<1024x64xf32>
    %concatenate3A = tpu.concatenate %add3A_28, %broadcast_in_dim3A_30 in 1 : vector<1024x64xf32>, vector<1024x64xf32> -> vector<1024x128xf32>
    %swap3A_31 = arith.constant 0 : index
    %swap3A_32 = arith.constant 0 : index
    %swap3A_33 = vector.load %arg7[%swap3A_31, %swap3A_32] : memref<1024x128xf32, #tpu.memory_space<vmem>>, vector<1024x128xf32>
    tpu.vector_store %arg7[%swap3A_31, %swap3A_32], %concatenate3A {strides = array<i32>} : memref<1024x128xf32, #tpu.memory_space<vmem>>, vector<1024x128xf32>,
    return
  }
  func.func @transform_0(%arg0: i32) -> (i32, i32) {
    %c0_i32 = arith.constant 0 : i32
    %c0_i32_0 = arith.constant 0 : i32
    %c0_i32_1 = arith.constant 0 : i32
    return %c0_i32, %c0_i32_0 : i32, i32
  }
  func.func @transform_1(%arg0: i32) -> (i32, i32) {
    %c0_i32 = arith.constant 0 : i32
    %c0_i32_0 = arith.constant 0 : i32
    %c0_i32_1 = arith.constant 0 : i32
    return %c0_i32, %c0_i32_0 : i32, i32
  }
  func.func @transform_2(%arg0: i32) -> (i32, i32) {
    %c0_i32 = arith.constant 0 : i32
    %c0_i32_0 = arith.constant 0 : i32
    %c0_i32_1 = arith.constant 0 : i32
    return %c0_i32, %c0_i32_0 : i32, i32
  }
  func.func @transform_3(%arg0: i32) -> (i32, i32) {
    %c0_i32 = arith.constant 0 : i32
    %c0_i32_0 = arith.constant 0 : i32
    %c0_i32_1 = arith.constant 0 : i32
    return %c0_i32, %c0_i32_0 : i32, i32
  }
  func.func @transform_4(%arg0: i32) -> (i32, i32) {
    %c0_i32 = arith.constant 0 : i32
    %c0_i32_0 = arith.constant 0 : i32
    %c0_i32_1 = arith.constant 0 : i32
    return %c0_i32, %c0_i32_0 : i32, i32
  }
  func.func @transform_5(%arg0: i32) -> (i32, i32) {
    %c0_i32 = arith.constant 0 : i32
    %c0_i32_0 = arith.constant 0 : i32
    %c0_i32_1 = arith.constant 0 : i32
    return %c0_i32, %c0_i32_0 : i32, i32
  }
  func.func @transform_6(%arg0: i32) -> (i32, i32) {
    %c0_i32 = arith.constant 0 : i32
    %c0_i32_0 = arith.constant 0 : i32
    %c0_i32_1 = arith.constant 0 : i32
    return %c0_i32, %c0_i32_0 : i32, i32
  }
}

module attributes {stable_mosaic.version = 14 : i64} {
  func.func @_knorm_body(%arg0: i32, %arg1: memref<512x256xf32, #tpu.memory_space<vmem>>, %arg2: memref<256x128xf32, #tpu.memory_space<vmem>>, %arg3: memref<1x128xf32, #tpu.memory_space<vmem>>, %arg4: memref<128x64xf32, #tpu.memory_space<vmem>>, %arg5: memref<1x64xf32, #tpu.memory_space<vmem>>, %arg6: memref<512x256xf32, #tpu.memory_space<vmem>>, %arg7: memref<512x128xf32, #tpu.memory_space<vmem>>) attributes {dimension_semantics = [#tpu.dimension_semantics<arbitrary>], iteration_bounds = array<i64: 1>, scalar_prefetch = 0 : i64, scratch_operands = 0 : i64, tpu.core_type = #tpu.core_type<tc>, window_params = [{pipeline_mode = #tpu.pipeline_mode<synchronous>, transform_indices = @transform_0, window_bounds = array<i64: 512, 256>}, {pipeline_mode = #tpu.pipeline_mode<synchronous>, transform_indices = @transform_1, window_bounds = array<i64: 256, 128>}, {pipeline_mode = #tpu.pipeline_mode<synchronous>, transform_indices = @transform_2, window_bounds = array<i64: 1, 128>}, {pipeline_mode = #tpu.pipeline_mode<synchronous>, transform_indices = @transform_3, window_bounds = array<i64: 128, 64>}, {pipeline_mode = #tpu.pipeline_mode<synchronous>, transform_indices = @transform_4, window_bounds = array<i64: 1, 64>}, {pipeline_mode = #tpu.pipeline_mode<synchronous>, transform_indices = @transform_5, window_bounds = array<i64: 512, 256>}, {pipeline_mode = #tpu.pipeline_mode<synchronous>, transform_indices = @transform_6, window_bounds = array<i64: 512, 128>}]} {
    %get3A = arith.constant 0 : index
    %get3A_0 = arith.constant 0 : index
    %get3A_1 = vector.load %arg1[%get3A, %get3A_0] : memref<512x256xf32, #tpu.memory_space<vmem>>, vector<512x256xf32>
    %mul3A = arith.mulf %get3A_1, %get3A_1 : vector<512x256xf32>
    %reduce_sum3A = arith.constant dense<0.000000e+00> : vector<512xf32>
    %reduce_sum3A_2 = vector.multi_reduction <add>, %mul3A, %reduce_sum3A [1] : vector<512x256xf32> to vector<512xf32>
    %broadcast_in_dim3A = vector.shape_cast %reduce_sum3A_2 : vector<512xf32> to vector<512x1xf32>
    %sqrt3A = math.sqrt %broadcast_in_dim3A : vector<512x1xf32>
    %add3A = arith.constant 9.99999996E-13 : f32
    %add3A_3 = vector.broadcast %add3A : f32 to vector<512x1xf32>
    %add3A_4 = arith.addf %sqrt3A, %add3A_3 : vector<512x1xf32>
    %div3A = vector.broadcast %add3A_4 : vector<512x1xf32> to vector<512x256xf32>
    %div3A_5 = arith.divf %get3A_1, %div3A : vector<512x256xf32>
    %swap3A = arith.constant 0 : index
    %swap3A_6 = arith.constant 0 : index
    %swap3A_7 = vector.load %arg6[%swap3A, %swap3A_6] : memref<512x256xf32, #tpu.memory_space<vmem>>, vector<512x256xf32>
    tpu.vector_store %arg6[%swap3A, %swap3A_6], %div3A_5 {strides = array<i32>} : memref<512x256xf32, #tpu.memory_space<vmem>>, vector<512x256xf32>,
    %get3A_8 = arith.constant 0 : index
    %get3A_9 = arith.constant 0 : index
    %get3A_10 = vector.load %arg2[%get3A_8, %get3A_9] : memref<256x128xf32, #tpu.memory_space<vmem>>, vector<256x128xf32>
    %dot_general3A = arith.constant dense<0.000000e+00> : vector<512x128xf32>
    %dot_general3A_11 = tpu.matmul %div3A_5, %get3A_10, %dot_general3A {dimension_numbers = #tpu.dot_dimension_numbers<[1], [0], [0], [1], [0, 0, 1, 1], [], []>, transpose_lhs_hint = false} : vector<512x256xf32>, vector<256x128xf32>, vector<512x128xf32> -> vector<512x128xf32>
    %get3A_12 = arith.constant 0 : index
    %get3A_13 = arith.constant 0 : index
    %get3A_14 = vector.load %arg3[%get3A_12, %get3A_13] : memref<1x128xf32, #tpu.memory_space<vmem>>, vector<1x128xf32>
    %add3A_15 = vector.broadcast %get3A_14 : vector<1x128xf32> to vector<512x128xf32>
    %add3A_16 = arith.addf %dot_general3A_11, %add3A_15 : vector<512x128xf32>
    %max3A = arith.constant 0.000000e+00 : f32
    %max3A_17 = vector.broadcast %max3A : f32 to vector<512x128xf32>
    %max3A_18 = arith.maximumf %add3A_16, %max3A_17 : vector<512x128xf32>
    %get3A_19 = arith.constant 0 : index
    %get3A_20 = arith.constant 0 : index
    %get3A_21 = vector.load %arg4[%get3A_19, %get3A_20] : memref<128x64xf32, #tpu.memory_space<vmem>>, vector<128x64xf32>
    %dot_general3A_22 = arith.constant dense<0.000000e+00> : vector<512x64xf32>
    %dot_general3A_23 = tpu.matmul %max3A_18, %get3A_21, %dot_general3A_22 {dimension_numbers = #tpu.dot_dimension_numbers<[1], [0], [0], [1], [0, 0, 1, 1], [], []>, transpose_lhs_hint = false} : vector<512x128xf32>, vector<128x64xf32>, vector<512x64xf32> -> vector<512x64xf32>
    %get3A_24 = arith.constant 0 : index
    %get3A_25 = arith.constant 0 : index
    %get3A_26 = vector.load %arg5[%get3A_24, %get3A_25] : memref<1x64xf32, #tpu.memory_space<vmem>>, vector<1x64xf32>
    %add3A_27 = vector.broadcast %get3A_26 : vector<1x64xf32> to vector<512x64xf32>
    %add3A_28 = arith.addf %dot_general3A_23, %add3A_27 : vector<512x64xf32>
    %broadcast_in_dim3A_29 = arith.constant 0.000000e+00 : f32
    %broadcast_in_dim3A_30 = vector.broadcast %broadcast_in_dim3A_29 : f32 to vector<512x64xf32>
    %concatenate3A = tpu.concatenate %add3A_28, %broadcast_in_dim3A_30 in 1 : vector<512x64xf32>, vector<512x64xf32> -> vector<512x128xf32>
    %swap3A_31 = arith.constant 0 : index
    %swap3A_32 = arith.constant 0 : index
    %swap3A_33 = vector.load %arg7[%swap3A_31, %swap3A_32] : memref<512x128xf32, #tpu.memory_space<vmem>>, vector<512x128xf32>
    tpu.vector_store %arg7[%swap3A_31, %swap3A_32], %concatenate3A {strides = array<i32>} : memref<512x128xf32, #tpu.memory_space<vmem>>, vector<512x128xf32>,
    return
  }
  func.func @transform_0(%arg0: i32) -> (i32, i32) {
    %c0_i32 = arith.constant 0 : i32
    %c0_i32_0 = arith.constant 0 : i32
    %c0_i32_1 = arith.constant 0 : i32
    return %c0_i32, %c0_i32_0 : i32, i32
  }
  func.func @transform_1(%arg0: i32) -> (i32, i32) {
    %c0_i32 = arith.constant 0 : i32
    %c0_i32_0 = arith.constant 0 : i32
    %c0_i32_1 = arith.constant 0 : i32
    return %c0_i32, %c0_i32_0 : i32, i32
  }
  func.func @transform_2(%arg0: i32) -> (i32, i32) {
    %c0_i32 = arith.constant 0 : i32
    %c0_i32_0 = arith.constant 0 : i32
    %c0_i32_1 = arith.constant 0 : i32
    return %c0_i32, %c0_i32_0 : i32, i32
  }
  func.func @transform_3(%arg0: i32) -> (i32, i32) {
    %c0_i32 = arith.constant 0 : i32
    %c0_i32_0 = arith.constant 0 : i32
    %c0_i32_1 = arith.constant 0 : i32
    return %c0_i32, %c0_i32_0 : i32, i32
  }
  func.func @transform_4(%arg0: i32) -> (i32, i32) {
    %c0_i32 = arith.constant 0 : i32
    %c0_i32_0 = arith.constant 0 : i32
    %c0_i32_1 = arith.constant 0 : i32
    return %c0_i32, %c0_i32_0 : i32, i32
  }
  func.func @transform_5(%arg0: i32) -> (i32, i32) {
    %c0_i32 = arith.constant 0 : i32
    %c0_i32_0 = arith.constant 0 : i32
    %c0_i32_1 = arith.constant 0 : i32
    return %c0_i32, %c0_i32_0 : i32, i32
  }
  func.func @transform_6(%arg0: i32) -> (i32, i32) {
    %c0_i32 = arith.constant 0 : i32
    %c0_i32_0 = arith.constant 0 : i32
    %c0_i32_1 = arith.constant 0 : i32
    return %c0_i32, %c0_i32_0 : i32, i32
  }
}

module attributes {stable_mosaic.version = 14 : i64} {
  func.func @_t2_body(%arg0: i32, %arg1: memref<2x1024x128xf32, #tpu.memory_space<vmem>>, %arg2: memref<2x1024x128xf32, #tpu.memory_space<vmem>>, %arg3: memref<2x1024xf32, #tpu.memory_space<vmem>>, %arg4: memref<256x256xf32, #tpu.memory_space<vmem>>, %arg5: memref<1x256xf32, #tpu.memory_space<vmem>>, %arg6: memref<256x512xf32, #tpu.memory_space<vmem>>, %arg7: memref<256x1024xf32, #tpu.memory_space<vmem>>, %arg8: memref<1x1x1024xi32, #tpu.memory_space<vmem>>, %arg9: memref<1x1x1024xi32, #tpu.memory_space<vmem>>, %arg10: memref<1x128xf32, #tpu.memory_space<vmem>>) attributes {dimension_semantics = [#tpu.dimension_semantics<arbitrary>], iteration_bounds = array<i64: 10>, scalar_prefetch = 0 : i64, scratch_operands = 0 : i64, tpu.core_type = #tpu.core_type<tc>, window_params = [{transform_indices = @transform_0, window_bounds = array<i64: 2, 1024, 128>}, {transform_indices = @transform_1, window_bounds = array<i64: 2, 1024, 128>}, {transform_indices = @transform_2, window_bounds = array<i64: 2, 1024>}, {pipeline_mode = #tpu.pipeline_mode<synchronous>, transform_indices = @transform_3, window_bounds = array<i64: 256, 256>}, {pipeline_mode = #tpu.pipeline_mode<synchronous>, transform_indices = @transform_4, window_bounds = array<i64: 1, 256>}, {pipeline_mode = #tpu.pipeline_mode<synchronous>, transform_indices = @transform_5, window_bounds = array<i64: 256, 512>}, {pipeline_mode = #tpu.pipeline_mode<synchronous>, transform_indices = @transform_6, window_bounds = array<i64: 256, 1024>}, {transform_indices = @transform_7, window_bounds = array<i64: 1, 1, 1024>}, {transform_indices = @transform_8, window_bounds = array<i64: 1, 1, 1024>}, {pipeline_mode = #tpu.pipeline_mode<synchronous>, transform_indices = @transform_9, window_bounds = array<i64: 1, 128>}]} {
    %get3A = arith.constant 0 : index
    %get3A_0 = arith.constant 0 : index
    %get3A_1 = arith.constant 0 : index
    %get3A_2 = vector.load %arg1[%get3A, %get3A_0, %get3A_1] : memref<2x1024x128xf32, #tpu.memory_space<vmem>>, vector<1x1024x128xf32>
    %get3A_3 = vector.shape_cast %get3A_2 : vector<1x1024x128xf32> to vector<1024x128xf32>
    %get3A_4 = arith.constant 1 : index
    %get3A_5 = arith.constant 0 : index
    %get3A_6 = arith.constant 0 : index
    %get3A_7 = vector.load %arg1[%get3A_4, %get3A_5, %get3A_6] : memref<2x1024x128xf32, #tpu.memory_space<vmem>>, vector<1x1024x128xf32>
    %get3A_8 = vector.shape_cast %get3A_7 : vector<1x1024x128xf32> to vector<1024x128xf32>
    %add3A = arith.addf %get3A_3, %get3A_8 : vector<1024x128xf32>
    %get3A_9 = arith.constant 0 : index
    %get3A_10 = arith.constant 0 : index
    %get3A_11 = arith.constant 0 : index
    %get3A_12 = vector.load %arg2[%get3A_9, %get3A_10, %get3A_11] : memref<2x1024x128xf32, #tpu.memory_space<vmem>>, vector<1x1024x128xf32>
    %get3A_13 = vector.shape_cast %get3A_12 : vector<1x1024x128xf32> to vector<1024x128xf32>
    %get3A_14 = arith.constant 1 : index
    %get3A_15 = arith.constant 0 : index
    %get3A_16 = arith.constant 0 : index
    %get3A_17 = vector.load %arg2[%get3A_14, %get3A_15, %get3A_16] : memref<2x1024x128xf32, #tpu.memory_space<vmem>>, vector<1x1024x128xf32>
    %get3A_18 = vector.shape_cast %get3A_17 : vector<1x1024x128xf32> to vector<1024x128xf32>
    %add3A_19 = arith.addf %get3A_13, %get3A_18 : vector<1024x128xf32>
    %concatenate3A = tpu.concatenate %add3A, %add3A_19 in 1 : vector<1024x128xf32>, vector<1024x128xf32> -> vector<1024x256xf32>
    %get3A_20 = arith.constant 1 : index
    %get3A_21 = arith.constant 0 : index
    %get3A_22 = vector.load %arg3[%get3A_20, %get3A_21] : memref<2x1024xf32, #tpu.memory_space<vmem>>, vector<1x1024xf32>
    %get3A_23 = vector.shape_cast %get3A_22 : vector<1x1024xf32> to vector<1024xf32>
    %broadcast_in_dim3A = vector.shape_cast %get3A_23 : vector<1024xf32> to vector<1024x1xf32>
    %mul3A = vector.broadcast %broadcast_in_dim3A : vector<1024x1xf32> to vector<1024x256xf32>
    %mul3A_24 = arith.mulf %concatenate3A, %mul3A : vector<1024x256xf32>
    %get3A_25 = arith.constant 0 : index
    %get3A_26 = arith.constant 0 : index
    %get3A_27 = vector.load %arg4[%get3A_25, %get3A_26] : memref<256x256xf32, #tpu.memory_space<vmem>>, vector<256x256xf32>
    %dot_general3A = arith.constant dense<0.000000e+00> : vector<1024x256xf32>
    %dot_general3A_28 = tpu.matmul %mul3A_24, %get3A_27, %dot_general3A {dimension_numbers = #tpu.dot_dimension_numbers<[1], [0], [0], [1], [0, 0, 1, 1], [], []>, transpose_lhs_hint = false} : vector<1024x256xf32>, vector<256x256xf32>, vector<1024x256xf32> -> vector<1024x256xf32>
    %get3A_29 = arith.constant 0 : index
    %get3A_30 = arith.constant 0 : index
    %get3A_31 = vector.load %arg5[%get3A_29, %get3A_30] : memref<1x256xf32, #tpu.memory_space<vmem>>, vector<1x256xf32>
    %add3A_32 = vector.broadcast %get3A_31 : vector<1x256xf32> to vector<1024x256xf32>
    %add3A_33 = arith.addf %dot_general3A_28, %add3A_32 : vector<1024x256xf32>
    %mul3A_34 = arith.mulf %add3A_33, %add3A_33 : vector<1024x256xf32>
    %reduce_sum3A = arith.constant dense<0.000000e+00> : vector<1024xf32>
    %reduce_sum3A_35 = vector.multi_reduction <add>, %mul3A_34, %reduce_sum3A [1] : vector<1024x256xf32> to vector<1024xf32>
    %broadcast_in_dim3A_36 = vector.shape_cast %reduce_sum3A_35 : vector<1024xf32> to vector<1024x1xf32>
    %sqrt3A = math.sqrt %broadcast_in_dim3A_36 : vector<1024x1xf32>
    %add3A_37 = arith.constant 9.99999996E-13 : f32
    %add3A_38 = vector.broadcast %add3A_37 : f32 to vector<1024x1xf32>
    %add3A_39 = arith.addf %sqrt3A, %add3A_38 : vector<1024x1xf32>
    %div3A = vector.broadcast %add3A_39 : vector<1024x1xf32> to vector<1024x256xf32>
    %div3A_40 = arith.divf %add3A_33, %div3A : vector<1024x256xf32>
    %get3A_41 = arith.constant 0 : index
    %get3A_42 = arith.constant 0 : index
    %get3A_43 = vector.load %arg6[%get3A_41, %get3A_42] : memref<256x512xf32, #tpu.memory_space<vmem>>, vector<256x512xf32>
    %dot_general3A_44 = arith.constant dense<0.000000e+00> : vector<1024x512xf32>
    %dot_general3A_45 = tpu.matmul %div3A_40, %get3A_43, %dot_general3A_44 {dimension_numbers = #tpu.dot_dimension_numbers<[1], [0], [0], [1], [0, 0, 1, 1], [], []>, transpose_lhs_hint = false} : vector<1024x256xf32>, vector<256x512xf32>, vector<1024x512xf32> -> vector<1024x512xf32>
    %get3A_46 = arith.constant 0 : index
    %get3A_47 = arith.constant 0 : index
    %get3A_48 = vector.load %arg7[%get3A_46, %get3A_47] : memref<256x1024xf32, #tpu.memory_space<vmem>>, vector<256x1024xf32>
    %dot_general3A_49 = arith.constant dense<0.000000e+00> : vector<1024x1024xf32>
    %dot_general3A_50 = tpu.matmul %div3A_40, %get3A_48, %dot_general3A_49 {dimension_numbers = #tpu.dot_dimension_numbers<[1], [0], [0], [1], [0, 0, 1, 1], [], []>, transpose_lhs_hint = false} : vector<1024x256xf32>, vector<256x1024xf32>, vector<1024x1024xf32> -> vector<1024x1024xf32>
    %reduce_max3A = arith.constant dense<0xFF800000> : vector<1024xf32>
    %reduce_max3A_51 = vector.multi_reduction <maximumf>, %dot_general3A_45, %reduce_max3A [1] : vector<1024x512xf32> to vector<1024xf32>
    %iota3A = tpu.iota {dimensions = array<i32: 1>} : vector<1024x512xi32>
    %broadcast_in_dim3A_52 = vector.shape_cast %reduce_max3A_51 : vector<1024xf32> to vector<1024x1xf32>
    %eq3A = vector.broadcast %broadcast_in_dim3A_52 : vector<1024x1xf32> to vector<1024x512xf32>
    %eq3A_53 = arith.cmpf oeq, %dot_general3A_45, %eq3A : vector<1024x512xf32>
    %jit3A = arith.constant 1073741824 : i32
    %broadcast_in_dim3A_54 = vector.broadcast %jit3A : i32 to vector<1024x512xi32>
    %select_n3A = arith.select %eq3A_53, %iota3A, %broadcast_in_dim3A_54 : vector<1024x512xi1>, vector<1024x512xi32>
    %reduce_min3A = arith.constant dense<2147483647> : vector<1024xi32>
    %reduce_min3A_55 = vector.multi_reduction <minsi>, %select_n3A, %reduce_min3A [1] : vector<1024x512xi32> to vector<1024xi32>
    %reduce_max3A_56 = arith.constant dense<0xFF800000> : vector<1024xf32>
    %reduce_max3A_57 = vector.multi_reduction <maximumf>, %dot_general3A_50, %reduce_max3A_56 [1] : vector<1024x1024xf32> to vector<1024xf32>
    %iota3A_58 = tpu.iota {dimensions = array<i32: 1>} : vector<1024x1024xi32>
    %broadcast_in_dim3A_59 = vector.shape_cast %reduce_max3A_57 : vector<1024xf32> to vector<1024x1xf32>
    %eq3A_60 = vector.broadcast %broadcast_in_dim3A_59 : vector<1024x1xf32> to vector<1024x1024xf32>
    %eq3A_61 = arith.cmpf oeq, %dot_general3A_50, %eq3A_60 : vector<1024x1024xf32>
    %jit3A_62 = arith.constant 1073741824 : i32
    %broadcast_in_dim3A_63 = vector.broadcast %jit3A_62 : i32 to vector<1024x1024xi32>
    %select_n3A_64 = arith.select %eq3A_61, %iota3A_58, %broadcast_in_dim3A_63 : vector<1024x1024xi1>, vector<1024x1024xi32>
    %reduce_min3A_65 = arith.constant dense<2147483647> : vector<1024xi32>
    %reduce_min3A_66 = vector.multi_reduction <minsi>, %select_n3A_64, %reduce_min3A_65 [1] : vector<1024x1024xi32> to vector<1024xi32>
    %reshape3A = vector.shape_cast %reduce_min3A_55 : vector<1024xi32> to vector<1x1x1024xi32>
    %swap3A = arith.constant 0 : index
    %swap3A_67 = arith.constant 0 : index
    %swap3A_68 = arith.constant 0 : index
    %swap3A_69 = vector.load %arg8[%swap3A, %swap3A_67, %swap3A_68] : memref<1x1x1024xi32, #tpu.memory_space<vmem>>, vector<1x1x1024xi32>
    tpu.vector_store %arg8[%swap3A, %swap3A_67, %swap3A_68], %reshape3A {strides = array<i32>} : memref<1x1x1024xi32, #tpu.memory_space<vmem>>, vector<1x1x1024xi32>,
    %reshape3A_70 = vector.shape_cast %reduce_min3A_66 : vector<1024xi32> to vector<1x1x1024xi32>
    %swap3A_71 = arith.constant 0 : index
    %swap3A_72 = arith.constant 0 : index
    %swap3A_73 = arith.constant 0 : index
    %swap3A_74 = vector.load %arg9[%swap3A_71, %swap3A_72, %swap3A_73] : memref<1x1x1024xi32, #tpu.memory_space<vmem>>, vector<1x1x1024xi32>
    tpu.vector_store %arg9[%swap3A_71, %swap3A_72, %swap3A_73], %reshape3A_70 {strides = array<i32>} : memref<1x1x1024xi32, #tpu.memory_space<vmem>>, vector<1x1x1024xi32>,
    %mul3A_75 = arith.constant 1024 : i32
    %mul3A_76 = arith.muli %arg0, %mul3A_75 : i32
    %iota3A_77 = tpu.iota {dimensions = array<i32: 0>} : vector<1024x1xi32>
    %add3A_78 = vector.broadcast %mul3A_76 : i32 to vector<1024x1xi32>
    %add3A_79 = arith.addi %add3A_78, %iota3A_77 : vector<1024x1xi32>
    %lt3A = arith.constant 10000 : i32
    %lt3A_80 = vector.broadcast %lt3A : i32 to vector<1024x1xi32>
    %lt3A_81 = arith.cmpi slt, %add3A_79, %lt3A_80 : vector<1024x1xi32>
    %jit3A_82 = arith.constant 0.000000e+00 : f32
    %broadcast_in_dim3A_83 = vector.broadcast %jit3A_82 : f32 to vector<1024x1xf32>
    %select_n3A_84 = arith.select %lt3A_81, %broadcast_in_dim3A_36, %broadcast_in_dim3A_83 : vector<1024x1xi1>, vector<1024x1xf32>
    %reduce_sum3A_85 = vector.shape_cast %select_n3A_84 : vector<1024x1xf32> to vector<1x1024x1xf32>
    %reduce_sum3A_86 = arith.constant dense<0.000000e+00> : vector<1xf32>
    %reduce_sum3A_87 = vector.multi_reduction <add>, %reduce_sum3A_85, %reduce_sum3A_86 [1, 2] : vector<1x1024x1xf32> to vector<1xf32>
    %reduce_sum3A_88 = vector.shape_cast %reduce_sum3A_87 : vector<1xf32> to vector<1x1x1xf32>
    %reduce_sum3A_89 = vector.extract %reduce_sum3A_88[0, 0, 0] : f32 from vector<1x1x1xf32>
    %reshape3A_90 = vector.broadcast %reduce_sum3A_89 : f32 to vector<1x1xf32>
    %broadcast_in_dim3A_91 = vector.shape_cast %reduce_max3A_51 : vector<1024xf32> to vector<1024x1xf32>
    %mul3A_92 = arith.mulf %broadcast_in_dim3A_91, %add3A_39 : vector<1024x1xf32>
    %jit3A_93 = arith.constant 0.000000e+00 : f32
    %broadcast_in_dim3A_94 = vector.broadcast %jit3A_93 : f32 to vector<1024x1xf32>
    %select_n3A_95 = arith.select %lt3A_81, %mul3A_92, %broadcast_in_dim3A_94 : vector<1024x1xi1>, vector<1024x1xf32>
    %reduce_sum3A_96 = vector.shape_cast %select_n3A_95 : vector<1024x1xf32> to vector<1x1024x1xf32>
    %reduce_sum3A_97 = arith.constant dense<0.000000e+00> : vector<1xf32>
    %reduce_sum3A_98 = vector.multi_reduction <add>, %reduce_sum3A_96, %reduce_sum3A_97 [1, 2] : vector<1x1024x1xf32> to vector<1xf32>
    %reduce_sum3A_99 = vector.shape_cast %reduce_sum3A_98 : vector<1xf32> to vector<1x1x1xf32>
    %reduce_sum3A_100 = vector.extract %reduce_sum3A_99[0, 0, 0] : f32 from vector<1x1x1xf32>
    %reshape3A_101 = vector.broadcast %reduce_sum3A_100 : f32 to vector<1x1xf32>
    %broadcast_in_dim3A_102 = vector.shape_cast %reduce_max3A_57 : vector<1024xf32> to vector<1024x1xf32>
    %mul3A_103 = arith.mulf %broadcast_in_dim3A_102, %add3A_39 : vector<1024x1xf32>
    %jit3A_104 = arith.constant 0.000000e+00 : f32
    %broadcast_in_dim3A_105 = vector.broadcast %jit3A_104 : f32 to vector<1024x1xf32>
    %select_n3A_106 = arith.select %lt3A_81, %mul3A_103, %broadcast_in_dim3A_105 : vector<1024x1xi1>, vector<1024x1xf32>
    %reduce_sum3A_107 = vector.shape_cast %select_n3A_106 : vector<1024x1xf32> to vector<1x1024x1xf32>
    %reduce_sum3A_108 = arith.constant dense<0.000000e+00> : vector<1xf32>
    %reduce_sum3A_109 = vector.multi_reduction <add>, %reduce_sum3A_107, %reduce_sum3A_108 [1, 2] : vector<1x1024x1xf32> to vector<1xf32>
    %reduce_sum3A_110 = vector.shape_cast %reduce_sum3A_109 : vector<1xf32> to vector<1x1x1xf32>
    %reduce_sum3A_111 = vector.extract %reduce_sum3A_110[0, 0, 0] : f32 from vector<1x1x1xf32>
    %reshape3A_112 = vector.broadcast %reduce_sum3A_111 : f32 to vector<1x1xf32>
    %broadcast_in_dim3A_113 = arith.constant 0.000000e+00 : f32
    %broadcast_in_dim3A_114 = vector.broadcast %broadcast_in_dim3A_113 : f32 to vector<1x125xf32>
    %concatenate3A_115 = tpu.concatenate %reshape3A_90, %reshape3A_101, %reshape3A_112, %broadcast_in_dim3A_114 in 1 : vector<1x1xf32>, vector<1x1xf32>, vector<1x1xf32>, vector<1x125xf32> -> vector<1x128xf32>
    %eq3A_116 = arith.constant 0 : i32
    %eq3A_117 = arith.cmpi eq, %arg0, %eq3A_116 : i32
    %convert_element_type3A = arith.extui %eq3A_117 : i1 to i32
    %cond3A = arith.constant 0 : i32
    %cond3A_118 = arith.cmpi ne, %convert_element_type3A, %cond3A : i32
    scf.if %cond3A_118 {
      %broadcast_in_dim3A_126 = arith.constant 0.000000e+00 : f32
      %broadcast_in_dim3A_127 = vector.broadcast %broadcast_in_dim3A_126 : f32 to vector<1x128xf32>
      %swap3A_128 = arith.constant 0 : index
      %swap3A_129 = arith.constant 0 : index
      %swap3A_130 = vector.load %arg10[%swap3A_128, %swap3A_129] : memref<1x128xf32, #tpu.memory_space<vmem>>, vector<1x128xf32>
      tpu.vector_store %arg10[%swap3A_128, %swap3A_129], %broadcast_in_dim3A_127 {strides = array<i32>} : memref<1x128xf32, #tpu.memory_space<vmem>>, vector<1x128xf32>,
    } else {
    }
    %get3A_119 = arith.constant 0 : index
    %get3A_120 = arith.constant 0 : index
    %get3A_121 = vector.load %arg10[%get3A_119, %get3A_120] : memref<1x128xf32, #tpu.memory_space<vmem>>, vector<1x128xf32>
    %add3A_122 = arith.addf %get3A_121, %concatenate3A_115 : vector<1x128xf32>
    %swap3A_123 = arith.constant 0 : index
    %swap3A_124 = arith.constant 0 : index
    %swap3A_125 = vector.load %arg10[%swap3A_123, %swap3A_124] : memref<1x128xf32, #tpu.memory_space<vmem>>, vector<1x128xf32>
    tpu.vector_store %arg10[%swap3A_123, %swap3A_124], %add3A_122 {strides = array<i32>} : memref<1x128xf32, #tpu.memory_space<vmem>>, vector<1x128xf32>,
    return
  }
  func.func @transform_0(%arg0: i32) -> (i32, i32, i32) {
    %c0_i32 = arith.constant 0 : i32
    %c0_i32_0 = arith.constant 0 : i32
    %c0_i32_1 = arith.constant 0 : i32
    return %c0_i32, %arg0, %c0_i32_0 : i32, i32, i32
  }
  func.func @transform_1(%arg0: i32) -> (i32, i32, i32) {
    %c0_i32 = arith.constant 0 : i32
    %c0_i32_0 = arith.constant 0 : i32
    %c0_i32_1 = arith.constant 0 : i32
    return %c0_i32, %arg0, %c0_i32_0 : i32, i32, i32
  }
  func.func @transform_2(%arg0: i32) -> (i32, i32) {
    %c0_i32 = arith.constant 0 : i32
    %c0_i32_0 = arith.constant 0 : i32
    return %c0_i32, %arg0 : i32, i32
  }
  func.func @transform_3(%arg0: i32) -> (i32, i32) {
    %c0_i32 = arith.constant 0 : i32
    %c0_i32_0 = arith.constant 0 : i32
    %c0_i32_1 = arith.constant 0 : i32
    return %c0_i32, %c0_i32_0 : i32, i32
  }
  func.func @transform_4(%arg0: i32) -> (i32, i32) {
    %c0_i32 = arith.constant 0 : i32
    %c0_i32_0 = arith.constant 0 : i32
    %c0_i32_1 = arith.constant 0 : i32
    return %c0_i32, %c0_i32_0 : i32, i32
  }
  func.func @transform_5(%arg0: i32) -> (i32, i32) {
    %c0_i32 = arith.constant 0 : i32
    %c0_i32_0 = arith.constant 0 : i32
    %c0_i32_1 = arith.constant 0 : i32
    return %c0_i32, %c0_i32_0 : i32, i32
  }
  func.func @transform_6(%arg0: i32) -> (i32, i32) {
    %c0_i32 = arith.constant 0 : i32
    %c0_i32_0 = arith.constant 0 : i32
    %c0_i32_1 = arith.constant 0 : i32
    return %c0_i32, %c0_i32_0 : i32, i32
  }
  func.func @transform_7(%arg0: i32) -> (i32, i32, i32) {
    %c0_i32 = arith.constant 0 : i32
    %c0_i32_0 = arith.constant 0 : i32
    %c0_i32_1 = arith.constant 0 : i32
    return %arg0, %c0_i32, %c0_i32_0 : i32, i32, i32
  }
  func.func @transform_8(%arg0: i32) -> (i32, i32, i32) {
    %c0_i32 = arith.constant 0 : i32
    %c0_i32_0 = arith.constant 0 : i32
    %c0_i32_1 = arith.constant 0 : i32
    return %arg0, %c0_i32, %c0_i32_0 : i32, i32, i32
  }
  func.func @transform_9(%arg0: i32) -> (i32, i32) {
    %c0_i32 = arith.constant 0 : i32
    %c0_i32_0 = arith.constant 0 : i32
    %c0_i32_1 = arith.constant 0 : i32
    return %c0_i32, %c0_i32_0 : i32, i32
  }
}

</mosaic_0001>

<sc_bundles>
// kernel: gather_offload_async_start.1
scs
__scs_entry_jumppad:
0x0: {  	(pc) =	sbr.rel $0x88, $3  }
0x1: {  	(tag) =	ssettag $0x0;
	lr =	simm.s32 $0x1  }
0x2: {  	[smem:$0x3F91] =	sst lr;
	_ =	strace $0xD0000000  }
0x3: {  	_ = 	snop  }
0x4: {  	_ = 	snop  }
0x5: {  	_ = 	snop  }
0x6: {  	_ = 	snop  }
0x7: {  	_ = 	snop  }
__scs_overlays_trampoline_lowered:
0x8: {  	[smem:$0x3FA0] =	sst s0  }
0x9: {  	[smem:$0x3FA1] =	sst s1  }
0xa: {  	[smem:$0x3FA2] =	sst s2  }
0xb: {  	[smem:$0x3FA3] =	sst s3  }
0xc: {  	[smem:$0x3FA4] =	sst s4  }
0xd: {  	[smem:$0x3FA5] =	sst s5  }
0xe: {  	[smem:$0x3FA6] =	sst s6  }
0xf: {  	[smem:$0x3FA7] =	sst s7  }
0x10: {  	[smem:$0x3FA8] =	sst s8  }
0x11: {  	[smem:$0x3FA9] =	sst s9;
	s0 =	simm.s32 @!p0 $0x0  }
0x12: {  	s1 =	sld [smem:$0x3F8F];
	s0 =	simm.s32 @p0 $0x1  }
0x13: {  	[smem:$0x3FAA] =	sst s0;
	s0 =	simm.s32 @!p1 $0x0  }
0x14: {  	s2 =	sld [smem:$0x3F8E];
	s0 =	simm.s32 @p1 $0x1  }
0x15: {  	[smem:$0x3FAB] =	sst s0;
	s0 =	simm.s32 @!p2 $0x0  }
0x16: {  	s3 =	sld [smem:$0x3FDB];
	s0 =	simm.s32 @p2 $0x1  }
0x17: {  	s4 =	simm.s32 $0x1BF5;
	[smem:$0x3FAD] =	sst s0  }
0x18: {  	s0 =	sld [smem:$0x3F90];
	_ =	swait.ge [sflag:s4], $0x0  }
0x19: {  	s7 =	sld [smem:$0x3F91]  }
0x1a: {  	s8 =	sadd.s32 $0xFFFFE003, lr  }
0x1b: {  	s9 =	sadd.s32 $0xFFFFFEF7, lr;
	s5 =	simm.s32 $0xFFFFFFFF;
	p2 =	slt.u32 s8, $0xFFFFF086  }
0x1c: {  	p1 =	slt.u32 s9, $0xF7A;
	s5 =	simm.s32 @!p2 $0x0  }
0x1d: {  	s5 =	simm.s32 @p1 $0x1;
	p0 =	seq.s32 s7, s2  }
0x1e: {  	s7 =	smul.u32 @!p0 $0xF7A, s2;
	p2 =	seq.s32 @!p0 s5, $0x0  }
0x1f: {  	s9 =	smul.u32 $0xF7A, s1;
	s8 =	simm.s32 @!p0 $0x1BF5;
	p2 =	por !p2, p0  }
0x20: {  	[sflag:s8] =	ssyncset.s32 @!p0 $0xFFFFF086;
	s6 =	sadd.s32 @!p0 s3, s7;
	s7 =	simm.s32 @!p0 $0x108  }
0x21: {  	s3 =	sadd.s32 s3, s9;
	s6 =	sadd.s32 @!p0 $0x88, s6;
	s7 =	simm.s32 @p2 $0x1082  }
0x22: {  	[simem:s7], [sflag:s8] =	dma.local @!p0 [hbm:s6], $0xF7A  }
0x23: {  	s9 =	sor.u32 $0xD0000000, s2;
	s6 =	simm.s32 $0x108;
	_ =	swait.ge @!p0 [sflag:s8], $0x0  }
0x24: {  	s3 =	sadd.s32 $0x88, s3;
	s6 =	simm.s32 @!p1 $0x1082;
	[sflag:s4] =	ssyncset.s32 $0xFFFFF086  }
0x25: {  	[simem:s6], [sflag:s4] =	dma.local [hbm:s3], $0xF7A  }
0x26: {  	[smem:$0x3F91] =	sst s1;
	(tag) =	ssettag s2;
	_ =	strace s9  }
0x27: {  	s1 =	sld [smem:$0x3FA1]  }
0x28: {  	s2 =	sld [smem:$0x3FA2]  }
0x29: {  	s4 =	sld [smem:$0x3FA4]  }
0x2a: {  	p0 =	seq.s32 s5, $0x0;
	s5 =	sld [smem:$0x3FA5]  }
0x2b: {  	s6 =	sld [smem:$0x3FA6]  }
0x2c: {  	s7 =	sld [smem:$0x3FA7]  }
0x2d: {  	s3 =	simm.s32 $0x108;
	s8 =	sld [smem:$0x3FA8]  }
0x2e: {  	s3 =	simm.s32 @!p0 $0x1082;
	s9 =	sld [smem:$0x3FA9]  }
0x2f: {  	lr =	sadd.s32 s0, s3;
	s0 =	sld [smem:$0x3FA0]  }
0x30: {  	s3 =	sld [smem:$0x3FA3]  }
0x31: {  	[smem:$0x3FAC] =	sst s10  }
0x32: {  	s10 =	sld [smem:$0x3FAA];
	_ =	sdelay $0x3  }
0x33: {  	p0 =	seq.s32 s10, $0x1;
	s10 =	sld [smem:$0x3FAC];
	_ =	sdelay $0x3  }
0x34: {  	[smem:$0x3FAC] =	sst s10  }
0x35: {  	s10 =	sld [smem:$0x3FAB];
	_ =	sdelay $0x3  }
0x36: {  	p1 =	seq.s32 s10, $0x1;
	s10 =	sld [smem:$0x3FAC];
	_ =	sdelay $0x3  }
0x37: {  	[smem:$0x3FAC] =	sst s10  }
0x38: {  	s10 =	sld [smem:$0x3FAD]  }
0x39: {  	_ = 	snop;
	(pc) =	sbr.ind lr, $3  }
0x3a: {  	_ = 	snop  }
0x3b: {  	_ = 	snop  }
0x3c: {  	p2 =	seq.s32 s10, $0x1;
	s10 =	sld [smem:$0x3FAC]  }
0x3d: {  	_ =	shalt  }
0x3e: {  	_ =	shalt  }
0x3f: {  	_ =	shalt  }
0x40: {  	_ =	shalt  }
0x41: {  	_ =	shalt  }
0x42: {  	_ =	shalt  }
0x43: {  	_ =	shalt  }
0x44: {  	_ =	shalt  }
0x45: {  	_ =	shalt  }
0x46: {  	_ =	shalt  }
0x47: {  	_ =	shalt  }
0x48: {  	_ =	shalt  }
0x49: {  	_ =	shalt  }
0x4a: {  	_ =	shalt  }
0x4b: {  	_ =	shalt  }
0x4c: {  	_ =	shalt  }
0x4d: {  	_ =	shalt  }
0x4e: {  	_ =	shalt  }
0x4f: {  	_ =	shalt  }
0x50: {  	_ =	shalt  }
0x51: {  	_ =	shalt  }
0x52: {  	_ =	shalt  }
0x53: {  	_ =	shalt  }
0x54: {  	_ =	shalt  }
0x55: {  	_ =	shalt  }
0x56: {  	_ =	shalt  }
0x57: {  	_ =	shalt  }
0x58: {  	_ =	shalt  }
0x59: {  	_ =	shalt  }
0x5a: {  	_ =	shalt  }
0x5b: {  	_ =	shalt  }
0x5c: {  	_ =	shalt  }
0x5d: {  	_ =	shalt  }
0x5e: {  	_ =	shalt  }
0x5f: {  	_ =	shalt  }
0x60: {  	_ =	shalt  }
0x61: {  	_ =	shalt  }
0x62: {  	_ =	shalt  }
0x63: {  	_ =	shalt  }
0x64: {  	_ =	shalt  }
0x65: {  	_ =	shalt  }
0x66: {  	_ =	shalt  }
0x67: {  	_ =	shalt  }
0x68: {  	_ =	shalt  }
0x69: {  	_ =	shalt  }
0x6a: {  	_ =	shalt  }
0x6b: {  	_ =	shalt  }
0x6c: {  	_ =	shalt  }
0x6d: {  	_ =	shalt  }
0x6e: {  	_ =	shalt  }
0x6f: {  	_ =	shalt  }
0x70: {  	_ =	shalt  }
0x71: {  	_ =	shalt  }
0x72: {  	_ =	shalt  }
0x73: {  	_ =	shalt  }
0x74: {  	_ =	shalt  }
0x75: {  	_ =	shalt  }
0x76: {  	_ =	shalt  }
0x77: {  	_ =	shalt  }
0x78: {  	_ =	shalt  }
0x79: {  	_ =	shalt  }
0x7a: {  	_ =	shalt  }
0x7b: {  	_ =	shalt  }
0x7c: {  	_ =	shalt  }
0x7d: {  	_ =	shalt  }
0x7e: {  	_ =	shalt  }
0x7f: {  	_ =	shalt  }
0x80: {  	_ =	shalt  }
0x81: {  	_ =	shalt  }
0x82: {  	_ =	shalt  }
0x83: {  	_ =	shalt  }
0x84: {  	_ =	shalt  }
0x85: {  	_ =	shalt  }
0x86: {  	_ =	shalt  }
0x87: {  	_ =	shalt  }
.Lfunc_end0:
.L_simem_size_0:
called_computation.1_lowered:
.L_overlay_start_0:
0x88: {  	s2 =	sld [smem:$0x3FD9]  }
0x89: {  	s3 =	sld [smem:$0x3FFE];
	_ =	sdelay $0x1  }
0x8a: {  	s1 =	srdreg.scid  }
0x8b: {  	s0 =	sand.u32 $0x1, s1  }
0x8c: {  	s16 =	sshll.u32 s0, $0xA;
	s2 =	sadd.s32 s3, s2  }
0x8d: {  	s2 =	sadd.s32 s2, s16  }
0x8e: {  	[smem:$0x3FB8] =	sst s2  }
0x8f: {  	_ = 	snop  }
0x90: {  	(tm) =	ssettm $0x1  }
0x91: {  	s17 =	sld [smem:$0x3FFB];
	_ =	sdelay $0x3  }
0x92: {  	_ =	strace s17  }
0x93: {  	s2 =	sld [smem:$0x3FFC];
	_ =	sdelay $0x3  }
0x94: {  	_ =	strace s2  }
0x95: {  	s2 =	sld [smem:$0x3FFD];
	_ =	sdelay $0x3  }
0x96: {  	_ =	strace s2  }
0x97: {  	_ =	strace $0x8FFFFFFF  }
0x98: {  	s18 =	sld [smem:$0x3FDB];
	_ =	sdelay $0x1  }
0x99: {  	s19 =	simm.s32 $_scs_section_size  }
0x9a: {  	s4 =	simm.s32 $_size__tile_overlayer_lowered;
	s5 =	simm.s32 $_tile_overlayer_lowered  }
0x9b: {  	s22 =	simm.s32 $0x1BFF;
	s21 =	sshll.u32 s5, $0x1;
	s2 =	sadd.s32 s19, s18  }
0x9c: {  	s6 =	simm.s32 $0x0;
	s20 =	sshll.u32 s4, $0x1;
	s4 =	sadd.s32 s21, s2  }
0x9d: {  	[timem:s6], [sflag:s22] =	dma.local [hbm:s4], s20  }
0x9e: {  	_ =	swait.ge [sflag:s22], s20  }
0x9f: {  	s3 =	ssub.s32 $0x0, s20;
	[sflag:s22] =	ssyncset.done $0x0  }
0xa0: {  	[sflag:s22] =	ssyncadd.s32 s3;
	_ =	sdelay $0x1  }
0xa1: {  	s23 =	simm.s32 $0x1B8B  }
0xa2: {  	_ =	swait.ge [sflag:s23], $0x1  }
0xa3: {  	[sflag:s23] =	ssyncset.done $0x0  }
0xa4: {  	s25 =	simm.s32 $0x1B8E;
	s24 =	sld [smem:$0x3FFE];
	[sflag:s23] =	ssyncadd.s32 $0xFFFFFFFF  }
0xa5: {  	s26 =	simm.s32 $execute0_lowered;
	[smem:$0x3FD2] =	sst s25  }
0xa6: {  	s4 =	sshll.u32 s26, $0x1;
	_ =	strace $0x80000046;
	[dreg:$0x1] =	wrdreg $0xFFFFFFFF  }
0xa7: {  	s28 =	simm.s32 $_size_execute0_lowered;
	s2 =	sadd.s32 s2, s4;
	[dreg:$0x0] =	wrdreg $0x0  }
0xa8: {  	s4 =	sshll.u32 s28, $0x1;
	[dreg:$0x2] =	wrdreg s2  }
0xa9: {  	[dreg:$0x3] =	wrdreg s4  }
0xaa: {  	[dreg:$0x4] =	wrdreg $0xC0  }
0xab: {  	_ =	task [dreg:s6], $0x5FFFF  }
0xac: {  	[dreg:$0x1] =	wrdreg $0xFFFFFFFF  }
0xad: {  	[dreg:$0x0] =	wrdreg $0x60  }
0xae: {  	[dreg:$0x2] =	wrdreg s24  }
0xaf: {  	[dreg:$0x3] =	wrdreg $0xA  }
0xb0: {  	_ =	task.clear_ibuf [dreg:s6], $0x4FFFF;
	_ =	strace $0x90000046  }
0xb1: {  	s29 =	simm.s32 $0xA;
	_ =	strace $0x80000048  }
0xb2: {  	_ =	swait.ge [sflag:s29], $0x1  }
0xb3: {  	[sflag:s29] =	ssyncadd.s32 $0xFFFFFFFF  }
0xb4: {  	_ =	strace $0x90000048  }
0xb5: {  	_ =	sfence  }
0xb6: {  	s30 =	sld [smem:$0x0];
	_ =	sdelay $0x2  }
0xb7: {  	s31 =	sshll.u32 s1, $0xD;
	s1 =	sshrl.u32 s1, $0x2  }
0xb8: {  	s3 =	sand.u32 $0x4000, s31;
	s1 =	sadd.s32 s1, s30  }
0xb9: {  	s0 =	sor.u32 s3, s0;
	s1 =	sshll.u32 s1, $0x11  }
0xba: {  	s0 =	sor.u32 s1, s0  }
0xbb: {  	s0 =	sadd.s32 $0x8F2B, s0  }
0xbc: {  	[sflag:s0] =	ssyncadd.remote.s32 $0x1  }
0xbd: {  	_ =	sfence.sel $0xFFFF  }
0xbe: {  	[dreg:$0x0] =	wrdreg $0xFFFFFFFF;
	(pc) =	sbr.abs _section_cstart, $3  }
0xbf: {  	[dreg:$0x1] =	wrdreg $0xFFFFFFFF  }
0xc0: {  	_ =	task.clear_ibuf [dreg:s6], $0x2FFFF;
	_ =	strace $0x9FFFFFFF  }
0xc1: {  	(tm) =	ssettm $0x7FFFFFFF  }
tec
execute0_lowered:
.L_overlay_start_1:
0x0: {  	(tag) =	ssettag $0x1  }
0x1: {  	s8 =	rddreg [dreg:$0x0]  }
0x2: {  	s0 =	rddreg [dreg:$0x1];
	_ =	strace $0x80000047;
	s1 =	stileid.u32  }
0x3: {  	s3 =	srdreg.scid;
	s4 =	simm.s32 $0x1;
	s7 =	simm.s32 $0x1  }
0x4: {  	s9 =	simm.s32 $0x1;
	s10 =	simm.s32 $0x3;
	s13 =	simm.s32 $0x0  }
0x5: {  	s12 =	simm.s32 $0x0;
	s5 =	sand.u32 $0x1, s3;
	s6 =	sshll.u32 s1, $0x1  }
0x6: {  	s2 =	sadd.s32 $0x4200, s8;
	s3 =	sadd.s32 $0xE000, s8;
	s5 =	sor.u32 s6, s5  }
.Ltmp0:
0x7: {  	[sflag:s4] =	ssyncpa.u1 $0x0;
	p0 =	slt.u32 s5, $0x9;
	(pc) =	sbr.rel .LBB2_1-.Ltmp0, $4  }
0x8: {  	s6 =	simm.s32 $0x2;
	s7 =	simm.s32 @!p0 $0x0;
	p0 =	sne.s32 s5, $0x8  }
0x9: {  	[sflag:s6] =	ssyncpa.u1 $0x0;
	s5 =	smul.u32 $0x1F40, s5;
	s9 =	simm.s32 @!p0 $0x0  }
0xa: {  	s8 =	sadd.s32 $0x17E00, s8;
	[sflag:s10] =	ssyncpa.u1 $0x0;
	s7 =	sadd.s32 s9, s7  }
0xb: {  	vm0 =	vmmov $0xffff;
	s10 =	simm.s32 $0x0;
	s11 =	smov.u32 s5;
	s9 =	sadd.s32 $0x1, s7  }
.LBB2_4:
0xc: {  	v2 =	vnsel vm1, $0x0, v2  }
0xd: {  	vm1 =	vgt.s32 v0, $0x0;
	v2 =	vmin.u32 v2, $0x4E1FF  }
0xe: {  	v0 =	vnsel vm1, $0x0, v0  }
0xf: {  	v0 =	vmin.u32 v0, $0x4E1FF  }
0x10: {  	[tilespmem:s18], [sflag:$0x1] =	stream.indirect_vreg.gather [hbm4b:s2+s10], $0x1, v1, vm0, $0x4038;
	[tilespmem:$0x7D00] =	vst v63  }
0x11: {  	(ifvalue) =	ssetifvalue $0x7FFFFFFF  }
0x12: {  	[tilespmem:s15], [sflag:$0x1] =	stream.indirect_vreg.gather [hbm4b:s2+s10], $0x1, v2, vm0, $0x4038;
	[tilespmem:$0x7D00] =	vst v63  }
0x13: {  	s29 =	sadd.s32 $0x10, s15;
	(ifvalue) =	ssetifvalue $0x7FFFFFFF  }
0x14: {  	[tilespmem:s29], [sflag:$0x1] =	stream.indirect_vreg.gather [hbm4b:s2+s10], $0x1, v0, vm0, $0x4038;
	[tilespmem:$0x7D00] =	vst v63  }
0x15: {  	_ =	swait.ge [sflag:s4], $0x1F40  }
0x16: {  	s30 =	sshrl.u32 s13, $0x3;
	[sflag:s4] =	ssyncset.done $0x0  }
0x17: {  	s31 =	sand.u32 $0x7, s13;
	s15 =	sadd.s32 s8, s30;
	[sflag:s4] =	ssyncadd.s32 $0xFFFFE0C0  }
0x18: {  	[hbm4b:s15+s31] =	stream.linear.scatter [tilespmem:s14], [sflag:$0x3], $0x1F40, $0x38;
	[tilespmem:$0x7D00] =	vst v63  }
.LBB2_5:
0x19: {  	s15 =	sadd.s32 $0x3E800, s11  }
0x1a: {  	p1 =	sgt.s32 s15, $0x4E1FF  }
0x1b: {  	s15 =	smov.u32 @p1 s5;
	p1 =	sne.s32 s12, s9  }
.Ltmp1:
0x1c: {  	p0 =	slt.u32 s12, $0x2;
	(pc) =	sbr.rel @!p1 .LBB2_6-.Ltmp1, $4  }
0x1d: {  	s14 =	simm.s32 @!p0 $0x3  }
0x1e: {  	_ =	swait.ge @!p0 [sflag:s14], $0x1F40  }
0x1f: {  	s16 =	sadd.s32 $0x1, s12;
	s13 =	smov.u32 s11;
	[sflag:s14] =	ssyncset.done @!p0 $0x0  }
0x20: {  	s12 =	smov.u32 s16;
	s11 =	smov.u32 s15;
	[sflag:s14] =	ssyncadd.s32 @!p0 $0xFFFFE0C0  }
.LBB2_1:
0x21: {  	p0 =	sge.u32 s12, s7  }
0x22: {  	s14 =	sxor.u32 @!p0 $0x1, s12  }
0x23: {  	s14 =	smul.u32 @!p0 $0x7D00, s14  }
0x24: {  	s31 =	sadd.s32 $0xFFFFFFFF, s12;
	s15 =	sshrl.u32 @!p0 s11, $0x3  }
0x25: {  	s16 =	sand.u32 @!p0 $0x7, s11;
	s15 =	sadd.s32 @!p0 s3, s15;
	s14 =	sshra.s32 @!p0 s14, $0x2  }
0x26: {  	[tilespmem:s14], [sflag:$0x2] =	stream.linear.gather @!p0 [hbm4b:s15+s16], $0x1F40, $0x38;
	[tilespmem:$0x7D00] =	vst v63  }
0x27: {  	p0 =	sge.u32 s31, s7  }
.Ltmp2:
0x28: {  	_ = 	snop;
	(pc) =	sbr.rel @p0 .LBB2_5-.Ltmp2, $1  }
0x29: {  	_ =	sdelay $0x3  }
0x2a: {  	s14 =	sand.u32 $0x1, s12  }
0x2b: {  	_ =	swait.ge [sflag:s6], $0x1F40;
	p0 =	seq.s32 s14, $0x1;
	s14 =	simm.s32 $0x1F40  }
0x2c: {  	[sflag:s6] =	ssyncset.done $0x0;
	s14 =	simm.s32 @!p0 $0x0  }
0x2d: {  	[sflag:s6] =	ssyncadd.s32 $0xFFFFE0C0;
	(ifvalue) =	ssetifvalue $0x7FFFFFFF;
	v0 =	vld.msk [tilespmem:s14+$0x0 ss:$0x1], $0xffff;
	_ =	sdelay $0x4  }
0x2e: {  	s15 =	sadd.s32 $0x10, s14;
	vm1 =	vgt.s32 v0, $0x0  }
0x2f: {  	v2 =	vld.msk [tilespmem:s15+$0x0 ss:$0x1], $0xffff;
	v1 =	vnsel vm1, $0x0, v0  }
0x30: {  	v1 =	vmin.u32 v1, $0x4E1FF;
	_ =	sdelay $0x2  }
0x31: {  	s17 =	simm.s32 $0x20;
	s14 =	sadd.s32 $0x3E80, s14;
	s16 =	sadd.s32 $0x10, s15  }
0x32: {  	s15 =	sadd.s32 $0x10, s14;
	s18 =	smov.u32 s14;
	v0 =	vld.msk [tilespmem:s16+$0x0 ss:$0x1], $0xffff;
	vm1 =	vgt.s32 v2, $0x0;
	(ifvalue) =	ssetifvalue $0x7FFFFFFF  }
.LBB2_3:
0x33: {  	[tilespmem:s18], [sflag:$0x1] =	stream.indirect_vreg.gather [hbm4b:s2+s10], $0x1, v1, vm0, $0x4038;
	[tilespmem:$0x7D00] =	vst v63  }
0x34: {  	s17 =	sadd.s32 $0x10, s17  }
0x35: {  	v2 =	vnsel vm1, $0x0, v2;
	p0 =	slt.u32 s17, $0x1F30  }
.Ltmp3:
0x36: {  	s18 =	smov.u32 s15;
	v1 =	vmin.u32 v2, $0x4E1FF;
	(pc) =	sbr.rel @p0 .LBB2_3-.Ltmp3, $3  }
0x37: {  	_ =	sdelay $0x1  }
0x38: {  	s16 =	sadd.s32 $0x10, s16  }
0x39: {  	vm1 =	vgt.s32 v0, $0x0;
	s15 =	sadd.s32 $0x10, s15;
	v2 =	vmov v0;
	(ifvalue) =	ssetifvalue $0x7FFFFFFF;
	v0 =	vld.msk [tilespmem:s16+$0x0 ss:$0x1], $0xffff  }
.Ltmp4:
0x3a: {  	_ = 	snop;
	(pc) =	sbr.rel .LBB2_4-.Ltmp4, $1  }
0x3b: {  	_ =	sdelay $0x3  }
.LBB2_6:
0x3c: {  	_ =	sfence.sel $0x180000  }
0x3d: {  	s2 =	simm.s32 $0x2;
	[bflag:$0x0] =	sbarrier.arrive $0xFFFF  }
0x3e: {  	s30 =	simm.s32 $0x3;
	[sflag:s2] =	ssyncpa.u1 $0x1  }
0x3f: {  	s31 =	simm.s32 $0x1;
	[sflag:s30] =	ssyncpa.u1 $0x1  }
0x40: {  	[sflag:s31] =	ssyncpa.u1 $0x1  }
0x41: {  	p0 =	sne.s32 s1, $0x0;
	_ =	strace $0x90000047  }
0x42: {  	s0 =	sadd.s32 @!p0 $0x100000, s0;
	[bflag:$0x2] =	sbarrier.arrive $0xFFFF  }
0x43: {  	[sflag:s0] =	ssyncadd.tile.s32 @!p0 $0x1;
	_ =	shalt  }
.Lfunc_end2:
_tile_overlayer_lowered:
.L_overlay_start_2:
0x44: {  	(tag) =	ssettag $0x2  }
0x45: {  	s0 =	rddreg [dreg:$0x0];
	s2 =	stileid.u32  }
0x46: {  	s1 =	rddreg [dreg:$0x1];
	p0 =	sne.s32 s2, $0x0  }
0x47: {  	s3 =	rddreg [dreg:$0x2];
	[bflag:$0x3] =	sbarrier.arrive $0xFFFF;
	s2 =	simm.s32 @!p0 $0x1C01  }
0x48: {  	[timem:s3], [sflag:s2] =	dma.local @!p0 [hbm:s0], s1  }
0x49: {  	s0 =	simm.s32 @!p0 $0x1  }
0x4a: {  	_ =	swait.ge @!p0 [sflag:s0], s1  }
0x4b: {  	s1 =	ssub.s32 @!p0 $0x0, s1;
	[sflag:s0] =	ssyncset.done @!p0 $0x0  }
0x4c: {  	[sflag:s0] =	ssyncadd.s32 @!p0 s1  }
0x4d: {  	[bflag:$0x3] =	sbarrier.arrive $0xFFFF  }
0x4e: {  	_ =	shalt  }

// kernel: gather_offload_async_start
scs
__scs_entry_jumppad:
0x0: {  	(pc) =	sbr.rel $0x88, $3  }
0x1: {  	(tag) =	ssettag $0x0;
	lr =	simm.s32 $0x1  }
0x2: {  	[smem:$0x3F91] =	sst lr;
	_ =	strace $0xD0000000  }
0x3: {  	_ = 	snop  }
0x4: {  	_ = 	snop  }
0x5: {  	_ = 	snop  }
0x6: {  	_ = 	snop  }
0x7: {  	_ = 	snop  }
__scs_overlays_trampoline_lowered:
0x8: {  	[smem:$0x3FA0] =	sst s0  }
0x9: {  	[smem:$0x3FA1] =	sst s1  }
0xa: {  	[smem:$0x3FA2] =	sst s2  }
0xb: {  	[smem:$0x3FA3] =	sst s3  }
0xc: {  	[smem:$0x3FA4] =	sst s4  }
0xd: {  	[smem:$0x3FA5] =	sst s5  }
0xe: {  	[smem:$0x3FA6] =	sst s6  }
0xf: {  	[smem:$0x3FA7] =	sst s7  }
0x10: {  	[smem:$0x3FA8] =	sst s8  }
0x11: {  	[smem:$0x3FA9] =	sst s9;
	s0 =	simm.s32 @!p0 $0x0  }
0x12: {  	s1 =	sld [smem:$0x3F8F];
	s0 =	simm.s32 @p0 $0x1  }
0x13: {  	[smem:$0x3FAA] =	sst s0;
	s0 =	simm.s32 @!p1 $0x0  }
0x14: {  	s2 =	sld [smem:$0x3F8E];
	s0 =	simm.s32 @p1 $0x1  }
0x15: {  	[smem:$0x3FAB] =	sst s0;
	s0 =	simm.s32 @!p2 $0x0  }
0x16: {  	s3 =	sld [smem:$0x3FDB];
	s0 =	simm.s32 @p2 $0x1  }
0x17: {  	s4 =	simm.s32 $0x1BF5;
	[smem:$0x3FAD] =	sst s0  }
0x18: {  	s0 =	sld [smem:$0x3F90];
	_ =	swait.ge [sflag:s4], $0x0  }
0x19: {  	s7 =	sld [smem:$0x3F91]  }
0x1a: {  	s8 =	sadd.s32 $0xFFFFE003, lr  }
0x1b: {  	s9 =	sadd.s32 $0xFFFFFEF7, lr;
	s5 =	simm.s32 $0xFFFFFFFF;
	p2 =	slt.u32 s8, $0xFFFFF086  }
0x1c: {  	p1 =	slt.u32 s9, $0xF7A;
	s5 =	simm.s32 @!p2 $0x0  }
0x1d: {  	s5 =	simm.s32 @p1 $0x1;
	p0 =	seq.s32 s7, s2  }
0x1e: {  	s7 =	smul.u32 @!p0 $0xF7A, s2;
	p2 =	seq.s32 @!p0 s5, $0x0  }
0x1f: {  	s9 =	smul.u32 $0xF7A, s1;
	s8 =	simm.s32 @!p0 $0x1BF5;
	p2 =	por !p2, p0  }
0x20: {  	[sflag:s8] =	ssyncset.s32 @!p0 $0xFFFFF086;
	s6 =	sadd.s32 @!p0 s3, s7;
	s7 =	simm.s32 @!p0 $0x108  }
0x21: {  	s3 =	sadd.s32 s3, s9;
	s6 =	sadd.s32 @!p0 $0x88, s6;
	s7 =	simm.s32 @p2 $0x1082  }
0x22: {  	[simem:s7], [sflag:s8] =	dma.local @!p0 [hbm:s6], $0xF7A  }
0x23: {  	s9 =	sor.u32 $0xD0000000, s2;
	s6 =	simm.s32 $0x108;
	_ =	swait.ge @!p0 [sflag:s8], $0x0  }
0x24: {  	s3 =	sadd.s32 $0x88, s3;
	s6 =	simm.s32 @!p1 $0x1082;
	[sflag:s4] =	ssyncset.s32 $0xFFFFF086  }
0x25: {  	[simem:s6], [sflag:s4] =	dma.local [hbm:s3], $0xF7A  }
0x26: {  	[smem:$0x3F91] =	sst s1;
	(tag) =	ssettag s2;
	_ =	strace s9  }
0x27: {  	s1 =	sld [smem:$0x3FA1]  }
0x28: {  	s2 =	sld [smem:$0x3FA2]  }
0x29: {  	s4 =	sld [smem:$0x3FA4]  }
0x2a: {  	p0 =	seq.s32 s5, $0x0;
	s5 =	sld [smem:$0x3FA5]  }
0x2b: {  	s6 =	sld [smem:$0x3FA6]  }
0x2c: {  	s7 =	sld [smem:$0x3FA7]  }
0x2d: {  	s3 =	simm.s32 $0x108;
	s8 =	sld [smem:$0x3FA8]  }
0x2e: {  	s3 =	simm.s32 @!p0 $0x1082;
	s9 =	sld [smem:$0x3FA9]  }
0x2f: {  	lr =	sadd.s32 s0, s3;
	s0 =	sld [smem:$0x3FA0]  }
0x30: {  	s3 =	sld [smem:$0x3FA3]  }
0x31: {  	[smem:$0x3FAC] =	sst s10  }
0x32: {  	s10 =	sld [smem:$0x3FAA];
	_ =	sdelay $0x3  }
0x33: {  	p0 =	seq.s32 s10, $0x1;
	s10 =	sld [smem:$0x3FAC];
	_ =	sdelay $0x3  }
0x34: {  	[smem:$0x3FAC] =	sst s10  }
0x35: {  	s10 =	sld [smem:$0x3FAB];
	_ =	sdelay $0x3  }
0x36: {  	p1 =	seq.s32 s10, $0x1;
	s10 =	sld [smem:$0x3FAC];
	_ =	sdelay $0x3  }
0x37: {  	[smem:$0x3FAC] =	sst s10  }
0x38: {  	s10 =	sld [smem:$0x3FAD]  }
0x39: {  	_ = 	snop;
	(pc) =	sbr.ind lr, $3  }
0x3a: {  	_ = 	snop  }
0x3b: {  	_ = 	snop  }
0x3c: {  	p2 =	seq.s32 s10, $0x1;
	s10 =	sld [smem:$0x3FAC]  }
0x3d: {  	_ =	shalt  }
0x3e: {  	_ =	shalt  }
0x3f: {  	_ =	shalt  }
0x40: {  	_ =	shalt  }
0x41: {  	_ =	shalt  }
0x42: {  	_ =	shalt  }
0x43: {  	_ =	shalt  }
0x44: {  	_ =	shalt  }
0x45: {  	_ =	shalt  }
0x46: {  	_ =	shalt  }
0x47: {  	_ =	shalt  }
0x48: {  	_ =	shalt  }
0x49: {  	_ =	shalt  }
0x4a: {  	_ =	shalt  }
0x4b: {  	_ =	shalt  }
0x4c: {  	_ =	shalt  }
0x4d: {  	_ =	shalt  }
0x4e: {  	_ =	shalt  }
0x4f: {  	_ =	shalt  }
0x50: {  	_ =	shalt  }
0x51: {  	_ =	shalt  }
0x52: {  	_ =	shalt  }
0x53: {  	_ =	shalt  }
0x54: {  	_ =	shalt  }
0x55: {  	_ =	shalt  }
0x56: {  	_ =	shalt  }
0x57: {  	_ =	shalt  }
0x58: {  	_ =	shalt  }
0x59: {  	_ =	shalt  }
0x5a: {  	_ =	shalt  }
0x5b: {  	_ =	shalt  }
0x5c: {  	_ =	shalt  }
0x5d: {  	_ =	shalt  }
0x5e: {  	_ =	shalt  }
0x5f: {  	_ =	shalt  }
0x60: {  	_ =	shalt  }
0x61: {  	_ =	shalt  }
0x62: {  	_ =	shalt  }
0x63: {  	_ =	shalt  }
0x64: {  	_ =	shalt  }
0x65: {  	_ =	shalt  }
0x66: {  	_ =	shalt  }
0x67: {  	_ =	shalt  }
0x68: {  	_ =	shalt  }
0x69: {  	_ =	shalt  }
0x6a: {  	_ =	shalt  }
0x6b: {  	_ =	shalt  }
0x6c: {  	_ =	shalt  }
0x6d: {  	_ =	shalt  }
0x6e: {  	_ =	shalt  }
0x6f: {  	_ =	shalt  }
0x70: {  	_ =	shalt  }
0x71: {  	_ =	shalt  }
0x72: {  	_ =	shalt  }
0x73: {  	_ =	shalt  }
0x74: {  	_ =	shalt  }
0x75: {  	_ =	shalt  }
0x76: {  	_ =	shalt  }
0x77: {  	_ =	shalt  }
0x78: {  	_ =	shalt  }
0x79: {  	_ =	shalt  }
0x7a: {  	_ =	shalt  }
0x7b: {  	_ =	shalt  }
0x7c: {  	_ =	shalt  }
0x7d: {  	_ =	shalt  }
0x7e: {  	_ =	shalt  }
0x7f: {  	_ =	shalt  }
0x80: {  	_ =	shalt  }
0x81: {  	_ =	shalt  }
0x82: {  	_ =	shalt  }
0x83: {  	_ =	shalt  }
0x84: {  	_ =	shalt  }
0x85: {  	_ =	shalt  }
0x86: {  	_ =	shalt  }
0x87: {  	_ =	shalt  }
.Lfunc_end0:
.L_simem_size_0:
called_computation_lowered:
.L_overlay_start_0:
0x88: {  	s2 =	sld [smem:$0x3FD9]  }
0x89: {  	s3 =	sld [smem:$0x3FFE];
	_ =	sdelay $0x1  }
0x8a: {  	s1 =	srdreg.scid  }
0x8b: {  	s0 =	sand.u32 $0x1, s1  }
0x8c: {  	s15 =	sshll.u32 s0, $0xA;
	s2 =	sadd.s32 s3, s2  }
0x8d: {  	s2 =	sadd.s32 s2, s15  }
0x8e: {  	[smem:$0x3FB8] =	sst s2  }
0x8f: {  	_ = 	snop  }
0x90: {  	s2 =	sld [smem:$0x3FD0];
	_ =	sdelay $0x2  }
0x91: {  	s16 =	simm.s32 $0xB;
	s4 =	simm.s32 $0x10  }
0x92: {  	[smem:s4], [sflag:s16] =	dma.local [hbm:s2], $0x1  }
0x93: {  	_ =	swait.eq [sflag:s16], $0x1  }
0x94: {  	[sflag:s16] =	ssyncset.done $0x0  }
0x95: {  	[sflag:s16] =	ssyncadd.s32 $0xFFFFFFFF  }
0x96: {  	s17 =	sld [smem:$0x11];
	(tm) =	ssettm $0x1  }
0x97: {  	s18 =	sld [smem:$0x3FFB];
	_ =	sdelay $0x3  }
0x98: {  	_ =	strace s18  }
0x99: {  	s2 =	sld [smem:$0x3FFC];
	_ =	sdelay $0x3  }
0x9a: {  	_ =	strace s2  }
0x9b: {  	s2 =	sld [smem:$0x3FFD];
	_ =	sdelay $0x3  }
0x9c: {  	_ =	strace s2  }
0x9d: {  	_ =	strace $0x8FFFFFFF  }
0x9e: {  	s19 =	sld [smem:$0x3FDB];
	_ =	sdelay $0x1  }
0x9f: {  	s20 =	simm.s32 $_scs_section_size  }
0xa0: {  	s5 =	simm.s32 $_size__tile_overlayer_lowered;
	s6 =	simm.s32 $_tile_overlayer_lowered  }
0xa1: {  	s7 =	simm.s32 $0x1BFF;
	s21 =	sshll.u32 s6, $0x1;
	s4 =	sadd.s32 s20, s19  }
0xa2: {  	s22 =	simm.s32 $0x0;
	s5 =	sshll.u32 s5, $0x1;
	s6 =	sadd.s32 s21, s4  }
0xa3: {  	[timem:s22], [sflag:s7] =	dma.local [hbm:s6], s5  }
0xa4: {  	_ =	swait.ge [sflag:s7], s5  }
0xa5: {  	s5 =	ssub.s32 $0x0, s5;
	[sflag:s7] =	ssyncset.done $0x0  }
0xa6: {  	[sflag:s7] =	ssyncadd.s32 s5;
	_ =	sdelay $0x1  }
0xa7: {  	s23 =	simm.s32 $0x1B8B  }
0xa8: {  	_ =	swait.ge [sflag:s23], $0x1  }
0xa9: {  	[sflag:s23] =	ssyncset.done $0x0  }
0xaa: {  	[sflag:s23] =	ssyncadd.s32 $0xFFFFFFFF  }
0xab: {  	s5 =	sld [smem:$0x0]  }
0xac: {  	s6 =	sand.u32 $0xFFFFFFFE, s1  }
0xad: {  	p0 =	sne.s32 s1, s6  }
0xae: {  	s6 =	sshll.u32 @p0 s6, $0xE  }
0xaf: {  	s6 =	sadd.s32 @p0 $0x11B8D, s6;
	s7 =	sshll.u32 @p0 s5, $0x11  }
0xb0: {  	s6 =	sor.u32 @p0 s7, s6  }
0xb1: {  	[sflag:s6] =	ssyncadd.remote.s32 @p0 $0x1;
	_ =	sdelay $0x1  }
0xb2: {  	s6 =	simm.s32 @p0 $0x1B8D  }
0xb3: {  	_ =	swait.eq @p0 [sflag:s6], $0x1  }
0xb4: {  	[sflag:s6] =	ssyncadd.s32 @p0 $0xFFFFFFFF  }
0xb5: {  	s7 =	sshll.u32 @!p0 s1, $0xE  }
0xb6: {  	s7 =	sor.u32 @!p0 $0x4000, s7;
	s6 =	simm.s32 @!p0 $0x1B8D  }
0xb7: {  	s5 =	sshll.u32 @!p0 s5, $0x11;
	s7 =	sadd.s32 @!p0 $0x11B8D, s7;
	_ =	swait.eq @!p0 [sflag:s6], $0x1  }
0xb8: {  	s5 =	sor.u32 @!p0 s5, s7;
	[sflag:s6] =	ssyncadd.s32 @!p0 $0xFFFFFFFF  }
0xb9: {  	s25 =	simm.s32 $0x1B8E;
	s24 =	sld [smem:$0x3FFE];
	[sflag:s5] =	ssyncadd.remote.s32 @!p0 $0x1  }
0xba: {  	s26 =	simm.s32 $execute0_lowered;
	[smem:$0x3FD2] =	sst s25  }
0xbb: {  	s6 =	sshll.u32 s26, $0x1;
	_ =	strace $0x80000049;
	[dreg:$0x1] =	wrdreg $0xFFFFFFFF  }
0xbc: {  	s28 =	simm.s32 $_size_execute0_lowered;
	s4 =	sadd.s32 s4, s6;
	[dreg:$0x0] =	wrdreg $0x0  }
0xbd: {  	s6 =	sshll.u32 s28, $0x1;
	[dreg:$0x2] =	wrdreg s4  }
0xbe: {  	[dreg:$0x3] =	wrdreg s6  }
0xbf: {  	[dreg:$0x4] =	wrdreg $0xC0  }
0xc0: {  	_ =	task [dreg:s22], $0x5FFFF  }
0xc1: {  	[dreg:$0x1] =	wrdreg $0xFFFFFFFF  }
0xc2: {  	[dreg:$0x0] =	wrdreg $0x60  }
0xc3: {  	[dreg:$0x2] =	wrdreg s17  }
0xc4: {  	[dreg:$0x3] =	wrdreg s24  }
0xc5: {  	[dreg:$0x4] =	wrdreg $0x9  }
0xc6: {  	_ =	task.clear_ibuf [dreg:s22], $0x5FFFF;
	_ =	strace $0x90000049  }
0xc7: {  	s29 =	simm.s32 $0x9;
	_ =	strace $0x8000004B  }
0xc8: {  	_ =	swait.ge [sflag:s29], $0x1  }
0xc9: {  	[sflag:s29] =	ssyncadd.s32 $0xFFFFFFFF  }
0xca: {  	_ =	strace $0x9000004B  }
0xcb: {  	_ =	sfence  }
0xcc: {  	s30 =	sld [smem:$0x0];
	_ =	sdelay $0x2  }
0xcd: {  	s31 =	sshll.u32 s1, $0xD;
	s1 =	sshrl.u32 s1, $0x2  }
0xce: {  	s4 =	sand.u32 $0x4000, s31;
	s1 =	sadd.s32 s1, s30  }
0xcf: {  	s0 =	sor.u32 s4, s0;
	s1 =	sshll.u32 s1, $0x11  }
0xd0: {  	s0 =	sor.u32 s1, s0  }
0xd1: {  	s0 =	sadd.s32 $0x8F2B, s0  }
0xd2: {  	[sflag:s0] =	ssyncadd.remote.s32 $0x1  }
0xd3: {  	_ =	sfence.sel $0xFFFF  }
0xd4: {  	[dreg:$0x0] =	wrdreg $0xFFFFFFFF;
	(pc) =	sbr.abs _section_cstart, $3  }
0xd5: {  	[dreg:$0x1] =	wrdreg $0xFFFFFFFF  }
0xd6: {  	_ =	task.clear_ibuf [dreg:s22], $0x2FFFF;
	_ =	strace $0x9FFFFFFF  }
0xd7: {  	(tm) =	ssettm $0x7FFFFFFF  }
tec
execute0_lowered:
.L_overlay_start_1:
0x0: {  	(tag) =	ssettag $0x1  }
0x1: {  	s2 =	rddreg [dreg:$0x0]  }
0x2: {  	s8 =	rddreg [dreg:$0x1]  }
0x3: {  	s0 =	rddreg [dreg:$0x2];
	s1 =	stileid.u32  }
0x4: {  	s3 =	srdreg.scid;
	_ =	strace $0x8000004A;
	s4 =	simm.s32 $0x1  }
0x5: {  	s7 =	simm.s32 $0x1;
	s9 =	simm.s32 $0x1;
	s10 =	simm.s32 $0x3  }
0x6: {  	s13 =	simm.s32 $0x0;
	s5 =	sand.u32 $0x1, s3;
	s6 =	sshll.u32 s1, $0x1  }
0x7: {  	s12 =	simm.s32 $0x0;
	s3 =	sadd.s32 $0xE000, s8;
	s5 =	sor.u32 s6, s5  }
.Ltmp0:
0x8: {  	[sflag:s4] =	ssyncpa.u1 $0x0;
	p0 =	slt.u32 s5, $0x9;
	(pc) =	sbr.rel .LBB2_1-.Ltmp0, $4  }
0x9: {  	s6 =	simm.s32 $0x2;
	s7 =	simm.s32 @!p0 $0x0;
	p0 =	sne.s32 s5, $0x8  }
0xa: {  	[sflag:s6] =	ssyncpa.u1 $0x0;
	s5 =	smul.u32 $0x1F40, s5;
	s9 =	simm.s32 @!p0 $0x0  }
0xb: {  	s8 =	sadd.s32 $0x21C00, s8;
	[sflag:s10] =	ssyncpa.u1 $0x0;
	s7 =	sadd.s32 s9, s7  }
0xc: {  	vm0 =	vmmov $0xffff;
	s10 =	simm.s32 $0x0;
	s11 =	smov.u32 s5;
	s9 =	sadd.s32 $0x1, s7  }
.LBB2_4:
0xd: {  	v2 =	vnsel vm1, $0x0, v2  }
0xe: {  	vm1 =	vgt.s32 v0, $0x0;
	v2 =	vmin.u32 v2, $0x4E1FF  }
0xf: {  	v0 =	vnsel vm1, $0x0, v0  }
0x10: {  	v0 =	vmin.u32 v0, $0x4E1FF  }
0x11: {  	[tilespmem:s18], [sflag:$0x1] =	stream.indirect_vreg.gather [hbm4b:s2+s10], $0x1, v1, vm0, $0x4038;
	[tilespmem:$0x7D00] =	vst v63  }
0x12: {  	(ifvalue) =	ssetifvalue $0x7FFFFFFF  }
0x13: {  	[tilespmem:s15], [sflag:$0x1] =	stream.indirect_vreg.gather [hbm4b:s2+s10], $0x1, v2, vm0, $0x4038;
	[tilespmem:$0x7D00] =	vst v63  }
0x14: {  	s29 =	sadd.s32 $0x10, s15;
	(ifvalue) =	ssetifvalue $0x7FFFFFFF  }
0x15: {  	[tilespmem:s29], [sflag:$0x1] =	stream.indirect_vreg.gather [hbm4b:s2+s10], $0x1, v0, vm0, $0x4038;
	[tilespmem:$0x7D00] =	vst v63  }
0x16: {  	_ =	swait.ge [sflag:s4], $0x1F40  }
0x17: {  	s30 =	sshrl.u32 s13, $0x3;
	[sflag:s4] =	ssyncset.done $0x0  }
0x18: {  	s31 =	sand.u32 $0x7, s13;
	s15 =	sadd.s32 s8, s30;
	[sflag:s4] =	ssyncadd.s32 $0xFFFFE0C0  }
0x19: {  	[hbm4b:s15+s31] =	stream.linear.scatter [tilespmem:s14], [sflag:$0x3], $0x1F40, $0x38;
	[tilespmem:$0x7D00] =	vst v63  }
.LBB2_5:
0x1a: {  	s15 =	sadd.s32 $0x3E800, s11  }
0x1b: {  	p1 =	sgt.s32 s15, $0x4E1FF  }
0x1c: {  	s15 =	smov.u32 @p1 s5;
	p1 =	sne.s32 s12, s9  }
.Ltmp1:
0x1d: {  	p0 =	slt.u32 s12, $0x2;
	(pc) =	sbr.rel @!p1 .LBB2_6-.Ltmp1, $4  }
0x1e: {  	s14 =	simm.s32 @!p0 $0x3  }
0x1f: {  	_ =	swait.ge @!p0 [sflag:s14], $0x1F40  }
0x20: {  	s16 =	sadd.s32 $0x1, s12;
	s13 =	smov.u32 s11;
	[sflag:s14] =	ssyncset.done @!p0 $0x0  }
0x21: {  	s12 =	smov.u32 s16;
	s11 =	smov.u32 s15;
	[sflag:s14] =	ssyncadd.s32 @!p0 $0xFFFFE0C0  }
.LBB2_1:
0x22: {  	p0 =	sge.u32 s12, s7  }
0x23: {  	s14 =	sxor.u32 @!p0 $0x1, s12  }
0x24: {  	s14 =	smul.u32 @!p0 $0x7D00, s14  }
0x25: {  	s31 =	sadd.s32 $0xFFFFFFFF, s12;
	s15 =	sshrl.u32 @!p0 s11, $0x3  }
0x26: {  	s16 =	sand.u32 @!p0 $0x7, s11;
	s15 =	sadd.s32 @!p0 s3, s15;
	s14 =	sshra.s32 @!p0 s14, $0x2  }
0x27: {  	[tilespmem:s14], [sflag:$0x2] =	stream.linear.gather @!p0 [hbm4b:s15+s16], $0x1F40, $0x38;
	[tilespmem:$0x7D00] =	vst v63  }
0x28: {  	p0 =	sge.u32 s31, s7  }
.Ltmp2:
0x29: {  	_ = 	snop;
	(pc) =	sbr.rel @p0 .LBB2_5-.Ltmp2, $1  }
0x2a: {  	_ =	sdelay $0x3  }
0x2b: {  	s14 =	sand.u32 $0x1, s12  }
0x2c: {  	_ =	swait.ge [sflag:s6], $0x1F40;
	p0 =	seq.s32 s14, $0x1;
	s14 =	simm.s32 $0x1F40  }
0x2d: {  	[sflag:s6] =	ssyncset.done $0x0;
	s14 =	simm.s32 @!p0 $0x0  }
0x2e: {  	[sflag:s6] =	ssyncadd.s32 $0xFFFFE0C0;
	(ifvalue) =	ssetifvalue $0x7FFFFFFF;
	v0 =	vld.msk [tilespmem:s14+$0x0 ss:$0x1], $0xffff;
	_ =	sdelay $0x4  }
0x2f: {  	s15 =	sadd.s32 $0x10, s14;
	vm1 =	vgt.s32 v0, $0x0  }
0x30: {  	v2 =	vld.msk [tilespmem:s15+$0x0 ss:$0x1], $0xffff;
	v1 =	vnsel vm1, $0x0, v0  }
0x31: {  	v1 =	vmin.u32 v1, $0x4E1FF;
	_ =	sdelay $0x2  }
0x32: {  	s17 =	simm.s32 $0x20;
	s14 =	sadd.s32 $0x3E80, s14;
	s16 =	sadd.s32 $0x10, s15  }
0x33: {  	s15 =	sadd.s32 $0x10, s14;
	s18 =	smov.u32 s14;
	v0 =	vld.msk [tilespmem:s16+$0x0 ss:$0x1], $0xffff;
	vm1 =	vgt.s32 v2, $0x0;
	(ifvalue) =	ssetifvalue $0x7FFFFFFF  }
.LBB2_3:
0x34: {  	[tilespmem:s18], [sflag:$0x1] =	stream.indirect_vreg.gather [hbm4b:s2+s10], $0x1, v1, vm0, $0x4038;
	[tilespmem:$0x7D00] =	vst v63  }
0x35: {  	s17 =	sadd.s32 $0x10, s17  }
0x36: {  	v2 =	vnsel vm1, $0x0, v2;
	p0 =	slt.u32 s17, $0x1F30  }
.Ltmp3:
0x37: {  	s18 =	smov.u32 s15;
	v1 =	vmin.u32 v2, $0x4E1FF;
	(pc) =	sbr.rel @p0 .LBB2_3-.Ltmp3, $3  }
0x38: {  	_ =	sdelay $0x1  }
0x39: {  	s16 =	sadd.s32 $0x10, s16  }
0x3a: {  	vm1 =	vgt.s32 v0, $0x0;
	s15 =	sadd.s32 $0x10, s15;
	v2 =	vmov v0;
	(ifvalue) =	ssetifvalue $0x7FFFFFFF;
	v0 =	vld.msk [tilespmem:s16+$0x0 ss:$0x1], $0xffff  }
.Ltmp4:
0x3b: {  	_ = 	snop;
	(pc) =	sbr.rel .LBB2_4-.Ltmp4, $1  }
0x3c: {  	_ =	sdelay $0x3  }
.LBB2_6:
0x3d: {  	_ =	sfence.sel $0x180000  }
0x3e: {  	s2 =	simm.s32 $0x2;
	[bflag:$0x0] =	sbarrier.arrive $0xFFFF  }
0x3f: {  	s30 =	simm.s32 $0x3;
	[sflag:s2] =	ssyncpa.u1 $0x1  }
0x40: {  	s31 =	simm.s32 $0x1;
	[sflag:s30] =	ssyncpa.u1 $0x1  }
0x41: {  	[sflag:s31] =	ssyncpa.u1 $0x1  }
0x42: {  	p0 =	sne.s32 s1, $0x0;
	_ =	strace $0x9000004A  }
0x43: {  	s0 =	sadd.s32 @!p0 $0x100000, s0;
	[bflag:$0x2] =	sbarrier.arrive $0xFFFF  }
0x44: {  	[sflag:s0] =	ssyncadd.tile.s32 @!p0 $0x1;
	_ =	shalt  }
.Lfunc_end2:
_tile_overlayer_lowered:
.L_overlay_start_2:
0x45: {  	(tag) =	ssettag $0x2  }
0x46: {  	s0 =	rddreg [dreg:$0x0];
	s2 =	stileid.u32  }
0x47: {  	s1 =	rddreg [dreg:$0x1];
	p0 =	sne.s32 s2, $0x0  }
0x48: {  	s3 =	rddreg [dreg:$0x2];
	[bflag:$0x3] =	sbarrier.arrive $0xFFFF;
	s2 =	simm.s32 @!p0 $0x1C01  }
0x49: {  	[timem:s3], [sflag:s2] =	dma.local @!p0 [hbm:s0], s1  }
0x4a: {  	s0 =	simm.s32 @!p0 $0x1  }
0x4b: {  	_ =	swait.ge @!p0 [sflag:s0], s1  }
0x4c: {  	s1 =	ssub.s32 @!p0 $0x0, s1;
	[sflag:s0] =	ssyncset.done @!p0 $0x0  }
0x4d: {  	[sflag:s0] =	ssyncadd.s32 @!p0 s1  }
0x4e: {  	[bflag:$0x3] =	sbarrier.arrive $0xFFFF  }
0x4f: {  	_ =	shalt  }

// kernel: kernel.12.cloned.1.call-start
scs
__scs_entry_jumppad:
0x0: {  	(pc) =	sbr.rel $0x88, $3  }
0x1: {  	(tag) =	ssettag $0x0;
	lr =	simm.s32 $0x1  }
0x2: {  	[smem:$0x3F91] =	sst lr;
	_ =	strace $0xD0000000  }
0x3: {  	_ = 	snop  }
0x4: {  	_ = 	snop  }
0x5: {  	_ = 	snop  }
0x6: {  	_ = 	snop  }
0x7: {  	_ = 	snop  }
__scs_overlays_trampoline_lowered:
0x8: {  	[smem:$0x3FA0] =	sst s0  }
0x9: {  	[smem:$0x3FA1] =	sst s1  }
0xa: {  	[smem:$0x3FA2] =	sst s2  }
0xb: {  	[smem:$0x3FA3] =	sst s3  }
0xc: {  	[smem:$0x3FA4] =	sst s4  }
0xd: {  	[smem:$0x3FA5] =	sst s5  }
0xe: {  	[smem:$0x3FA6] =	sst s6  }
0xf: {  	[smem:$0x3FA7] =	sst s7  }
0x10: {  	[smem:$0x3FA8] =	sst s8  }
0x11: {  	[smem:$0x3FA9] =	sst s9;
	s0 =	simm.s32 @!p0 $0x0  }
0x12: {  	s1 =	sld [smem:$0x3F8F];
	s0 =	simm.s32 @p0 $0x1  }
0x13: {  	[smem:$0x3FAA] =	sst s0;
	s0 =	simm.s32 @!p1 $0x0  }
0x14: {  	s2 =	sld [smem:$0x3F8E];
	s0 =	simm.s32 @p1 $0x1  }
0x15: {  	[smem:$0x3FAB] =	sst s0;
	s0 =	simm.s32 @!p2 $0x0  }
0x16: {  	s3 =	sld [smem:$0x3FDB];
	s0 =	simm.s32 @p2 $0x1  }
0x17: {  	s4 =	simm.s32 $0x1BF5;
	[smem:$0x3FAD] =	sst s0  }
0x18: {  	s0 =	sld [smem:$0x3F90];
	_ =	swait.ge [sflag:s4], $0x0  }
0x19: {  	s7 =	sld [smem:$0x3F91]  }
0x1a: {  	s8 =	sadd.s32 $0xFFFFE003, lr  }
0x1b: {  	s9 =	sadd.s32 $0xFFFFFEF7, lr;
	s5 =	simm.s32 $0xFFFFFFFF;
	p2 =	slt.u32 s8, $0xFFFFF086  }
0x1c: {  	p1 =	slt.u32 s9, $0xF7A;
	s5 =	simm.s32 @!p2 $0x0  }
0x1d: {  	s5 =	simm.s32 @p1 $0x1;
	p0 =	seq.s32 s7, s2  }
0x1e: {  	s7 =	smul.u32 @!p0 $0xF7A, s2;
	p2 =	seq.s32 @!p0 s5, $0x0  }
0x1f: {  	s9 =	smul.u32 $0xF7A, s1;
	s8 =	simm.s32 @!p0 $0x1BF5;
	p2 =	por !p2, p0  }
0x20: {  	[sflag:s8] =	ssyncset.s32 @!p0 $0xFFFFF086;
	s6 =	sadd.s32 @!p0 s3, s7;
	s7 =	simm.s32 @!p0 $0x108  }
0x21: {  	s3 =	sadd.s32 s3, s9;
	s6 =	sadd.s32 @!p0 $0x88, s6;
	s7 =	simm.s32 @p2 $0x1082  }
0x22: {  	[simem:s7], [sflag:s8] =	dma.local @!p0 [hbm:s6], $0xF7A  }
0x23: {  	s9 =	sor.u32 $0xD0000000, s2;
	s6 =	simm.s32 $0x108;
	_ =	swait.ge @!p0 [sflag:s8], $0x0  }
0x24: {  	s3 =	sadd.s32 $0x88, s3;
	s6 =	simm.s32 @!p1 $0x1082;
	[sflag:s4] =	ssyncset.s32 $0xFFFFF086  }
0x25: {  	[simem:s6], [sflag:s4] =	dma.local [hbm:s3], $0xF7A  }
0x26: {  	[smem:$0x3F91] =	sst s1;
	(tag) =	ssettag s2;
	_ =	strace s9  }
0x27: {  	s1 =	sld [smem:$0x3FA1]  }
0x28: {  	s2 =	sld [smem:$0x3FA2]  }
0x29: {  	s4 =	sld [smem:$0x3FA4]  }
0x2a: {  	p0 =	seq.s32 s5, $0x0;
	s5 =	sld [smem:$0x3FA5]  }
0x2b: {  	s6 =	sld [smem:$0x3FA6]  }
0x2c: {  	s7 =	sld [smem:$0x3FA7]  }
0x2d: {  	s3 =	simm.s32 $0x108;
	s8 =	sld [smem:$0x3FA8]  }
0x2e: {  	s3 =	simm.s32 @!p0 $0x1082;
	s9 =	sld [smem:$0x3FA9]  }
0x2f: {  	lr =	sadd.s32 s0, s3;
	s0 =	sld [smem:$0x3FA0]  }
0x30: {  	s3 =	sld [smem:$0x3FA3]  }
0x31: {  	[smem:$0x3FAC] =	sst s10  }
0x32: {  	s10 =	sld [smem:$0x3FAA];
	_ =	sdelay $0x3  }
0x33: {  	p0 =	seq.s32 s10, $0x1;
	s10 =	sld [smem:$0x3FAC];
	_ =	sdelay $0x3  }
0x34: {  	[smem:$0x3FAC] =	sst s10  }
0x35: {  	s10 =	sld [smem:$0x3FAB];
	_ =	sdelay $0x3  }
0x36: {  	p1 =	seq.s32 s10, $0x1;
	s10 =	sld [smem:$0x3FAC];
	_ =	sdelay $0x3  }
0x37: {  	[smem:$0x3FAC] =	sst s10  }
0x38: {  	s10 =	sld [smem:$0x3FAD]  }
0x39: {  	_ = 	snop;
	(pc) =	sbr.ind lr, $3  }
0x3a: {  	_ = 	snop  }
0x3b: {  	_ = 	snop  }
0x3c: {  	p2 =	seq.s32 s10, $0x1;
	s10 =	sld [smem:$0x3FAC]  }
0x3d: {  	_ =	shalt  }
0x3e: {  	_ =	shalt  }
0x3f: {  	_ =	shalt  }
0x40: {  	_ =	shalt  }
0x41: {  	_ =	shalt  }
0x42: {  	_ =	shalt  }
0x43: {  	_ =	shalt  }
0x44: {  	_ =	shalt  }
0x45: {  	_ =	shalt  }
0x46: {  	_ =	shalt  }
0x47: {  	_ =	shalt  }
0x48: {  	_ =	shalt  }
0x49: {  	_ =	shalt  }
0x4a: {  	_ =	shalt  }
0x4b: {  	_ =	shalt  }
0x4c: {  	_ =	shalt  }
0x4d: {  	_ =	shalt  }
0x4e: {  	_ =	shalt  }
0x4f: {  	_ =	shalt  }
0x50: {  	_ =	shalt  }
0x51: {  	_ =	shalt  }
0x52: {  	_ =	shalt  }
0x53: {  	_ =	shalt  }
0x54: {  	_ =	shalt  }
0x55: {  	_ =	shalt  }
0x56: {  	_ =	shalt  }
0x57: {  	_ =	shalt  }
0x58: {  	_ =	shalt  }
0x59: {  	_ =	shalt  }
0x5a: {  	_ =	shalt  }
0x5b: {  	_ =	shalt  }
0x5c: {  	_ =	shalt  }
0x5d: {  	_ =	shalt  }
0x5e: {  	_ =	shalt  }
0x5f: {  	_ =	shalt  }
0x60: {  	_ =	shalt  }
0x61: {  	_ =	shalt  }
0x62: {  	_ =	shalt  }
0x63: {  	_ =	shalt  }
0x64: {  	_ =	shalt  }
0x65: {  	_ =	shalt  }
0x66: {  	_ =	shalt  }
0x67: {  	_ =	shalt  }
0x68: {  	_ =	shalt  }
0x69: {  	_ =	shalt  }
0x6a: {  	_ =	shalt  }
0x6b: {  	_ =	shalt  }
0x6c: {  	_ =	shalt  }
0x6d: {  	_ =	shalt  }
0x6e: {  	_ =	shalt  }
0x6f: {  	_ =	shalt  }
0x70: {  	_ =	shalt  }
0x71: {  	_ =	shalt  }
0x72: {  	_ =	shalt  }
0x73: {  	_ =	shalt  }
0x74: {  	_ =	shalt  }
0x75: {  	_ =	shalt  }
0x76: {  	_ =	shalt  }
0x77: {  	_ =	shalt  }
0x78: {  	_ =	shalt  }
0x79: {  	_ =	shalt  }
0x7a: {  	_ =	shalt  }
0x7b: {  	_ =	shalt  }
0x7c: {  	_ =	shalt  }
0x7d: {  	_ =	shalt  }
0x7e: {  	_ =	shalt  }
0x7f: {  	_ =	shalt  }
0x80: {  	_ =	shalt  }
0x81: {  	_ =	shalt  }
0x82: {  	_ =	shalt  }
0x83: {  	_ =	shalt  }
0x84: {  	_ =	shalt  }
0x85: {  	_ =	shalt  }
0x86: {  	_ =	shalt  }
0x87: {  	_ =	shalt  }
.Lfunc_end0:
.L_simem_size_0:
called_computation.2_lowered:
.L_overlay_start_0:
0x88: {  	s2 =	sld [smem:$0x3FD9]  }
0x89: {  	s3 =	sld [smem:$0x3FFE];
	_ =	sdelay $0x1  }
0x8a: {  	s1 =	srdreg.scid  }
0x8b: {  	s0 =	sand.u32 $0x1, s1  }
0x8c: {  	s14 =	sshll.u32 s0, $0xA;
	s2 =	sadd.s32 s3, s2  }
0x8d: {  	s2 =	sadd.s32 s2, s14  }
0x8e: {  	[smem:$0x3FB8] =	sst s2  }
0x8f: {  	_ = 	snop  }
0x90: {  	s2 =	sld [smem:$0x3FD0];
	_ =	sdelay $0x2  }
0x91: {  	s15 =	simm.s32 $0xB;
	s4 =	simm.s32 $0x10  }
0x92: {  	[smem:s4], [sflag:s15] =	dma.local [hbm:s2], $0x1  }
0x93: {  	_ =	swait.eq [sflag:s15], $0x1  }
0x94: {  	[sflag:s15] =	ssyncset.done $0x0  }
0x95: {  	s16 =	sld [smem:$0x10];
	[sflag:s15] =	ssyncadd.s32 $0xFFFFFFFF  }
0x96: {  	s17 =	sld [smem:$0x11];
	(tm) =	ssettm $0x1  }
0x97: {  	s18 =	sld [smem:$0x3FFB];
	_ =	sdelay $0x3  }
0x98: {  	_ =	strace s18  }
0x99: {  	s4 =	sld [smem:$0x3FFC];
	_ =	sdelay $0x3  }
0x9a: {  	_ =	strace s4  }
0x9b: {  	s4 =	sld [smem:$0x3FFD];
	_ =	sdelay $0x3  }
0x9c: {  	_ =	strace s4  }
0x9d: {  	_ =	strace $0x8FFFFFFF  }
0x9e: {  	s19 =	sld [smem:$0x3FDB];
	_ =	sdelay $0x1  }
0x9f: {  	s5 =	simm.s32 $_scs_section_size  }
0xa0: {  	s6 =	simm.s32 $_size__tile_overlayer_lowered;
	s7 =	simm.s32 $_tile_overlayer_lowered  }
0xa1: {  	s22 =	simm.s32 $0x1BFF;
	s21 =	sshll.u32 s7, $0x1;
	s4 =	sadd.s32 s5, s19  }
0xa2: {  	s8 =	simm.s32 $0x0;
	s20 =	sshll.u32 s6, $0x1;
	s6 =	sadd.s32 s21, s4  }
0xa3: {  	[timem:s8], [sflag:s22] =	dma.local [hbm:s6], s20  }
0xa4: {  	_ =	swait.ge [sflag:s22], s20  }
0xa5: {  	s5 =	ssub.s32 $0x0, s20;
	[sflag:s22] =	ssyncset.done $0x0  }
0xa6: {  	[sflag:s22] =	ssyncadd.s32 s5;
	_ =	sdelay $0x1  }
0xa7: {  	s23 =	simm.s32 $0x1B8B  }
0xa8: {  	_ =	swait.ge [sflag:s23], $0x1  }
0xa9: {  	[sflag:s23] =	ssyncset.done $0x0  }
0xaa: {  	s25 =	simm.s32 $0x1B8E;
	s24 =	sld [smem:$0x3FFE];
	[sflag:s23] =	ssyncadd.s32 $0xFFFFFFFF  }
0xab: {  	s26 =	simm.s32 $execute0_lowered;
	[smem:$0x3FD2] =	sst s25  }
0xac: {  	s6 =	sshll.u32 s26, $0x1;
	_ =	strace $0x8000004C;
	[dreg:$0x1] =	wrdreg $0xFFFFFFFF  }
0xad: {  	s28 =	simm.s32 $_size_execute0_lowered;
	s4 =	sadd.s32 s4, s6;
	[dreg:$0x0] =	wrdreg $0x0  }
0xae: {  	s6 =	sshll.u32 s28, $0x1;
	[dreg:$0x2] =	wrdreg s4  }
0xaf: {  	[dreg:$0x3] =	wrdreg s6  }
0xb0: {  	[dreg:$0x4] =	wrdreg $0xC0  }
0xb1: {  	_ =	task [dreg:s8], $0x5FFFF  }
0xb2: {  	[dreg:$0x1] =	wrdreg $0xFFFFFFFF  }
0xb3: {  	[dreg:$0x0] =	wrdreg $0x60  }
0xb4: {  	[dreg:$0x2] =	wrdreg s17  }
0xb5: {  	[dreg:$0x3] =	wrdreg s16  }
0xb6: {  	[dreg:$0x4] =	wrdreg s24  }
0xb7: {  	[dreg:$0x5] =	wrdreg $0x80800  }
0xb8: {  	[dreg:$0x6] =	wrdreg $0x83000  }
0xb9: {  	[dreg:$0x7] =	wrdreg $0x9  }
0xba: {  	_ =	task.clear_ibuf [dreg:s8], $0x8FFFF;
	_ =	strace $0x9000004C  }
0xbb: {  	s29 =	simm.s32 $0x9;
	_ =	strace $0x8000004E  }
0xbc: {  	_ =	swait.ge [sflag:s29], $0x1  }
0xbd: {  	[sflag:s29] =	ssyncadd.s32 $0xFFFFFFFF  }
0xbe: {  	_ =	strace $0x9000004E  }
0xbf: {  	_ =	sfence  }
0xc0: {  	s30 =	sld [smem:$0x0];
	_ =	sdelay $0x2  }
0xc1: {  	s31 =	sshll.u32 s1, $0xD;
	s1 =	sshrl.u32 s1, $0x2  }
0xc2: {  	s3 =	sand.u32 $0x4000, s31;
	s1 =	sadd.s32 s1, s30  }
0xc3: {  	s0 =	sor.u32 s3, s0;
	s1 =	sshll.u32 s1, $0x11  }
0xc4: {  	s0 =	sor.u32 s1, s0  }
0xc5: {  	s0 =	sadd.s32 $0x8F2B, s0  }
0xc6: {  	[sflag:s0] =	ssyncadd.remote.s32 $0x1  }
0xc7: {  	_ =	sfence.sel $0xFFFF  }
0xc8: {  	[dreg:$0x0] =	wrdreg $0xFFFFFFFF;
	(pc) =	sbr.abs _section_cstart, $3  }
0xc9: {  	[dreg:$0x1] =	wrdreg $0xFFFFFFFF  }
0xca: {  	_ =	task.clear_ibuf [dreg:s8], $0x2FFFF;
	_ =	strace $0x9FFFFFFF  }
0xcb: {  	(tm) =	ssettm $0x7FFFFFFF  }
tec
execute0_lowered:
.L_overlay_start_1:
0x0: {  	(tag) =	ssettag $0x1  }
0x1: {  	s7 =	rddreg [dreg:$0x0]  }
0x2: {  	s8 =	rddreg [dreg:$0x1]  }
0x3: {  	s5 =	rddreg [dreg:$0x2]  }
0x4: {  	s2 =	rddreg [dreg:$0x3]  }
0x5: {  	s3 =	rddreg [dreg:$0x4];
	s0 =	stileid.u32  }
0x6: {  	s6 =	srdreg.scid;
	s1 =	rddreg [dreg:$0x5]  }
0x7: {  	s4 =	simm.s32 $0x0;
	s18 =	simm.s32 $0x20;
	s19 =	simm.s32 $0x10  }
0x8: {  	s20 =	simm.s32 $0x0;
	s9 =	smul.u32 $0x280, s0;
	s6 =	sand.u32 $0x1, s6  }
0x9: {  	[smem:$0x7FF] =	sst s4;
	s13 =	sadd.s32 $0x4800, s5;
	s25 =	sshll.u32 s0, $0x6  }
0xa: {  	s14 =	smul.u32 $0x500, s0;
	s15 =	sshll.u32 s0, $0xC;
	s11 =	ssub.s32 $0x2, s6  }
0xb: {  	_ =	strace $0x8000004D;
	s16 =	sshll.u32 s6, $0xB;
	s17 =	sshll.u32 s6, $0x7  }
0xc: {  	s6 =	sor.u32 $0x1C01, s25;
	s10 =	sshrl.u32 s9, $0x3;
	s12 =	sshrl.u32 s11, $0x1  }
0xd: {  	s24 =	sadd.s32 s9, s2;
	s26 =	sor.u32 s16, s15;
	s14 =	sor.u32 s17, s14  }
0xe: {  	s28 =	sadd.s32 s9, s3;
	s15 =	simm.s32 $0x4000;
	s16 =	simm.s32 $0x50  }
0xf: {  	s17 =	simm.s32 $0x8000;
	s10 =	sadd.s32 s10, s5;
	s11 =	ssub.s32 s11, s12  }
0x10: {  	s7 =	sadd.s32 s7, s26;
	s29 =	sadd.s32 $0x5000, s14;
	s8 =	sadd.s32 s8, s26  }
0x11: {  	s30 =	sshrl.u32 s14, $0x3;
	s12 =	sshrl.u32 s24, $0x3;
	s14 =	sshrl.u32 s28, $0x3  }
0x12: {  	s5 =	sadd.s32 $0x4200, s10;
	s31 =	sshrl.u32 s29, $0x3;
	s9 =	sadd.s32 s13, s30  }
0x13: {  	v0 =	vimm.f32 $1.000000000e+00;
	s11 =	smax.u32 s11, $0x1;
	s10 =	sadd.s32 s13, s31;
	s13 =	simm.s32 $0x1  }
.LBB2_1:
0x14: {  	[spmem:s12], [sflag:s6] =	dma.local [hbm:s5], $0x50  }
0x15: {  	_ =	swait.ge [sflag:s13], $0x50  }
0x16: {  	[sflag:s13] =	ssyncset.done $0x0  }
0x17: {  	[sflag:s13] =	ssyncadd.s32 $0xFFFFFFB0  }
0x18: {  	[spmem:s14], [sflag:s6] =	dma.local [hbm:s5], $0x50  }
0x19: {  	_ =	swait.ge [sflag:s13], $0x50  }
0x1a: {  	[sflag:s13] =	ssyncset.done $0x0  }
0x1b: {  	[sflag:s13] =	ssyncadd.s32 $0xFFFFFFB0  }
0x1c: {  	[tilespmem:$0x8000] =	vst v0  }
0x1d: {  	[tilespmem:$0x8010] =	vst v0  }
0x1e: {  	[tilespmem:$0x8020] =	vst v0  }
0x1f: {  	[tilespmem:$0x8030] =	vst v0  }
0x20: {  	[tilespmem:$0x8040] =	vst v0  }
0x21: {  	[tilespmem:s4], [sflag:$0x1] =	stream.linear.gather [hbm4b:s7+s4], $0x3E80, $0x38;
	[tilespmem:$0x8580] =	vst v63  }
0x22: {  	_ =	swait.ge [sflag:s13], $0x3E80  }
0x23: {  	[sflag:s13] =	ssyncset.done $0x0  }
0x24: {  	[sflag:s13] =	ssyncadd.s32 $0xFFFFC180  }
0x25: {  	[tilespmem:s15], [sflag:$0x1] =	stream.linear.gather [hbm4b:s8+s4], $0x3E80, $0x38;
	[tilespmem:$0x8580] =	vst v63  }
0x26: {  	_ =	swait.ge [sflag:s13], $0x3E80  }
0x27: {  	[sflag:s13] =	ssyncset.done $0x0  }
0x28: {  	[sflag:s13] =	ssyncadd.s32 $0xFFFFC180  }
0x29: {  	s21 =	simm.s32 $0x0;
	[bflag:$0x0] =	sbarrier.arrive $0xFFFF  }
0x2a: {  	[spmem:s2] =	stream.indirect.scatter.add.f32 [tilespmem:s17], [sflag:$0x1], $0x1, s21, s16, $0xb8;
	[tilespmem:$0x8580] =	vst v63  }
0x2b: {  	_ =	swait.ge [sflag:s13], $0x50  }
0x2c: {  	[sflag:s13] =	ssyncset.done $0x0  }
0x2d: {  	s31 =	simm.s32 $0x4000;
	[sflag:s13] =	ssyncadd.s32 $0xFFFFFFB0  }
0x2e: {  	[spmem:s3] =	stream.indirect.scatter.add.f32 [tilespmem:s17], [sflag:$0x1], $0x1, s31, s16, $0xb8;
	[tilespmem:$0x8580] =	vst v63  }
0x2f: {  	_ =	swait.ge [sflag:s13], $0x50  }
0x30: {  	s22 =	simm.s32 $0x400;
	s21 =	simm.s32 $0x200;
	[sflag:s13] =	ssyncset.done $0x0  }
.LBB2_2:
0x31: {  	s23 =	sshra.s32 s21, $0x2  }
0x32: {  	[sflag:s13] =	ssyncadd.s32 $0xFFFFFFB0;
	s21 =	smov.u32 s22;
	s24 =	sadd.s32 $0x200, s22  }
0x33: {  	[spmem:s2] =	stream.indirect.scatter.add.f32 [tilespmem:s17], [sflag:$0x1], $0x1, s23, s16, $0xb8;
	[tilespmem:$0x8580] =	vst v63  }
0x34: {  	p0 =	sne.s32 s22, $0xF800;
	_ =	swait.ge [sflag:s13], $0x50  }
.Ltmp0:
0x35: {  	[sflag:s13] =	ssyncset.done $0x0;
	(pc) =	sbr.rel @p0 .LBB2_2-.Ltmp0, $4  }
0x36: {  	s22 =	sadd.s32 $0x4000, s23;
	[sflag:s13] =	ssyncadd.s32 $0xFFFFFFB0  }
0x37: {  	[spmem:s3] =	stream.indirect.scatter.add.f32 [tilespmem:s17], [sflag:$0x1], $0x1, s22, s16, $0xb8;
	[tilespmem:$0x8580] =	vst v63  }
0x38: {  	_ =	swait.ge [sflag:s13], $0x50  }
0x39: {  	s22 =	smov.u32 s24;
	[sflag:s13] =	ssyncset.done $0x0  }
0x3a: {  	s21 =	sshra.s32 s21, $0x2;
	[sflag:s13] =	ssyncadd.s32 $0xFFFFFFB0  }
0x3b: {  	[spmem:s2] =	stream.indirect.scatter.add.f32 [tilespmem:s17], [sflag:$0x1], $0x1, s21, s16, $0xb8;
	[tilespmem:$0x8580] =	vst v63  }
0x3c: {  	_ =	swait.ge [sflag:s13], $0x50  }
0x3d: {  	[sflag:s13] =	ssyncset.done $0x0  }
0x3e: {  	s21 =	sadd.s32 $0x4000, s21;
	[sflag:s13] =	ssyncadd.s32 $0xFFFFFFB0  }
0x3f: {  	[spmem:s3] =	stream.indirect.scatter.add.f32 [tilespmem:s17], [sflag:$0x1], $0x1, s21, s16, $0xb8;
	[tilespmem:$0x8580] =	vst v63  }
0x40: {  	_ =	swait.ge [sflag:s13], $0x50  }
0x41: {  	[sflag:s13] =	ssyncset.done $0x0  }
0x42: {  	[sflag:s13] =	ssyncadd.s32 $0xFFFFFFB0  }
0x43: {  	[bflag:$0x0] =	sbarrier.arrive $0xFFFF  }
0x44: {  	[hbm:s9@s18], [sflag:s6] =	dma.strided [spmem:s12@s19], $0x50, s13, $0x10   }
0x45: {  	s20 =	sadd.s32 $0x1, s20;
	_ =	swait.ge [sflag:s13], $0x50  }
0x46: {  	p0 =	sne.s32 s20, s11;
	[sflag:s13] =	ssyncset.done $0x0  }
.Ltmp1:
0x47: {  	[sflag:s13] =	ssyncadd.s32 $0xFFFFFFB0;
	(pc) =	sbr.rel @p0 .LBB2_1-.Ltmp1, $4  }
0x48: {  	[hbm:s10@s18], [sflag:s6] =	dma.strided [spmem:s14@s19], $0x50, s13, $0x10   }
0x49: {  	_ =	swait.ge [sflag:s13], $0x50  }
0x4a: {  	[sflag:s13] =	ssyncset.done $0x0  }
0x4b: {  	[sflag:s13] =	ssyncadd.s32 $0xFFFFFFB0  }
0x4c: {  	_ =	sfence.sel $0x180000  }
0x4d: {  	[bflag:$0x0] =	sbarrier.arrive $0xFFFF  }
0x4e: {  	p0 =	sne.s32 s0, $0x0;
	_ =	strace $0x9000004D  }
0x4f: {  	s0 =	sadd.s32 @!p0 $0x100000, s1;
	[bflag:$0x2] =	sbarrier.arrive $0xFFFF  }
0x50: {  	[sflag:s0] =	ssyncadd.tile.s32 @!p0 $0x1;
	_ =	shalt  }
.Lfunc_end2:
_tile_overlayer_lowered:
.L_overlay_start_2:
0x51: {  	(tag) =	ssettag $0x2  }
0x52: {  	s0 =	rddreg [dreg:$0x0];
	s2 =	stileid.u32  }
0x53: {  	s1 =	rddreg [dreg:$0x1];
	p0 =	sne.s32 s2, $0x0  }
0x54: {  	s3 =	rddreg [dreg:$0x2];
	[bflag:$0x3] =	sbarrier.arrive $0xFFFF;
	s2 =	simm.s32 @!p0 $0x1C01  }
0x55: {  	[timem:s3], [sflag:s2] =	dma.local @!p0 [hbm:s0], s1  }
0x56: {  	s0 =	simm.s32 @!p0 $0x1  }
0x57: {  	_ =	swait.ge @!p0 [sflag:s0], s1  }
0x58: {  	s1 =	ssub.s32 @!p0 $0x0, s1;
	[sflag:s0] =	ssyncset.done @!p0 $0x0  }
0x59: {  	[sflag:s0] =	ssyncadd.s32 @!p0 s1  }
0x5a: {  	[bflag:$0x3] =	sbarrier.arrive $0xFFFF  }
0x5b: {  	_ =	shalt  }

// kernel: kernel.15.cloned.1.call-start
scs
__scs_entry_jumppad:
0x0: {  	(pc) =	sbr.rel $0x88, $3  }
0x1: {  	(tag) =	ssettag $0x0;
	lr =	simm.s32 $0x1  }
0x2: {  	[smem:$0x3F91] =	sst lr;
	_ =	strace $0xD0000000  }
0x3: {  	_ = 	snop  }
0x4: {  	_ = 	snop  }
0x5: {  	_ = 	snop  }
0x6: {  	_ = 	snop  }
0x7: {  	_ = 	snop  }
__scs_overlays_trampoline_lowered:
0x8: {  	[smem:$0x3FA0] =	sst s0  }
0x9: {  	[smem:$0x3FA1] =	sst s1  }
0xa: {  	[smem:$0x3FA2] =	sst s2  }
0xb: {  	[smem:$0x3FA3] =	sst s3  }
0xc: {  	[smem:$0x3FA4] =	sst s4  }
0xd: {  	[smem:$0x3FA5] =	sst s5  }
0xe: {  	[smem:$0x3FA6] =	sst s6  }
0xf: {  	[smem:$0x3FA7] =	sst s7  }
0x10: {  	[smem:$0x3FA8] =	sst s8  }
0x11: {  	[smem:$0x3FA9] =	sst s9;
	s0 =	simm.s32 @!p0 $0x0  }
0x12: {  	s1 =	sld [smem:$0x3F8F];
	s0 =	simm.s32 @p0 $0x1  }
0x13: {  	[smem:$0x3FAA] =	sst s0;
	s0 =	simm.s32 @!p1 $0x0  }
0x14: {  	s2 =	sld [smem:$0x3F8E];
	s0 =	simm.s32 @p1 $0x1  }
0x15: {  	[smem:$0x3FAB] =	sst s0;
	s0 =	simm.s32 @!p2 $0x0  }
0x16: {  	s3 =	sld [smem:$0x3FDB];
	s0 =	simm.s32 @p2 $0x1  }
0x17: {  	s4 =	simm.s32 $0x1BF5;
	[smem:$0x3FAD] =	sst s0  }
0x18: {  	s0 =	sld [smem:$0x3F90];
	_ =	swait.ge [sflag:s4], $0x0  }
0x19: {  	s7 =	sld [smem:$0x3F91]  }
0x1a: {  	s8 =	sadd.s32 $0xFFFFE003, lr  }
0x1b: {  	s9 =	sadd.s32 $0xFFFFFEF7, lr;
	s5 =	simm.s32 $0xFFFFFFFF;
	p2 =	slt.u32 s8, $0xFFFFF086  }
0x1c: {  	p1 =	slt.u32 s9, $0xF7A;
	s5 =	simm.s32 @!p2 $0x0  }
0x1d: {  	s5 =	simm.s32 @p1 $0x1;
	p0 =	seq.s32 s7, s2  }
0x1e: {  	s7 =	smul.u32 @!p0 $0xF7A, s2;
	p2 =	seq.s32 @!p0 s5, $0x0  }
0x1f: {  	s9 =	smul.u32 $0xF7A, s1;
	s8 =	simm.s32 @!p0 $0x1BF5;
	p2 =	por !p2, p0  }
0x20: {  	[sflag:s8] =	ssyncset.s32 @!p0 $0xFFFFF086;
	s6 =	sadd.s32 @!p0 s3, s7;
	s7 =	simm.s32 @!p0 $0x108  }
0x21: {  	s3 =	sadd.s32 s3, s9;
	s6 =	sadd.s32 @!p0 $0x88, s6;
	s7 =	simm.s32 @p2 $0x1082  }
0x22: {  	[simem:s7], [sflag:s8] =	dma.local @!p0 [hbm:s6], $0xF7A  }
0x23: {  	s9 =	sor.u32 $0xD0000000, s2;
	s6 =	simm.s32 $0x108;
	_ =	swait.ge @!p0 [sflag:s8], $0x0  }
0x24: {  	s3 =	sadd.s32 $0x88, s3;
	s6 =	simm.s32 @!p1 $0x1082;
	[sflag:s4] =	ssyncset.s32 $0xFFFFF086  }
0x25: {  	[simem:s6], [sflag:s4] =	dma.local [hbm:s3], $0xF7A  }
0x26: {  	[smem:$0x3F91] =	sst s1;
	(tag) =	ssettag s2;
	_ =	strace s9  }
0x27: {  	s1 =	sld [smem:$0x3FA1]  }
0x28: {  	s2 =	sld [smem:$0x3FA2]  }
0x29: {  	s4 =	sld [smem:$0x3FA4]  }
0x2a: {  	p0 =	seq.s32 s5, $0x0;
	s5 =	sld [smem:$0x3FA5]  }
0x2b: {  	s6 =	sld [smem:$0x3FA6]  }
0x2c: {  	s7 =	sld [smem:$0x3FA7]  }
0x2d: {  	s3 =	simm.s32 $0x108;
	s8 =	sld [smem:$0x3FA8]  }
0x2e: {  	s3 =	simm.s32 @!p0 $0x1082;
	s9 =	sld [smem:$0x3FA9]  }
0x2f: {  	lr =	sadd.s32 s0, s3;
	s0 =	sld [smem:$0x3FA0]  }
0x30: {  	s3 =	sld [smem:$0x3FA3]  }
0x31: {  	[smem:$0x3FAC] =	sst s10  }
0x32: {  	s10 =	sld [smem:$0x3FAA];
	_ =	sdelay $0x3  }
0x33: {  	p0 =	seq.s32 s10, $0x1;
	s10 =	sld [smem:$0x3FAC];
	_ =	sdelay $0x3  }
0x34: {  	[smem:$0x3FAC] =	sst s10  }
0x35: {  	s10 =	sld [smem:$0x3FAB];
	_ =	sdelay $0x3  }
0x36: {  	p1 =	seq.s32 s10, $0x1;
	s10 =	sld [smem:$0x3FAC];
	_ =	sdelay $0x3  }
0x37: {  	[smem:$0x3FAC] =	sst s10  }
0x38: {  	s10 =	sld [smem:$0x3FAD]  }
0x39: {  	_ = 	snop;
	(pc) =	sbr.ind lr, $3  }
0x3a: {  	_ = 	snop  }
0x3b: {  	_ = 	snop  }
0x3c: {  	p2 =	seq.s32 s10, $0x1;
	s10 =	sld [smem:$0x3FAC]  }
0x3d: {  	_ =	shalt  }
0x3e: {  	_ =	shalt  }
0x3f: {  	_ =	shalt  }
0x40: {  	_ =	shalt  }
0x41: {  	_ =	shalt  }
0x42: {  	_ =	shalt  }
0x43: {  	_ =	shalt  }
0x44: {  	_ =	shalt  }
0x45: {  	_ =	shalt  }
0x46: {  	_ =	shalt  }
0x47: {  	_ =	shalt  }
0x48: {  	_ =	shalt  }
0x49: {  	_ =	shalt  }
0x4a: {  	_ =	shalt  }
0x4b: {  	_ =	shalt  }
0x4c: {  	_ =	shalt  }
0x4d: {  	_ =	shalt  }
0x4e: {  	_ =	shalt  }
0x4f: {  	_ =	shalt  }
0x50: {  	_ =	shalt  }
0x51: {  	_ =	shalt  }
0x52: {  	_ =	shalt  }
0x53: {  	_ =	shalt  }
0x54: {  	_ =	shalt  }
0x55: {  	_ =	shalt  }
0x56: {  	_ =	shalt  }
0x57: {  	_ =	shalt  }
0x58: {  	_ =	shalt  }
0x59: {  	_ =	shalt  }
0x5a: {  	_ =	shalt  }
0x5b: {  	_ =	shalt  }
0x5c: {  	_ =	shalt  }
0x5d: {  	_ =	shalt  }
0x5e: {  	_ =	shalt  }
0x5f: {  	_ =	shalt  }
0x60: {  	_ =	shalt  }
0x61: {  	_ =	shalt  }
0x62: {  	_ =	shalt  }
0x63: {  	_ =	shalt  }
0x64: {  	_ =	shalt  }
0x65: {  	_ =	shalt  }
0x66: {  	_ =	shalt  }
0x67: {  	_ =	shalt  }
0x68: {  	_ =	shalt  }
0x69: {  	_ =	shalt  }
0x6a: {  	_ =	shalt  }
0x6b: {  	_ =	shalt  }
0x6c: {  	_ =	shalt  }
0x6d: {  	_ =	shalt  }
0x6e: {  	_ =	shalt  }
0x6f: {  	_ =	shalt  }
0x70: {  	_ =	shalt  }
0x71: {  	_ =	shalt  }
0x72: {  	_ =	shalt  }
0x73: {  	_ =	shalt  }
0x74: {  	_ =	shalt  }
0x75: {  	_ =	shalt  }
0x76: {  	_ =	shalt  }
0x77: {  	_ =	shalt  }
0x78: {  	_ =	shalt  }
0x79: {  	_ =	shalt  }
0x7a: {  	_ =	shalt  }
0x7b: {  	_ =	shalt  }
0x7c: {  	_ =	shalt  }
0x7d: {  	_ =	shalt  }
0x7e: {  	_ =	shalt  }
0x7f: {  	_ =	shalt  }
0x80: {  	_ =	shalt  }
0x81: {  	_ =	shalt  }
0x82: {  	_ =	shalt  }
0x83: {  	_ =	shalt  }
0x84: {  	_ =	shalt  }
0x85: {  	_ =	shalt  }
0x86: {  	_ =	shalt  }
0x87: {  	_ =	shalt  }
.Lfunc_end0:
.L_simem_size_0:
called_computation.3_lowered:
.L_overlay_start_0:
0x88: {  	s2 =	sld [smem:$0x3FD9]  }
0x89: {  	s3 =	sld [smem:$0x3FFE];
	_ =	sdelay $0x1  }
0x8a: {  	s1 =	srdreg.scid  }
0x8b: {  	s0 =	sand.u32 $0x1, s1  }
0x8c: {  	s14 =	sshll.u32 s0, $0xA;
	s2 =	sadd.s32 s3, s2  }
0x8d: {  	s2 =	sadd.s32 s2, s14  }
0x8e: {  	[smem:$0x3FB8] =	sst s2  }
0x8f: {  	_ = 	snop  }
0x90: {  	s2 =	sld [smem:$0x3FD0];
	_ =	sdelay $0x2  }
0x91: {  	s15 =	simm.s32 $0xB;
	s4 =	simm.s32 $0x10  }
0x92: {  	[smem:s4], [sflag:s15] =	dma.local [hbm:s2], $0x1  }
0x93: {  	_ =	swait.eq [sflag:s15], $0x1  }
0x94: {  	[sflag:s15] =	ssyncset.done $0x0  }
0x95: {  	s16 =	sld [smem:$0x10];
	[sflag:s15] =	ssyncadd.s32 $0xFFFFFFFF  }
0x96: {  	s17 =	sld [smem:$0x11];
	(tm) =	ssettm $0x1  }
0x97: {  	s18 =	sld [smem:$0x3FFB];
	_ =	sdelay $0x3  }
0x98: {  	_ =	strace s18  }
0x99: {  	s4 =	sld [smem:$0x3FFC];
	_ =	sdelay $0x3  }
0x9a: {  	_ =	strace s4  }
0x9b: {  	s4 =	sld [smem:$0x3FFD];
	_ =	sdelay $0x3  }
0x9c: {  	_ =	strace s4  }
0x9d: {  	_ =	strace $0x8FFFFFFF  }
0x9e: {  	s19 =	sld [smem:$0x3FDB];
	_ =	sdelay $0x1  }
0x9f: {  	s5 =	simm.s32 $_scs_section_size  }
0xa0: {  	s6 =	simm.s32 $_size__tile_overlayer_lowered;
	s7 =	simm.s32 $_tile_overlayer_lowered  }
0xa1: {  	s22 =	simm.s32 $0x1BFF;
	s21 =	sshll.u32 s7, $0x1;
	s4 =	sadd.s32 s5, s19  }
0xa2: {  	s8 =	simm.s32 $0x0;
	s20 =	sshll.u32 s6, $0x1;
	s6 =	sadd.s32 s21, s4  }
0xa3: {  	[timem:s8], [sflag:s22] =	dma.local [hbm:s6], s20  }
0xa4: {  	_ =	swait.ge [sflag:s22], s20  }
0xa5: {  	s5 =	ssub.s32 $0x0, s20;
	[sflag:s22] =	ssyncset.done $0x0  }
0xa6: {  	[sflag:s22] =	ssyncadd.s32 s5;
	_ =	sdelay $0x1  }
0xa7: {  	s23 =	simm.s32 $0x1B8B  }
0xa8: {  	_ =	swait.ge [sflag:s23], $0x1  }
0xa9: {  	[sflag:s23] =	ssyncset.done $0x0  }
0xaa: {  	s25 =	simm.s32 $0x1B8E;
	s24 =	sld [smem:$0x3FFE];
	[sflag:s23] =	ssyncadd.s32 $0xFFFFFFFF  }
0xab: {  	s26 =	simm.s32 $execute0_lowered;
	[smem:$0x3FD2] =	sst s25  }
0xac: {  	s6 =	sshll.u32 s26, $0x1;
	_ =	strace $0x8000004F;
	[dreg:$0x1] =	wrdreg $0xFFFFFFFF  }
0xad: {  	s28 =	simm.s32 $_size_execute0_lowered;
	s4 =	sadd.s32 s4, s6;
	[dreg:$0x0] =	wrdreg $0x0  }
0xae: {  	s6 =	sshll.u32 s28, $0x1;
	[dreg:$0x2] =	wrdreg s4  }
0xaf: {  	[dreg:$0x3] =	wrdreg s6  }
0xb0: {  	[dreg:$0x4] =	wrdreg $0xC0  }
0xb1: {  	_ =	task [dreg:s8], $0x5FFFF  }
0xb2: {  	[dreg:$0x1] =	wrdreg $0xFFFFFFFF  }
0xb3: {  	[dreg:$0x0] =	wrdreg $0x60  }
0xb4: {  	[dreg:$0x2] =	wrdreg s24  }
0xb5: {  	[dreg:$0x3] =	wrdreg s17  }
0xb6: {  	[dreg:$0x4] =	wrdreg s16  }
0xb7: {  	[dreg:$0x5] =	wrdreg $0xA8000  }
0xb8: {  	[dreg:$0x6] =	wrdreg $0x9  }
0xb9: {  	_ =	task.clear_ibuf [dreg:s8], $0x7FFFF;
	_ =	strace $0x9000004F  }
0xba: {  	s29 =	simm.s32 $0x9;
	_ =	strace $0x80000051  }
0xbb: {  	_ =	swait.ge [sflag:s29], $0x1  }
0xbc: {  	[sflag:s29] =	ssyncadd.s32 $0xFFFFFFFF  }
0xbd: {  	_ =	strace $0x90000051  }
0xbe: {  	_ =	sfence  }
0xbf: {  	s30 =	sld [smem:$0x0];
	_ =	sdelay $0x2  }
0xc0: {  	s31 =	sshll.u32 s1, $0xD;
	s1 =	sshrl.u32 s1, $0x2  }
0xc1: {  	s3 =	sand.u32 $0x4000, s31;
	s1 =	sadd.s32 s1, s30  }
0xc2: {  	s0 =	sor.u32 s3, s0;
	s1 =	sshll.u32 s1, $0x11  }
0xc3: {  	s0 =	sor.u32 s1, s0  }
0xc4: {  	s0 =	sadd.s32 $0x8F2B, s0  }
0xc5: {  	[sflag:s0] =	ssyncadd.remote.s32 $0x1  }
0xc6: {  	_ =	sfence.sel $0xFFFF  }
0xc7: {  	[dreg:$0x0] =	wrdreg $0xFFFFFFFF;
	(pc) =	sbr.abs _section_cstart, $3  }
0xc8: {  	[dreg:$0x1] =	wrdreg $0xFFFFFFFF  }
0xc9: {  	_ =	task.clear_ibuf [dreg:s8], $0x2FFFF;
	_ =	strace $0x9FFFFFFF  }
0xca: {  	(tm) =	ssettm $0x7FFFFFFF  }
0xcb: {  	_ =	shalt  }
tec
execute0_lowered:
.L_overlay_start_1:
0x0: {  	(tag) =	ssettag $0x1  }
0x1: {  	s5 =	rddreg [dreg:$0x0]  }
0x2: {  	s7 =	rddreg [dreg:$0x1]  }
0x3: {  	s8 =	rddreg [dreg:$0x2]  }
0x4: {  	s2 =	rddreg [dreg:$0x3]  }
0x5: {  	s0 =	rddreg [dreg:$0x4];
	s1 =	stileid.u32  }
0x6: {  	s4 =	srdreg.scid;
	s3 =	simm.s32 $0x0;
	s15 =	simm.s32 $0x8000  }
0x7: {  	s16 =	simm.s32 $0x1;
	s17 =	simm.s32 $0x0;
	s6 =	smul.u32 $0x14000, s1  }
0x8: {  	s9 =	sand.u32 $0x1, s4;
	[smem:$0x7FF] =	sst s3;
	s4 =	sadd.s32 $0x4200, s5  }
0x9: {  	s12 =	smul.u32 $0x50000, s1;
	s30 =	sshll.u32 s1, $0xC;
	s31 =	sshll.u32 s1, $0x6  }
0xa: {  	s10 =	smul.u32 $0x140000, s9;
	_ =	strace $0x80000050;
	s28 =	ssub.s32 $0x2, s9  }
0xb: {  	s9 =	sshll.u32 s9, $0xB;
	s11 =	sshrl.u32 s6, $0x3;
	s13 =	sshrl.u32 s28, $0x1  }
0xc: {  	s29 =	sshrl.u32 s12, $0x2;
	s9 =	sor.u32 s9, s30;
	s6 =	sadd.s32 s6, s10  }
0xd: {  	s11 =	sadd.s32 s11, s5;
	s10 =	ssub.s32 s28, s13;
	s12 =	sadd.s32 s29, s2  }
0xe: {  	s7 =	sadd.s32 s7, s9;
	s8 =	sadd.s32 s8, s9;
	s6 =	sshrl.u32 s6, $0x3  }
0xf: {  	s13 =	simm.s32 $0x4000;
	s10 =	smax.u32 s10, $0x1;
	s14 =	sadd.s32 s6, s5  }
0x10: {  	s5 =	sadd.s32 $0x2C200, s11;
	s6 =	sor.u32 $0x1C02, s31;
	s11 =	sshrl.u32 s12, $0x3  }
0x11: {  	s12 =	simm.s32 $0x2;
	s9 =	sadd.s32 $0x54200, s14;
	s14 =	simm.s32 $0x50  }
.LBB2_1:
0x12: {  	[spmem:s11], [sflag:s6] =	dma.local [hbm:s5], $0x2800  }
0x13: {  	_ =	swait.ge [sflag:s12], $0x2800  }
0x14: {  	[sflag:s12] =	ssyncset.done $0x0  }
0x15: {  	[sflag:s12] =	ssyncadd.s32 $0xFFFFD800  }
0x16: {  	[tilespmem:s3], [sflag:$0x2] =	stream.linear.gather [hbm4b:s7+s3], $0x3E80, $0x38;
	[tilespmem:$0x1E800] =	vst v63  }
0x17: {  	_ =	swait.ge [sflag:s12], $0x3E80  }
0x18: {  	[sflag:s12] =	ssyncset.done $0x0  }
0x19: {  	[sflag:s12] =	ssyncadd.s32 $0xFFFFC180  }
0x1a: {  	[tilespmem:s13], [sflag:$0x2] =	stream.linear.gather [hbm4b:s8+s3], $0x3E80, $0x38;
	[tilespmem:$0x1E800] =	vst v63  }
0x1b: {  	_ =	swait.ge [sflag:s12], $0x3E80  }
0x1c: {  	[sflag:s12] =	ssyncset.done $0x0  }
0x1d: {  	[sflag:s12] =	ssyncadd.s32 $0xFFFFC180  }
0x1e: {  	s18 =	simm.s32 $0x0;
	[bflag:$0x0] =	sbarrier.arrive $0xFFFF  }
0x1f: {  	[tilespmem:s15], [sflag:$0x1] =	stream.indirect.gather [hbm4b:s4+s14], $0x80, s18, s14, $0xb8;
	[tilespmem:$0x1E800] =	vst v63  }
0x20: {  	_ =	swait.ge [sflag:s16], $0x2800  }
0x21: {  	[sflag:s16] =	ssyncset.done $0x0  }
0x22: {  	s31 =	simm.s32 $0x4000;
	[sflag:s16] =	ssyncadd.s32 $0xFFFFD800  }
0x23: {  	[spmem:s2] =	stream.indirect.scatter.add.f32 [tilespmem:s15], [sflag:$0x2], $0x80, s31, s14, $0xb8;
	[tilespmem:$0x1E800] =	vst v63  }
0x24: {  	_ =	swait.ge [sflag:s12], $0x2800  }
0x25: {  	s19 =	simm.s32 $0x400;
	s18 =	simm.s32 $0x200;
	[sflag:s12] =	ssyncset.done $0x0  }
.LBB2_2:
0x26: {  	s20 =	sshra.s32 s18, $0x2  }
0x27: {  	[sflag:s12] =	ssyncadd.s32 $0xFFFFD800;
	s18 =	smov.u32 s19;
	s21 =	sadd.s32 $0x200, s19  }
0x28: {  	[tilespmem:s15], [sflag:$0x1] =	stream.indirect.gather [hbm4b:s4+s14], $0x80, s20, s14, $0xb8;
	[tilespmem:$0x1E800] =	vst v63  }
0x29: {  	p0 =	sne.s32 s19, $0xF800;
	_ =	swait.ge [sflag:s16], $0x2800  }
.Ltmp0:
0x2a: {  	[sflag:s16] =	ssyncset.done $0x0;
	(pc) =	sbr.rel @p0 .LBB2_2-.Ltmp0, $4  }
0x2b: {  	s19 =	sadd.s32 $0x4000, s20;
	[sflag:s16] =	ssyncadd.s32 $0xFFFFD800  }
0x2c: {  	[spmem:s2] =	stream.indirect.scatter.add.f32 [tilespmem:s15], [sflag:$0x2], $0x80, s19, s14, $0xb8;
	[tilespmem:$0x1E800] =	vst v63  }
0x2d: {  	_ =	swait.ge [sflag:s12], $0x2800  }
0x2e: {  	s19 =	smov.u32 s21;
	[sflag:s12] =	ssyncset.done $0x0  }
0x2f: {  	s18 =	sshra.s32 s18, $0x2;
	[sflag:s12] =	ssyncadd.s32 $0xFFFFD800  }
0x30: {  	[tilespmem:s15], [sflag:$0x1] =	stream.indirect.gather [hbm4b:s4+s14], $0x80, s18, s14, $0xb8;
	[tilespmem:$0x1E800] =	vst v63  }
0x31: {  	_ =	swait.ge [sflag:s16], $0x2800  }
0x32: {  	[sflag:s16] =	ssyncset.done $0x0  }
0x33: {  	s18 =	sadd.s32 $0x4000, s18;
	[sflag:s16] =	ssyncadd.s32 $0xFFFFD800  }
0x34: {  	[spmem:s2] =	stream.indirect.scatter.add.f32 [tilespmem:s15], [sflag:$0x2], $0x80, s18, s14, $0xb8;
	[tilespmem:$0x1E800] =	vst v63  }
0x35: {  	_ =	swait.ge [sflag:s12], $0x2800  }
0x36: {  	s17 =	sadd.s32 $0x1, s17;
	[sflag:s12] =	ssyncset.done $0x0  }
0x37: {  	p0 =	sne.s32 s17, s10;
	[sflag:s12] =	ssyncadd.s32 $0xFFFFD800  }
.Ltmp1:
0x38: {  	[bflag:$0x0] =	sbarrier.arrive $0xFFFF;
	(pc) =	sbr.rel @p0 .LBB2_1-.Ltmp1, $4  }
0x39: {  	[hbm:s9], [sflag:s6] =	dma.local [spmem:s11], $0x2800  }
0x3a: {  	_ =	swait.ge [sflag:s12], $0x2800  }
0x3b: {  	[sflag:s12] =	ssyncset.done $0x0  }
0x3c: {  	[sflag:s12] =	ssyncadd.s32 $0xFFFFD800  }
0x3d: {  	_ =	sfence.sel $0x180000  }
0x3e: {  	[bflag:$0x0] =	sbarrier.arrive $0xFFFF  }
0x3f: {  	p0 =	sne.s32 s1, $0x0;
	_ =	strace $0x90000050  }
0x40: {  	s0 =	sadd.s32 @!p0 $0x100000, s0;
	[bflag:$0x2] =	sbarrier.arrive $0xFFFF  }
0x41: {  	[sflag:s0] =	ssyncadd.tile.s32 @!p0 $0x1;
	_ =	shalt  }
.Lfunc_end2:
_tile_overlayer_lowered:
.L_overlay_start_2:
0x42: {  	(tag) =	ssettag $0x2  }
0x43: {  	s0 =	rddreg [dreg:$0x0];
	s2 =	stileid.u32  }
0x44: {  	s1 =	rddreg [dreg:$0x1];
	p0 =	sne.s32 s2, $0x0  }
0x45: {  	s3 =	rddreg [dreg:$0x2];
	[bflag:$0x3] =	sbarrier.arrive $0xFFFF;
	s2 =	simm.s32 @!p0 $0x1C02  }
0x46: {  	[timem:s3], [sflag:s2] =	dma.local @!p0 [hbm:s0], s1  }
0x47: {  	s0 =	simm.s32 @!p0 $0x2  }
0x48: {  	_ =	swait.ge @!p0 [sflag:s0], s1  }
0x49: {  	s1 =	ssub.s32 @!p0 $0x0, s1;
	[sflag:s0] =	ssyncset.done @!p0 $0x0  }
0x4a: {  	[sflag:s0] =	ssyncadd.s32 @!p0 s1  }
0x4b: {  	[bflag:$0x3] =	sbarrier.arrive $0xFFFF  }
0x4c: {  	_ =	shalt  }

// kernel: kernel.18.cloned.1.call-start
scs
__scs_entry_jumppad:
0x0: {  	(pc) =	sbr.rel $0x88, $3  }
0x1: {  	(tag) =	ssettag $0x0;
	lr =	simm.s32 $0x1  }
0x2: {  	[smem:$0x3F91] =	sst lr;
	_ =	strace $0xD0000000  }
0x3: {  	_ = 	snop  }
0x4: {  	_ = 	snop  }
0x5: {  	_ = 	snop  }
0x6: {  	_ = 	snop  }
0x7: {  	_ = 	snop  }
__scs_overlays_trampoline_lowered:
0x8: {  	[smem:$0x3FA0] =	sst s0  }
0x9: {  	[smem:$0x3FA1] =	sst s1  }
0xa: {  	[smem:$0x3FA2] =	sst s2  }
0xb: {  	[smem:$0x3FA3] =	sst s3  }
0xc: {  	[smem:$0x3FA4] =	sst s4  }
0xd: {  	[smem:$0x3FA5] =	sst s5  }
0xe: {  	[smem:$0x3FA6] =	sst s6  }
0xf: {  	[smem:$0x3FA7] =	sst s7  }
0x10: {  	[smem:$0x3FA8] =	sst s8  }
0x11: {  	[smem:$0x3FA9] =	sst s9;
	s0 =	simm.s32 @!p0 $0x0  }
0x12: {  	s1 =	sld [smem:$0x3F8F];
	s0 =	simm.s32 @p0 $0x1  }
0x13: {  	[smem:$0x3FAA] =	sst s0;
	s0 =	simm.s32 @!p1 $0x0  }
0x14: {  	s2 =	sld [smem:$0x3F8E];
	s0 =	simm.s32 @p1 $0x1  }
0x15: {  	[smem:$0x3FAB] =	sst s0;
	s0 =	simm.s32 @!p2 $0x0  }
0x16: {  	s3 =	sld [smem:$0x3FDB];
	s0 =	simm.s32 @p2 $0x1  }
0x17: {  	s4 =	simm.s32 $0x1BF5;
	[smem:$0x3FAD] =	sst s0  }
0x18: {  	s0 =	sld [smem:$0x3F90];
	_ =	swait.ge [sflag:s4], $0x0  }
0x19: {  	s7 =	sld [smem:$0x3F91]  }
0x1a: {  	s8 =	sadd.s32 $0xFFFFE003, lr  }
0x1b: {  	s9 =	sadd.s32 $0xFFFFFEF7, lr;
	s5 =	simm.s32 $0xFFFFFFFF;
	p2 =	slt.u32 s8, $0xFFFFF086  }
0x1c: {  	p1 =	slt.u32 s9, $0xF7A;
	s5 =	simm.s32 @!p2 $0x0  }
0x1d: {  	s5 =	simm.s32 @p1 $0x1;
	p0 =	seq.s32 s7, s2  }
0x1e: {  	s7 =	smul.u32 @!p0 $0xF7A, s2;
	p2 =	seq.s32 @!p0 s5, $0x0  }
0x1f: {  	s9 =	smul.u32 $0xF7A, s1;
	s8 =	simm.s32 @!p0 $0x1BF5;
	p2 =	por !p2, p0  }
0x20: {  	[sflag:s8] =	ssyncset.s32 @!p0 $0xFFFFF086;
	s6 =	sadd.s32 @!p0 s3, s7;
	s7 =	simm.s32 @!p0 $0x108  }
0x21: {  	s3 =	sadd.s32 s3, s9;
	s6 =	sadd.s32 @!p0 $0x88, s6;
	s7 =	simm.s32 @p2 $0x1082  }
0x22: {  	[simem:s7], [sflag:s8] =	dma.local @!p0 [hbm:s6], $0xF7A  }
0x23: {  	s9 =	sor.u32 $0xD0000000, s2;
	s6 =	simm.s32 $0x108;
	_ =	swait.ge @!p0 [sflag:s8], $0x0  }
0x24: {  	s3 =	sadd.s32 $0x88, s3;
	s6 =	simm.s32 @!p1 $0x1082;
	[sflag:s4] =	ssyncset.s32 $0xFFFFF086  }
0x25: {  	[simem:s6], [sflag:s4] =	dma.local [hbm:s3], $0xF7A  }
0x26: {  	[smem:$0x3F91] =	sst s1;
	(tag) =	ssettag s2;
	_ =	strace s9  }
0x27: {  	s1 =	sld [smem:$0x3FA1]  }
0x28: {  	s2 =	sld [smem:$0x3FA2]  }
0x29: {  	s4 =	sld [smem:$0x3FA4]  }
0x2a: {  	p0 =	seq.s32 s5, $0x0;
	s5 =	sld [smem:$0x3FA5]  }
0x2b: {  	s6 =	sld [smem:$0x3FA6]  }
0x2c: {  	s7 =	sld [smem:$0x3FA7]  }
0x2d: {  	s3 =	simm.s32 $0x108;
	s8 =	sld [smem:$0x3FA8]  }
0x2e: {  	s3 =	simm.s32 @!p0 $0x1082;
	s9 =	sld [smem:$0x3FA9]  }
0x2f: {  	lr =	sadd.s32 s0, s3;
	s0 =	sld [smem:$0x3FA0]  }
0x30: {  	s3 =	sld [smem:$0x3FA3]  }
0x31: {  	[smem:$0x3FAC] =	sst s10  }
0x32: {  	s10 =	sld [smem:$0x3FAA];
	_ =	sdelay $0x3  }
0x33: {  	p0 =	seq.s32 s10, $0x1;
	s10 =	sld [smem:$0x3FAC];
	_ =	sdelay $0x3  }
0x34: {  	[smem:$0x3FAC] =	sst s10  }
0x35: {  	s10 =	sld [smem:$0x3FAB];
	_ =	sdelay $0x3  }
0x36: {  	p1 =	seq.s32 s10, $0x1;
	s10 =	sld [smem:$0x3FAC];
	_ =	sdelay $0x3  }
0x37: {  	[smem:$0x3FAC] =	sst s10  }
0x38: {  	s10 =	sld [smem:$0x3FAD]  }
0x39: {  	_ = 	snop;
	(pc) =	sbr.ind lr, $3  }
0x3a: {  	_ = 	snop  }
0x3b: {  	_ = 	snop  }
0x3c: {  	p2 =	seq.s32 s10, $0x1;
	s10 =	sld [smem:$0x3FAC]  }
0x3d: {  	_ =	shalt  }
0x3e: {  	_ =	shalt  }
0x3f: {  	_ =	shalt  }
0x40: {  	_ =	shalt  }
0x41: {  	_ =	shalt  }
0x42: {  	_ =	shalt  }
0x43: {  	_ =	shalt  }
0x44: {  	_ =	shalt  }
0x45: {  	_ =	shalt  }
0x46: {  	_ =	shalt  }
0x47: {  	_ =	shalt  }
0x48: {  	_ =	shalt  }
0x49: {  	_ =	shalt  }
0x4a: {  	_ =	shalt  }
0x4b: {  	_ =	shalt  }
0x4c: {  	_ =	shalt  }
0x4d: {  	_ =	shalt  }
0x4e: {  	_ =	shalt  }
0x4f: {  	_ =	shalt  }
0x50: {  	_ =	shalt  }
0x51: {  	_ =	shalt  }
0x52: {  	_ =	shalt  }
0x53: {  	_ =	shalt  }
0x54: {  	_ =	shalt  }
0x55: {  	_ =	shalt  }
0x56: {  	_ =	shalt  }
0x57: {  	_ =	shalt  }
0x58: {  	_ =	shalt  }
0x59: {  	_ =	shalt  }
0x5a: {  	_ =	shalt  }
0x5b: {  	_ =	shalt  }
0x5c: {  	_ =	shalt  }
0x5d: {  	_ =	shalt  }
0x5e: {  	_ =	shalt  }
0x5f: {  	_ =	shalt  }
0x60: {  	_ =	shalt  }
0x61: {  	_ =	shalt  }
0x62: {  	_ =	shalt  }
0x63: {  	_ =	shalt  }
0x64: {  	_ =	shalt  }
0x65: {  	_ =	shalt  }
0x66: {  	_ =	shalt  }
0x67: {  	_ =	shalt  }
0x68: {  	_ =	shalt  }
0x69: {  	_ =	shalt  }
0x6a: {  	_ =	shalt  }
0x6b: {  	_ =	shalt  }
0x6c: {  	_ =	shalt  }
0x6d: {  	_ =	shalt  }
0x6e: {  	_ =	shalt  }
0x6f: {  	_ =	shalt  }
0x70: {  	_ =	shalt  }
0x71: {  	_ =	shalt  }
0x72: {  	_ =	shalt  }
0x73: {  	_ =	shalt  }
0x74: {  	_ =	shalt  }
0x75: {  	_ =	shalt  }
0x76: {  	_ =	shalt  }
0x77: {  	_ =	shalt  }
0x78: {  	_ =	shalt  }
0x79: {  	_ =	shalt  }
0x7a: {  	_ =	shalt  }
0x7b: {  	_ =	shalt  }
0x7c: {  	_ =	shalt  }
0x7d: {  	_ =	shalt  }
0x7e: {  	_ =	shalt  }
0x7f: {  	_ =	shalt  }
0x80: {  	_ =	shalt  }
0x81: {  	_ =	shalt  }
0x82: {  	_ =	shalt  }
0x83: {  	_ =	shalt  }
0x84: {  	_ =	shalt  }
0x85: {  	_ =	shalt  }
0x86: {  	_ =	shalt  }
0x87: {  	_ =	shalt  }
.Lfunc_end0:
.L_simem_size_0:
called_computation.4_lowered:
.L_overlay_start_0:
0x88: {  	s2 =	sld [smem:$0x3FD9]  }
0x89: {  	s3 =	sld [smem:$0x3FFE];
	_ =	sdelay $0x1  }
0x8a: {  	s1 =	srdreg.scid  }
0x8b: {  	s0 =	sand.u32 $0x1, s1  }
0x8c: {  	s15 =	sshll.u32 s0, $0xA;
	s2 =	sadd.s32 s3, s2  }
0x8d: {  	s2 =	sadd.s32 s2, s15  }
0x8e: {  	[smem:$0x3FB8] =	sst s2  }
0x8f: {  	_ = 	snop  }
0x90: {  	s2 =	sld [smem:$0x3FD0];
	_ =	sdelay $0x2  }
0x91: {  	s4 =	simm.s32 $0xB;
	s16 =	simm.s32 $0x10  }
0x92: {  	[smem:s16], [sflag:s4] =	dma.local [hbm:s2], $0x1  }
0x93: {  	_ =	swait.eq [sflag:s4], $0x1  }
0x94: {  	[sflag:s4] =	ssyncset.done $0x0  }
0x95: {  	s17 =	sld [smem:$0x10];
	[sflag:s4] =	ssyncadd.s32 $0xFFFFFFFF  }
0x96: {  	s18 =	sld [smem:$0x11];
	(tm) =	ssettm $0x1  }
0x97: {  	s19 =	sld [smem:$0x3FFB];
	_ =	sdelay $0x3  }
0x98: {  	_ =	strace s19  }
0x99: {  	s2 =	sld [smem:$0x3FFC];
	_ =	sdelay $0x3  }
0x9a: {  	_ =	strace s2  }
0x9b: {  	s2 =	sld [smem:$0x3FFD];
	_ =	sdelay $0x3  }
0x9c: {  	_ =	strace s2  }
0x9d: {  	_ =	strace $0x8FFFFFFF  }
0x9e: {  	s20 =	sld [smem:$0x3FDB];
	_ =	sdelay $0x1  }
0x9f: {  	s5 =	simm.s32 $_scs_section_size  }
0xa0: {  	s6 =	simm.s32 $_size__tile_overlayer_lowered;
	s7 =	simm.s32 $_tile_overlayer_lowered  }
0xa1: {  	s8 =	simm.s32 $0x1BFF;
	s21 =	sshll.u32 s7, $0x1;
	s5 =	sadd.s32 s5, s20  }
0xa2: {  	s22 =	simm.s32 $0x0;
	s6 =	sshll.u32 s6, $0x1;
	s7 =	sadd.s32 s21, s5  }
0xa3: {  	[timem:s22], [sflag:s8] =	dma.local [hbm:s7], s6  }
0xa4: {  	_ =	swait.ge [sflag:s8], s6  }
0xa5: {  	s6 =	ssub.s32 $0x0, s6;
	[sflag:s8] =	ssyncset.done $0x0  }
0xa6: {  	[sflag:s8] =	ssyncadd.s32 s6;
	_ =	sdelay $0x1  }
0xa7: {  	s23 =	simm.s32 $0x1B8B  }
0xa8: {  	_ =	swait.ge [sflag:s23], $0x1  }
0xa9: {  	[sflag:s23] =	ssyncset.done $0x0  }
0xaa: {  	[sflag:s23] =	ssyncadd.s32 $0xFFFFFFFF  }
0xab: {  	s6 =	sld [smem:$0x0]  }
0xac: {  	s7 =	sand.u32 $0xFFFFFFFE, s1  }
0xad: {  	p0 =	sne.s32 s1, s7  }
0xae: {  	s7 =	sshll.u32 @p0 s7, $0xE  }
0xaf: {  	s7 =	sadd.s32 @p0 $0x11B8D, s7;
	s8 =	sshll.u32 @p0 s6, $0x11  }
0xb0: {  	s7 =	sor.u32 @p0 s8, s7  }
0xb1: {  	[sflag:s7] =	ssyncadd.remote.s32 @p0 $0x1;
	_ =	sdelay $0x1  }
0xb2: {  	s7 =	simm.s32 @p0 $0x1B8D  }
0xb3: {  	_ =	swait.eq @p0 [sflag:s7], $0x1  }
0xb4: {  	[sflag:s7] =	ssyncadd.s32 @p0 $0xFFFFFFFF  }
0xb5: {  	s8 =	sshll.u32 @!p0 s1, $0xE  }
0xb6: {  	s8 =	sor.u32 @!p0 $0x4000, s8;
	s7 =	simm.s32 @!p0 $0x1B8D  }
0xb7: {  	s6 =	sshll.u32 @!p0 s6, $0x11;
	s8 =	sadd.s32 @!p0 $0x11B8D, s8;
	_ =	swait.eq @!p0 [sflag:s7], $0x1  }
0xb8: {  	s6 =	sor.u32 @!p0 s6, s8;
	[sflag:s7] =	ssyncadd.s32 @!p0 $0xFFFFFFFF  }
0xb9: {  	s25 =	simm.s32 $0x1B8E;
	s24 =	sld [smem:$0x3FFE];
	[sflag:s6] =	ssyncadd.remote.s32 @!p0 $0x1  }
0xba: {  	s26 =	simm.s32 $execute0_lowered;
	[smem:$0x3FD2] =	sst s25  }
0xbb: {  	s7 =	sshll.u32 s26, $0x1;
	_ =	strace $0x80000055;
	[dreg:$0x1] =	wrdreg $0xFFFFFFFF  }
0xbc: {  	s28 =	simm.s32 $_size_execute0_lowered;
	s5 =	sadd.s32 s5, s7;
	[dreg:$0x0] =	wrdreg $0x0  }
0xbd: {  	s7 =	sshll.u32 s28, $0x1;
	[dreg:$0x2] =	wrdreg s5  }
0xbe: {  	[dreg:$0x3] =	wrdreg s7  }
0xbf: {  	[dreg:$0x4] =	wrdreg $0xC0  }
0xc0: {  	_ =	task [dreg:s22], $0x5FFFF  }
0xc1: {  	[dreg:$0x1] =	wrdreg $0xFFFFFFFF  }
0xc2: {  	[dreg:$0x0] =	wrdreg $0x60  }
0xc3: {  	[dreg:$0x2] =	wrdreg s24  }
0xc4: {  	[dreg:$0x3] =	wrdreg s18  }
0xc5: {  	[dreg:$0x4] =	wrdreg s17  }
0xc6: {  	[dreg:$0x5] =	wrdreg $0xA8000  }
0xc7: {  	[dreg:$0x6] =	wrdreg $0x9  }
0xc8: {  	_ =	task.clear_ibuf [dreg:s22], $0x7FFFF;
	_ =	strace $0x90000055  }
0xc9: {  	s29 =	simm.s32 $0x9;
	_ =	strace $0x80000057  }
0xca: {  	_ =	swait.ge [sflag:s29], $0x1  }
0xcb: {  	[sflag:s29] =	ssyncadd.s32 $0xFFFFFFFF  }
0xcc: {  	_ =	strace $0x90000057  }
0xcd: {  	_ =	sfence  }
0xce: {  	s30 =	sld [smem:$0x0];
	_ =	sdelay $0x2  }
0xcf: {  	s31 =	sshll.u32 s1, $0xD;
	s1 =	sshrl.u32 s1, $0x2  }
0xd0: {  	s4 =	sand.u32 $0x4000, s31;
	s1 =	sadd.s32 s1, s30  }
0xd1: {  	s0 =	sor.u32 s4, s0;
	s1 =	sshll.u32 s1, $0x11  }
0xd2: {  	s0 =	sor.u32 s1, s0  }
0xd3: {  	s0 =	sadd.s32 $0x8F2B, s0  }
0xd4: {  	[sflag:s0] =	ssyncadd.remote.s32 $0x1  }
0xd5: {  	_ =	sfence.sel $0xFFFF  }
0xd6: {  	[dreg:$0x0] =	wrdreg $0xFFFFFFFF;
	(pc) =	sbr.abs _section_cstart, $3  }
0xd7: {  	[dreg:$0x1] =	wrdreg $0xFFFFFFFF  }
0xd8: {  	_ =	task.clear_ibuf [dreg:s22], $0x2FFFF;
	_ =	strace $0x9FFFFFFF  }
0xd9: {  	(tm) =	ssettm $0x7FFFFFFF  }
tec
execute0_lowered:
.L_overlay_start_1:
0x0: {  	(tag) =	ssettag $0x1  }
0x1: {  	s5 =	rddreg [dreg:$0x0]  }
0x2: {  	s7 =	rddreg [dreg:$0x1]  }
0x3: {  	s8 =	rddreg [dreg:$0x2]  }
0x4: {  	s2 =	rddreg [dreg:$0x3]  }
0x5: {  	s0 =	rddreg [dreg:$0x4];
	s1 =	stileid.u32  }
0x6: {  	s4 =	srdreg.scid;
	s3 =	simm.s32 $0x0;
	s15 =	simm.s32 $0x8000  }
0x7: {  	s16 =	simm.s32 $0x1;
	s17 =	simm.s32 $0x0;
	s6 =	smul.u32 $0x14000, s1  }
0x8: {  	s9 =	sand.u32 $0x1, s4;
	[smem:$0x7FF] =	sst s3;
	s4 =	sadd.s32 $0x54200, s5  }
0x9: {  	s12 =	smul.u32 $0x50000, s1;
	s30 =	sshll.u32 s1, $0xC;
	s31 =	sshll.u32 s1, $0x6  }
0xa: {  	s10 =	smul.u32 $0x140000, s9;
	_ =	strace $0x80000056;
	s28 =	ssub.s32 $0x2, s9  }
0xb: {  	s9 =	sshll.u32 s9, $0xB;
	s11 =	sshrl.u32 s6, $0x3;
	s13 =	sshrl.u32 s28, $0x1  }
0xc: {  	s29 =	sshrl.u32 s12, $0x2;
	s9 =	sor.u32 s9, s30;
	s6 =	sadd.s32 s6, s10  }
0xd: {  	s11 =	sadd.s32 s11, s5;
	s10 =	ssub.s32 s28, s13;
	s12 =	sadd.s32 s29, s2  }
0xe: {  	s7 =	sadd.s32 s7, s9;
	s8 =	sadd.s32 s8, s9;
	s6 =	sshrl.u32 s6, $0x3  }
0xf: {  	s13 =	simm.s32 $0x4000;
	s10 =	smax.u32 s10, $0x1;
	s14 =	sadd.s32 s6, s5  }
0x10: {  	s5 =	sadd.s32 $0x2C200, s11;
	s6 =	sor.u32 $0x1C02, s31;
	s11 =	sshrl.u32 s12, $0x3  }
0x11: {  	s12 =	simm.s32 $0x2;
	s9 =	sadd.s32 $0xCC200, s14;
	s14 =	simm.s32 $0x50  }
.LBB2_1:
0x12: {  	[spmem:s11], [sflag:s6] =	dma.local [hbm:s5], $0x2800  }
0x13: {  	_ =	swait.ge [sflag:s12], $0x2800  }
0x14: {  	[sflag:s12] =	ssyncset.done $0x0  }
0x15: {  	[sflag:s12] =	ssyncadd.s32 $0xFFFFD800  }
0x16: {  	[tilespmem:s3], [sflag:$0x2] =	stream.linear.gather [hbm4b:s7+s3], $0x3E80, $0x38;
	[tilespmem:$0x1E800] =	vst v63  }
0x17: {  	_ =	swait.ge [sflag:s12], $0x3E80  }
0x18: {  	[sflag:s12] =	ssyncset.done $0x0  }
0x19: {  	[sflag:s12] =	ssyncadd.s32 $0xFFFFC180  }
0x1a: {  	[tilespmem:s13], [sflag:$0x2] =	stream.linear.gather [hbm4b:s8+s3], $0x3E80, $0x38;
	[tilespmem:$0x1E800] =	vst v63  }
0x1b: {  	_ =	swait.ge [sflag:s12], $0x3E80  }
0x1c: {  	[sflag:s12] =	ssyncset.done $0x0  }
0x1d: {  	[sflag:s12] =	ssyncadd.s32 $0xFFFFC180  }
0x1e: {  	s18 =	simm.s32 $0x0;
	[bflag:$0x0] =	sbarrier.arrive $0xFFFF  }
0x1f: {  	[tilespmem:s15], [sflag:$0x1] =	stream.indirect.gather [hbm4b:s4+s14], $0x80, s18, s14, $0xb8;
	[tilespmem:$0x1E800] =	vst v63  }
0x20: {  	_ =	swait.ge [sflag:s16], $0x2800  }
0x21: {  	[sflag:s16] =	ssyncset.done $0x0  }
0x22: {  	s31 =	simm.s32 $0x4000;
	[sflag:s16] =	ssyncadd.s32 $0xFFFFD800  }
0x23: {  	[spmem:s2] =	stream.indirect.scatter.add.f32 [tilespmem:s15], [sflag:$0x2], $0x80, s31, s14, $0xb8;
	[tilespmem:$0x1E800] =	vst v63  }
0x24: {  	_ =	swait.ge [sflag:s12], $0x2800  }
0x25: {  	s19 =	simm.s32 $0x400;
	s18 =	simm.s32 $0x200;
	[sflag:s12] =	ssyncset.done $0x0  }
.LBB2_2:
0x26: {  	s20 =	sshra.s32 s18, $0x2  }
0x27: {  	[sflag:s12] =	ssyncadd.s32 $0xFFFFD800;
	s18 =	smov.u32 s19;
	s21 =	sadd.s32 $0x200, s19  }
0x28: {  	[tilespmem:s15], [sflag:$0x1] =	stream.indirect.gather [hbm4b:s4+s14], $0x80, s20, s14, $0xb8;
	[tilespmem:$0x1E800] =	vst v63  }
0x29: {  	p0 =	sne.s32 s19, $0xF800;
	_ =	swait.ge [sflag:s16], $0x2800  }
.Ltmp0:
0x2a: {  	[sflag:s16] =	ssyncset.done $0x0;
	(pc) =	sbr.rel @p0 .LBB2_2-.Ltmp0, $4  }
0x2b: {  	s19 =	sadd.s32 $0x4000, s20;
	[sflag:s16] =	ssyncadd.s32 $0xFFFFD800  }
0x2c: {  	[spmem:s2] =	stream.indirect.scatter.add.f32 [tilespmem:s15], [sflag:$0x2], $0x80, s19, s14, $0xb8;
	[tilespmem:$0x1E800] =	vst v63  }
0x2d: {  	_ =	swait.ge [sflag:s12], $0x2800  }
0x2e: {  	s19 =	smov.u32 s21;
	[sflag:s12] =	ssyncset.done $0x0  }
0x2f: {  	s18 =	sshra.s32 s18, $0x2;
	[sflag:s12] =	ssyncadd.s32 $0xFFFFD800  }
0x30: {  	[tilespmem:s15], [sflag:$0x1] =	stream.indirect.gather [hbm4b:s4+s14], $0x80, s18, s14, $0xb8;
	[tilespmem:$0x1E800] =	vst v63  }
0x31: {  	_ =	swait.ge [sflag:s16], $0x2800  }
0x32: {  	[sflag:s16] =	ssyncset.done $0x0  }
0x33: {  	s18 =	sadd.s32 $0x4000, s18;
	[sflag:s16] =	ssyncadd.s32 $0xFFFFD800  }
0x34: {  	[spmem:s2] =	stream.indirect.scatter.add.f32 [tilespmem:s15], [sflag:$0x2], $0x80, s18, s14, $0xb8;
	[tilespmem:$0x1E800] =	vst v63  }
0x35: {  	_ =	swait.ge [sflag:s12], $0x2800  }
0x36: {  	s17 =	sadd.s32 $0x1, s17;
	[sflag:s12] =	ssyncset.done $0x0  }
0x37: {  	p0 =	sne.s32 s17, s10;
	[sflag:s12] =	ssyncadd.s32 $0xFFFFD800  }
.Ltmp1:
0x38: {  	[bflag:$0x0] =	sbarrier.arrive $0xFFFF;
	(pc) =	sbr.rel @p0 .LBB2_1-.Ltmp1, $4  }
0x39: {  	[hbm:s9], [sflag:s6] =	dma.local [spmem:s11], $0x2800  }
0x3a: {  	_ =	swait.ge [sflag:s12], $0x2800  }
0x3b: {  	[sflag:s12] =	ssyncset.done $0x0  }
0x3c: {  	[sflag:s12] =	ssyncadd.s32 $0xFFFFD800  }
0x3d: {  	_ =	sfence.sel $0x180000  }
0x3e: {  	[bflag:$0x0] =	sbarrier.arrive $0xFFFF  }
0x3f: {  	p0 =	sne.s32 s1, $0x0;
	_ =	strace $0x90000056  }
0x40: {  	s0 =	sadd.s32 @!p0 $0x100000, s0;
	[bflag:$0x2] =	sbarrier.arrive $0xFFFF  }
0x41: {  	[sflag:s0] =	ssyncadd.tile.s32 @!p0 $0x1;
	_ =	shalt  }
.Lfunc_end2:
_tile_overlayer_lowered:
.L_overlay_start_2:
0x42: {  	(tag) =	ssettag $0x2  }
0x43: {  	s0 =	rddreg [dreg:$0x0];
	s2 =	stileid.u32  }
0x44: {  	s1 =	rddreg [dreg:$0x1];
	p0 =	sne.s32 s2, $0x0  }
0x45: {  	s3 =	rddreg [dreg:$0x2];
	[bflag:$0x3] =	sbarrier.arrive $0xFFFF;
	s2 =	simm.s32 @!p0 $0x1C02  }
0x46: {  	[timem:s3], [sflag:s2] =	dma.local @!p0 [hbm:s0], s1  }
0x47: {  	s0 =	simm.s32 @!p0 $0x2  }
0x48: {  	_ =	swait.ge @!p0 [sflag:s0], s1  }
0x49: {  	s1 =	ssub.s32 @!p0 $0x0, s1;
	[sflag:s0] =	ssyncset.done @!p0 $0x0  }
0x4a: {  	[sflag:s0] =	ssyncadd.s32 @!p0 s1  }
0x4b: {  	[bflag:$0x3] =	sbarrier.arrive $0xFFFF  }
0x4c: {  	_ =	shalt  }

// kernel: kernel.21.cloned.1.call-start
scs
__scs_entry_jumppad:
0x0: {  	(pc) =	sbr.rel $0x88, $3  }
0x1: {  	(tag) =	ssettag $0x0;
	lr =	simm.s32 $0x1  }
0x2: {  	[smem:$0x3F91] =	sst lr;
	_ =	strace $0xD0000000  }
0x3: {  	_ = 	snop  }
0x4: {  	_ = 	snop  }
0x5: {  	_ = 	snop  }
0x6: {  	_ = 	snop  }
0x7: {  	_ = 	snop  }
__scs_overlays_trampoline_lowered:
0x8: {  	[smem:$0x3FA0] =	sst s0  }
0x9: {  	[smem:$0x3FA1] =	sst s1  }
0xa: {  	[smem:$0x3FA2] =	sst s2  }
0xb: {  	[smem:$0x3FA3] =	sst s3  }
0xc: {  	[smem:$0x3FA4] =	sst s4  }
0xd: {  	[smem:$0x3FA5] =	sst s5  }
0xe: {  	[smem:$0x3FA6] =	sst s6  }
0xf: {  	[smem:$0x3FA7] =	sst s7  }
0x10: {  	[smem:$0x3FA8] =	sst s8  }
0x11: {  	[smem:$0x3FA9] =	sst s9;
	s0 =	simm.s32 @!p0 $0x0  }
0x12: {  	s1 =	sld [smem:$0x3F8F];
	s0 =	simm.s32 @p0 $0x1  }
0x13: {  	[smem:$0x3FAA] =	sst s0;
	s0 =	simm.s32 @!p1 $0x0  }
0x14: {  	s2 =	sld [smem:$0x3F8E];
	s0 =	simm.s32 @p1 $0x1  }
0x15: {  	[smem:$0x3FAB] =	sst s0;
	s0 =	simm.s32 @!p2 $0x0  }
0x16: {  	s3 =	sld [smem:$0x3FDB];
	s0 =	simm.s32 @p2 $0x1  }
0x17: {  	s4 =	simm.s32 $0x1BF5;
	[smem:$0x3FAD] =	sst s0  }
0x18: {  	s0 =	sld [smem:$0x3F90];
	_ =	swait.ge [sflag:s4], $0x0  }
0x19: {  	s7 =	sld [smem:$0x3F91]  }
0x1a: {  	s8 =	sadd.s32 $0xFFFFE003, lr  }
0x1b: {  	s9 =	sadd.s32 $0xFFFFFEF7, lr;
	s5 =	simm.s32 $0xFFFFFFFF;
	p2 =	slt.u32 s8, $0xFFFFF086  }
0x1c: {  	p1 =	slt.u32 s9, $0xF7A;
	s5 =	simm.s32 @!p2 $0x0  }
0x1d: {  	s5 =	simm.s32 @p1 $0x1;
	p0 =	seq.s32 s7, s2  }
0x1e: {  	s7 =	smul.u32 @!p0 $0xF7A, s2;
	p2 =	seq.s32 @!p0 s5, $0x0  }
0x1f: {  	s9 =	smul.u32 $0xF7A, s1;
	s8 =	simm.s32 @!p0 $0x1BF5;
	p2 =	por !p2, p0  }
0x20: {  	[sflag:s8] =	ssyncset.s32 @!p0 $0xFFFFF086;
	s6 =	sadd.s32 @!p0 s3, s7;
	s7 =	simm.s32 @!p0 $0x108  }
0x21: {  	s3 =	sadd.s32 s3, s9;
	s6 =	sadd.s32 @!p0 $0x88, s6;
	s7 =	simm.s32 @p2 $0x1082  }
0x22: {  	[simem:s7], [sflag:s8] =	dma.local @!p0 [hbm:s6], $0xF7A  }
0x23: {  	s9 =	sor.u32 $0xD0000000, s2;
	s6 =	simm.s32 $0x108;
	_ =	swait.ge @!p0 [sflag:s8], $0x0  }
0x24: {  	s3 =	sadd.s32 $0x88, s3;
	s6 =	simm.s32 @!p1 $0x1082;
	[sflag:s4] =	ssyncset.s32 $0xFFFFF086  }
0x25: {  	[simem:s6], [sflag:s4] =	dma.local [hbm:s3], $0xF7A  }
0x26: {  	[smem:$0x3F91] =	sst s1;
	(tag) =	ssettag s2;
	_ =	strace s9  }
0x27: {  	s1 =	sld [smem:$0x3FA1]  }
0x28: {  	s2 =	sld [smem:$0x3FA2]  }
0x29: {  	s4 =	sld [smem:$0x3FA4]  }
0x2a: {  	p0 =	seq.s32 s5, $0x0;
	s5 =	sld [smem:$0x3FA5]  }
0x2b: {  	s6 =	sld [smem:$0x3FA6]  }
0x2c: {  	s7 =	sld [smem:$0x3FA7]  }
0x2d: {  	s3 =	simm.s32 $0x108;
	s8 =	sld [smem:$0x3FA8]  }
0x2e: {  	s3 =	simm.s32 @!p0 $0x1082;
	s9 =	sld [smem:$0x3FA9]  }
0x2f: {  	lr =	sadd.s32 s0, s3;
	s0 =	sld [smem:$0x3FA0]  }
0x30: {  	s3 =	sld [smem:$0x3FA3]  }
0x31: {  	[smem:$0x3FAC] =	sst s10  }
0x32: {  	s10 =	sld [smem:$0x3FAA];
	_ =	sdelay $0x3  }
0x33: {  	p0 =	seq.s32 s10, $0x1;
	s10 =	sld [smem:$0x3FAC];
	_ =	sdelay $0x3  }
0x34: {  	[smem:$0x3FAC] =	sst s10  }
0x35: {  	s10 =	sld [smem:$0x3FAB];
	_ =	sdelay $0x3  }
0x36: {  	p1 =	seq.s32 s10, $0x1;
	s10 =	sld [smem:$0x3FAC];
	_ =	sdelay $0x3  }
0x37: {  	[smem:$0x3FAC] =	sst s10  }
0x38: {  	s10 =	sld [smem:$0x3FAD]  }
0x39: {  	_ = 	snop;
	(pc) =	sbr.ind lr, $3  }
0x3a: {  	_ = 	snop  }
0x3b: {  	_ = 	snop  }
0x3c: {  	p2 =	seq.s32 s10, $0x1;
	s10 =	sld [smem:$0x3FAC]  }
0x3d: {  	_ =	shalt  }
0x3e: {  	_ =	shalt  }
0x3f: {  	_ =	shalt  }
0x40: {  	_ =	shalt  }
0x41: {  	_ =	shalt  }
0x42: {  	_ =	shalt  }
0x43: {  	_ =	shalt  }
0x44: {  	_ =	shalt  }
0x45: {  	_ =	shalt  }
0x46: {  	_ =	shalt  }
0x47: {  	_ =	shalt  }
0x48: {  	_ =	shalt  }
0x49: {  	_ =	shalt  }
0x4a: {  	_ =	shalt  }
0x4b: {  	_ =	shalt  }
0x4c: {  	_ =	shalt  }
0x4d: {  	_ =	shalt  }
0x4e: {  	_ =	shalt  }
0x4f: {  	_ =	shalt  }
0x50: {  	_ =	shalt  }
0x51: {  	_ =	shalt  }
0x52: {  	_ =	shalt  }
0x53: {  	_ =	shalt  }
0x54: {  	_ =	shalt  }
0x55: {  	_ =	shalt  }
0x56: {  	_ =	shalt  }
0x57: {  	_ =	shalt  }
0x58: {  	_ =	shalt  }
0x59: {  	_ =	shalt  }
0x5a: {  	_ =	shalt  }
0x5b: {  	_ =	shalt  }
0x5c: {  	_ =	shalt  }
0x5d: {  	_ =	shalt  }
0x5e: {  	_ =	shalt  }
0x5f: {  	_ =	shalt  }
0x60: {  	_ =	shalt  }
0x61: {  	_ =	shalt  }
0x62: {  	_ =	shalt  }
0x63: {  	_ =	shalt  }
0x64: {  	_ =	shalt  }
0x65: {  	_ =	shalt  }
0x66: {  	_ =	shalt  }
0x67: {  	_ =	shalt  }
0x68: {  	_ =	shalt  }
0x69: {  	_ =	shalt  }
0x6a: {  	_ =	shalt  }
0x6b: {  	_ =	shalt  }
0x6c: {  	_ =	shalt  }
0x6d: {  	_ =	shalt  }
0x6e: {  	_ =	shalt  }
0x6f: {  	_ =	shalt  }
0x70: {  	_ =	shalt  }
0x71: {  	_ =	shalt  }
0x72: {  	_ =	shalt  }
0x73: {  	_ =	shalt  }
0x74: {  	_ =	shalt  }
0x75: {  	_ =	shalt  }
0x76: {  	_ =	shalt  }
0x77: {  	_ =	shalt  }
0x78: {  	_ =	shalt  }
0x79: {  	_ =	shalt  }
0x7a: {  	_ =	shalt  }
0x7b: {  	_ =	shalt  }
0x7c: {  	_ =	shalt  }
0x7d: {  	_ =	shalt  }
0x7e: {  	_ =	shalt  }
0x7f: {  	_ =	shalt  }
0x80: {  	_ =	shalt  }
0x81: {  	_ =	shalt  }
0x82: {  	_ =	shalt  }
0x83: {  	_ =	shalt  }
0x84: {  	_ =	shalt  }
0x85: {  	_ =	shalt  }
0x86: {  	_ =	shalt  }
0x87: {  	_ =	shalt  }
.Lfunc_end0:
.L_simem_size_0:
called_computation.5_lowered:
.L_overlay_start_0:
0x88: {  	s2 =	sld [smem:$0x3FD9]  }
0x89: {  	s3 =	sld [smem:$0x3FFE];
	_ =	sdelay $0x1  }
0x8a: {  	s1 =	srdreg.scid  }
0x8b: {  	s0 =	sand.u32 $0x1, s1  }
0x8c: {  	s14 =	sshll.u32 s0, $0xA;
	s2 =	sadd.s32 s3, s2  }
0x8d: {  	s2 =	sadd.s32 s2, s14  }
0x8e: {  	[smem:$0x3FB8] =	sst s2  }
0x8f: {  	_ = 	snop  }
0x90: {  	s2 =	sld [smem:$0x3FD0];
	_ =	sdelay $0x2  }
0x91: {  	s15 =	simm.s32 $0xB;
	s4 =	simm.s32 $0x10  }
0x92: {  	[smem:s4], [sflag:s15] =	dma.local [hbm:s2], $0x1  }
0x93: {  	_ =	swait.eq [sflag:s15], $0x1  }
0x94: {  	[sflag:s15] =	ssyncset.done $0x0  }
0x95: {  	s16 =	sld [smem:$0x10];
	[sflag:s15] =	ssyncadd.s32 $0xFFFFFFFF  }
0x96: {  	s17 =	sld [smem:$0x11];
	(tm) =	ssettm $0x1  }
0x97: {  	s18 =	sld [smem:$0x3FFB];
	_ =	sdelay $0x3  }
0x98: {  	_ =	strace s18  }
0x99: {  	s4 =	sld [smem:$0x3FFC];
	_ =	sdelay $0x3  }
0x9a: {  	_ =	strace s4  }
0x9b: {  	s4 =	sld [smem:$0x3FFD];
	_ =	sdelay $0x3  }
0x9c: {  	_ =	strace s4  }
0x9d: {  	_ =	strace $0x8FFFFFFF  }
0x9e: {  	s19 =	sld [smem:$0x3FDB];
	_ =	sdelay $0x1  }
0x9f: {  	s5 =	simm.s32 $_scs_section_size  }
0xa0: {  	s6 =	simm.s32 $_size__tile_overlayer_lowered;
	s7 =	simm.s32 $_tile_overlayer_lowered  }
0xa1: {  	s22 =	simm.s32 $0x1BFF;
	s21 =	sshll.u32 s7, $0x1;
	s4 =	sadd.s32 s5, s19  }
0xa2: {  	s8 =	simm.s32 $0x0;
	s20 =	sshll.u32 s6, $0x1;
	s6 =	sadd.s32 s21, s4  }
0xa3: {  	[timem:s8], [sflag:s22] =	dma.local [hbm:s6], s20  }
0xa4: {  	_ =	swait.ge [sflag:s22], s20  }
0xa5: {  	s5 =	ssub.s32 $0x0, s20;
	[sflag:s22] =	ssyncset.done $0x0  }
0xa6: {  	[sflag:s22] =	ssyncadd.s32 s5;
	_ =	sdelay $0x1  }
0xa7: {  	s23 =	simm.s32 $0x1B8B  }
0xa8: {  	_ =	swait.ge [sflag:s23], $0x1  }
0xa9: {  	[sflag:s23] =	ssyncset.done $0x0  }
0xaa: {  	s25 =	simm.s32 $0x1B8E;
	s24 =	sld [smem:$0x3FFE];
	[sflag:s23] =	ssyncadd.s32 $0xFFFFFFFF  }
0xab: {  	s26 =	simm.s32 $execute0_lowered;
	[smem:$0x3FD2] =	sst s25  }
0xac: {  	s6 =	sshll.u32 s26, $0x1;
	_ =	strace $0x80000052;
	[dreg:$0x1] =	wrdreg $0xFFFFFFFF  }
0xad: {  	s28 =	simm.s32 $_size_execute0_lowered;
	s4 =	sadd.s32 s4, s6;
	[dreg:$0x0] =	wrdreg $0x0  }
0xae: {  	s6 =	sshll.u32 s28, $0x1;
	[dreg:$0x2] =	wrdreg s4  }
0xaf: {  	[dreg:$0x3] =	wrdreg s6  }
0xb0: {  	[dreg:$0x4] =	wrdreg $0xC0  }
0xb1: {  	_ =	task [dreg:s8], $0x5FFFF  }
0xb2: {  	[dreg:$0x1] =	wrdreg $0xFFFFFFFF  }
0xb3: {  	[dreg:$0x0] =	wrdreg $0x60  }
0xb4: {  	[dreg:$0x2] =	wrdreg s24  }
0xb5: {  	[dreg:$0x3] =	wrdreg s17  }
0xb6: {  	[dreg:$0x4] =	wrdreg s16  }
0xb7: {  	[dreg:$0x5] =	wrdreg $0xA8000  }
0xb8: {  	[dreg:$0x6] =	wrdreg $0xA  }
0xb9: {  	_ =	task.clear_ibuf [dreg:s8], $0x7FFFF;
	_ =	strace $0x90000052  }
0xba: {  	s29 =	simm.s32 $0xA;
	_ =	strace $0x80000054  }
0xbb: {  	_ =	swait.ge [sflag:s29], $0x1  }
0xbc: {  	[sflag:s29] =	ssyncadd.s32 $0xFFFFFFFF  }
0xbd: {  	_ =	strace $0x90000054  }
0xbe: {  	_ =	sfence  }
0xbf: {  	s30 =	sld [smem:$0x0];
	_ =	sdelay $0x2  }
0xc0: {  	s31 =	sshll.u32 s1, $0xD;
	s1 =	sshrl.u32 s1, $0x2  }
0xc1: {  	s3 =	sand.u32 $0x4000, s31;
	s1 =	sadd.s32 s1, s30  }
0xc2: {  	s0 =	sor.u32 s3, s0;
	s1 =	sshll.u32 s1, $0x11  }
0xc3: {  	s0 =	sor.u32 s1, s0  }
0xc4: {  	s0 =	sadd.s32 $0x8F2B, s0  }
0xc5: {  	[sflag:s0] =	ssyncadd.remote.s32 $0x1  }
0xc6: {  	_ =	sfence.sel $0xFFFF  }
0xc7: {  	[dreg:$0x0] =	wrdreg $0xFFFFFFFF;
	(pc) =	sbr.abs _section_cstart, $3  }
0xc8: {  	[dreg:$0x1] =	wrdreg $0xFFFFFFFF  }
0xc9: {  	_ =	task.clear_ibuf [dreg:s8], $0x2FFFF;
	_ =	strace $0x9FFFFFFF  }
0xca: {  	(tm) =	ssettm $0x7FFFFFFF  }
0xcb: {  	_ =	shalt  }
tec
execute0_lowered:
.L_overlay_start_1:
0x0: {  	(tag) =	ssettag $0x1  }
0x1: {  	s5 =	rddreg [dreg:$0x0]  }
0x2: {  	s7 =	rddreg [dreg:$0x1]  }
0x3: {  	s8 =	rddreg [dreg:$0x2]  }
0x4: {  	s2 =	rddreg [dreg:$0x3]  }
0x5: {  	s0 =	rddreg [dreg:$0x4];
	s1 =	stileid.u32  }
0x6: {  	s4 =	srdreg.scid;
	s3 =	simm.s32 $0x0;
	s15 =	simm.s32 $0x8000  }
0x7: {  	s16 =	simm.s32 $0x1;
	s17 =	simm.s32 $0x0;
	s6 =	smul.u32 $0x14000, s1  }
0x8: {  	s9 =	sand.u32 $0x1, s4;
	[smem:$0x7FF] =	sst s3;
	s4 =	sadd.s32 $0x4200, s5  }
0x9: {  	s12 =	smul.u32 $0x50000, s1;
	s30 =	sshll.u32 s1, $0xC;
	s31 =	sshll.u32 s1, $0x6  }
0xa: {  	s10 =	smul.u32 $0x140000, s9;
	_ =	strace $0x80000053;
	s28 =	ssub.s32 $0x2, s9  }
0xb: {  	s9 =	sshll.u32 s9, $0xB;
	s11 =	sshrl.u32 s6, $0x3;
	s13 =	sshrl.u32 s28, $0x1  }
0xc: {  	s29 =	sshrl.u32 s12, $0x2;
	s9 =	sor.u32 s9, s30;
	s6 =	sadd.s32 s6, s10  }
0xd: {  	s11 =	sadd.s32 s11, s5;
	s10 =	ssub.s32 s28, s13;
	s12 =	sadd.s32 s29, s2  }
0xe: {  	s7 =	sadd.s32 s7, s9;
	s8 =	sadd.s32 s8, s9;
	s6 =	sshrl.u32 s6, $0x3  }
0xf: {  	s13 =	simm.s32 $0x4000;
	s10 =	smax.u32 s10, $0x1;
	s14 =	sadd.s32 s6, s5  }
0x10: {  	s5 =	sadd.s32 $0x2C200, s11;
	s6 =	sor.u32 $0x1C02, s31;
	s11 =	sshrl.u32 s12, $0x3  }
0x11: {  	s12 =	simm.s32 $0x2;
	s9 =	sadd.s32 $0x7C200, s14;
	s14 =	simm.s32 $0x50  }
.LBB2_1:
0x12: {  	[spmem:s11], [sflag:s6] =	dma.local [hbm:s5], $0x2800  }
0x13: {  	_ =	swait.ge [sflag:s12], $0x2800  }
0x14: {  	[sflag:s12] =	ssyncset.done $0x0  }
0x15: {  	[sflag:s12] =	ssyncadd.s32 $0xFFFFD800  }
0x16: {  	[tilespmem:s3], [sflag:$0x2] =	stream.linear.gather [hbm4b:s7+s3], $0x3E80, $0x38;
	[tilespmem:$0x1E800] =	vst v63  }
0x17: {  	_ =	swait.ge [sflag:s12], $0x3E80  }
0x18: {  	[sflag:s12] =	ssyncset.done $0x0  }
0x19: {  	[sflag:s12] =	ssyncadd.s32 $0xFFFFC180  }
0x1a: {  	[tilespmem:s13], [sflag:$0x2] =	stream.linear.gather [hbm4b:s8+s3], $0x3E80, $0x38;
	[tilespmem:$0x1E800] =	vst v63  }
0x1b: {  	_ =	swait.ge [sflag:s12], $0x3E80  }
0x1c: {  	[sflag:s12] =	ssyncset.done $0x0  }
0x1d: {  	[sflag:s12] =	ssyncadd.s32 $0xFFFFC180  }
0x1e: {  	s18 =	simm.s32 $0x0;
	[bflag:$0x0] =	sbarrier.arrive $0xFFFF  }
0x1f: {  	[tilespmem:s15], [sflag:$0x1] =	stream.indirect.gather [hbm4b:s4+s14], $0x80, s18, s14, $0xb8;
	[tilespmem:$0x1E800] =	vst v63  }
0x20: {  	_ =	swait.ge [sflag:s16], $0x2800  }
0x21: {  	[sflag:s16] =	ssyncset.done $0x0  }
0x22: {  	s31 =	simm.s32 $0x4000;
	[sflag:s16] =	ssyncadd.s32 $0xFFFFD800  }
0x23: {  	[spmem:s2] =	stream.indirect.scatter.add.f32 [tilespmem:s15], [sflag:$0x2], $0x80, s31, s14, $0xb8;
	[tilespmem:$0x1E800] =	vst v63  }
0x24: {  	_ =	swait.ge [sflag:s12], $0x2800  }
0x25: {  	s19 =	simm.s32 $0x400;
	s18 =	simm.s32 $0x200;
	[sflag:s12] =	ssyncset.done $0x0  }
.LBB2_2:
0x26: {  	s20 =	sshra.s32 s18, $0x2  }
0x27: {  	[sflag:s12] =	ssyncadd.s32 $0xFFFFD800;
	s18 =	smov.u32 s19;
	s21 =	sadd.s32 $0x200, s19  }
0x28: {  	[tilespmem:s15], [sflag:$0x1] =	stream.indirect.gather [hbm4b:s4+s14], $0x80, s20, s14, $0xb8;
	[tilespmem:$0x1E800] =	vst v63  }
0x29: {  	p0 =	sne.s32 s19, $0xF800;
	_ =	swait.ge [sflag:s16], $0x2800  }
.Ltmp0:
0x2a: {  	[sflag:s16] =	ssyncset.done $0x0;
	(pc) =	sbr.rel @p0 .LBB2_2-.Ltmp0, $4  }
0x2b: {  	s19 =	sadd.s32 $0x4000, s20;
	[sflag:s16] =	ssyncadd.s32 $0xFFFFD800  }
0x2c: {  	[spmem:s2] =	stream.indirect.scatter.add.f32 [tilespmem:s15], [sflag:$0x2], $0x80, s19, s14, $0xb8;
	[tilespmem:$0x1E800] =	vst v63  }
0x2d: {  	_ =	swait.ge [sflag:s12], $0x2800  }
0x2e: {  	s19 =	smov.u32 s21;
	[sflag:s12] =	ssyncset.done $0x0  }
0x2f: {  	s18 =	sshra.s32 s18, $0x2;
	[sflag:s12] =	ssyncadd.s32 $0xFFFFD800  }
0x30: {  	[tilespmem:s15], [sflag:$0x1] =	stream.indirect.gather [hbm4b:s4+s14], $0x80, s18, s14, $0xb8;
	[tilespmem:$0x1E800] =	vst v63  }
0x31: {  	_ =	swait.ge [sflag:s16], $0x2800  }
0x32: {  	[sflag:s16] =	ssyncset.done $0x0  }
0x33: {  	s18 =	sadd.s32 $0x4000, s18;
	[sflag:s16] =	ssyncadd.s32 $0xFFFFD800  }
0x34: {  	[spmem:s2] =	stream.indirect.scatter.add.f32 [tilespmem:s15], [sflag:$0x2], $0x80, s18, s14, $0xb8;
	[tilespmem:$0x1E800] =	vst v63  }
0x35: {  	_ =	swait.ge [sflag:s12], $0x2800  }
0x36: {  	s17 =	sadd.s32 $0x1, s17;
	[sflag:s12] =	ssyncset.done $0x0  }
0x37: {  	p0 =	sne.s32 s17, s10;
	[sflag:s12] =	ssyncadd.s32 $0xFFFFD800  }
.Ltmp1:
0x38: {  	[bflag:$0x0] =	sbarrier.arrive $0xFFFF;
	(pc) =	sbr.rel @p0 .LBB2_1-.Ltmp1, $4  }
0x39: {  	[hbm:s9], [sflag:s6] =	dma.local [spmem:s11], $0x2800  }
0x3a: {  	_ =	swait.ge [sflag:s12], $0x2800  }
0x3b: {  	[sflag:s12] =	ssyncset.done $0x0  }
0x3c: {  	[sflag:s12] =	ssyncadd.s32 $0xFFFFD800  }
0x3d: {  	_ =	sfence.sel $0x180000  }
0x3e: {  	[bflag:$0x0] =	sbarrier.arrive $0xFFFF  }
0x3f: {  	p0 =	sne.s32 s1, $0x0;
	_ =	strace $0x90000053  }
0x40: {  	s0 =	sadd.s32 @!p0 $0x100000, s0;
	[bflag:$0x2] =	sbarrier.arrive $0xFFFF  }
0x41: {  	[sflag:s0] =	ssyncadd.tile.s32 @!p0 $0x1;
	_ =	shalt  }
.Lfunc_end2:
_tile_overlayer_lowered:
.L_overlay_start_2:
0x42: {  	(tag) =	ssettag $0x2  }
0x43: {  	s0 =	rddreg [dreg:$0x0];
	s2 =	stileid.u32  }
0x44: {  	s1 =	rddreg [dreg:$0x1];
	p0 =	sne.s32 s2, $0x0  }
0x45: {  	s3 =	rddreg [dreg:$0x2];
	[bflag:$0x3] =	sbarrier.arrive $0xFFFF;
	s2 =	simm.s32 @!p0 $0x1C02  }
0x46: {  	[timem:s3], [sflag:s2] =	dma.local @!p0 [hbm:s0], s1  }
0x47: {  	s0 =	simm.s32 @!p0 $0x2  }
0x48: {  	_ =	swait.ge @!p0 [sflag:s0], s1  }
0x49: {  	s1 =	ssub.s32 @!p0 $0x0, s1;
	[sflag:s0] =	ssyncset.done @!p0 $0x0  }
0x4a: {  	[sflag:s0] =	ssyncadd.s32 @!p0 s1  }
0x4b: {  	[bflag:$0x3] =	sbarrier.arrive $0xFFFF  }
0x4c: {  	_ =	shalt  }

// kernel: kernel.24.cloned.1.call-start
scs
__scs_entry_jumppad:
0x0: {  	(pc) =	sbr.rel $0x88, $3  }
0x1: {  	(tag) =	ssettag $0x0;
	lr =	simm.s32 $0x1  }
0x2: {  	[smem:$0x3F91] =	sst lr;
	_ =	strace $0xD0000000  }
0x3: {  	_ = 	snop  }
0x4: {  	_ = 	snop  }
0x5: {  	_ = 	snop  }
0x6: {  	_ = 	snop  }
0x7: {  	_ = 	snop  }
__scs_overlays_trampoline_lowered:
0x8: {  	[smem:$0x3FA0] =	sst s0  }
0x9: {  	[smem:$0x3FA1] =	sst s1  }
0xa: {  	[smem:$0x3FA2] =	sst s2  }
0xb: {  	[smem:$0x3FA3] =	sst s3  }
0xc: {  	[smem:$0x3FA4] =	sst s4  }
0xd: {  	[smem:$0x3FA5] =	sst s5  }
0xe: {  	[smem:$0x3FA6] =	sst s6  }
0xf: {  	[smem:$0x3FA7] =	sst s7  }
0x10: {  	[smem:$0x3FA8] =	sst s8  }
0x11: {  	[smem:$0x3FA9] =	sst s9;
	s0 =	simm.s32 @!p0 $0x0  }
0x12: {  	s1 =	sld [smem:$0x3F8F];
	s0 =	simm.s32 @p0 $0x1  }
0x13: {  	[smem:$0x3FAA] =	sst s0;
	s0 =	simm.s32 @!p1 $0x0  }
0x14: {  	s2 =	sld [smem:$0x3F8E];
	s0 =	simm.s32 @p1 $0x1  }
0x15: {  	[smem:$0x3FAB] =	sst s0;
	s0 =	simm.s32 @!p2 $0x0  }
0x16: {  	s3 =	sld [smem:$0x3FDB];
	s0 =	simm.s32 @p2 $0x1  }
0x17: {  	s4 =	simm.s32 $0x1BF5;
	[smem:$0x3FAD] =	sst s0  }
0x18: {  	s0 =	sld [smem:$0x3F90];
	_ =	swait.ge [sflag:s4], $0x0  }
0x19: {  	s7 =	sld [smem:$0x3F91]  }
0x1a: {  	s8 =	sadd.s32 $0xFFFFE003, lr  }
0x1b: {  	s9 =	sadd.s32 $0xFFFFFEF7, lr;
	s5 =	simm.s32 $0xFFFFFFFF;
	p2 =	slt.u32 s8, $0xFFFFF086  }
0x1c: {  	p1 =	slt.u32 s9, $0xF7A;
	s5 =	simm.s32 @!p2 $0x0  }
0x1d: {  	s5 =	simm.s32 @p1 $0x1;
	p0 =	seq.s32 s7, s2  }
0x1e: {  	s7 =	smul.u32 @!p0 $0xF7A, s2;
	p2 =	seq.s32 @!p0 s5, $0x0  }
0x1f: {  	s9 =	smul.u32 $0xF7A, s1;
	s8 =	simm.s32 @!p0 $0x1BF5;
	p2 =	por !p2, p0  }
0x20: {  	[sflag:s8] =	ssyncset.s32 @!p0 $0xFFFFF086;
	s6 =	sadd.s32 @!p0 s3, s7;
	s7 =	simm.s32 @!p0 $0x108  }
0x21: {  	s3 =	sadd.s32 s3, s9;
	s6 =	sadd.s32 @!p0 $0x88, s6;
	s7 =	simm.s32 @p2 $0x1082  }
0x22: {  	[simem:s7], [sflag:s8] =	dma.local @!p0 [hbm:s6], $0xF7A  }
0x23: {  	s9 =	sor.u32 $0xD0000000, s2;
	s6 =	simm.s32 $0x108;
	_ =	swait.ge @!p0 [sflag:s8], $0x0  }
0x24: {  	s3 =	sadd.s32 $0x88, s3;
	s6 =	simm.s32 @!p1 $0x1082;
	[sflag:s4] =	ssyncset.s32 $0xFFFFF086  }
0x25: {  	[simem:s6], [sflag:s4] =	dma.local [hbm:s3], $0xF7A  }
0x26: {  	[smem:$0x3F91] =	sst s1;
	(tag) =	ssettag s2;
	_ =	strace s9  }
0x27: {  	s1 =	sld [smem:$0x3FA1]  }
0x28: {  	s2 =	sld [smem:$0x3FA2]  }
0x29: {  	s4 =	sld [smem:$0x3FA4]  }
0x2a: {  	p0 =	seq.s32 s5, $0x0;
	s5 =	sld [smem:$0x3FA5]  }
0x2b: {  	s6 =	sld [smem:$0x3FA6]  }
0x2c: {  	s7 =	sld [smem:$0x3FA7]  }
0x2d: {  	s3 =	simm.s32 $0x108;
	s8 =	sld [smem:$0x3FA8]  }
0x2e: {  	s3 =	simm.s32 @!p0 $0x1082;
	s9 =	sld [smem:$0x3FA9]  }
0x2f: {  	lr =	sadd.s32 s0, s3;
	s0 =	sld [smem:$0x3FA0]  }
0x30: {  	s3 =	sld [smem:$0x3FA3]  }
0x31: {  	[smem:$0x3FAC] =	sst s10  }
0x32: {  	s10 =	sld [smem:$0x3FAA];
	_ =	sdelay $0x3  }
0x33: {  	p0 =	seq.s32 s10, $0x1;
	s10 =	sld [smem:$0x3FAC];
	_ =	sdelay $0x3  }
0x34: {  	[smem:$0x3FAC] =	sst s10  }
0x35: {  	s10 =	sld [smem:$0x3FAB];
	_ =	sdelay $0x3  }
0x36: {  	p1 =	seq.s32 s10, $0x1;
	s10 =	sld [smem:$0x3FAC];
	_ =	sdelay $0x3  }
0x37: {  	[smem:$0x3FAC] =	sst s10  }
0x38: {  	s10 =	sld [smem:$0x3FAD]  }
0x39: {  	_ = 	snop;
	(pc) =	sbr.ind lr, $3  }
0x3a: {  	_ = 	snop  }
0x3b: {  	_ = 	snop  }
0x3c: {  	p2 =	seq.s32 s10, $0x1;
	s10 =	sld [smem:$0x3FAC]  }
0x3d: {  	_ =	shalt  }
0x3e: {  	_ =	shalt  }
0x3f: {  	_ =	shalt  }
0x40: {  	_ =	shalt  }
0x41: {  	_ =	shalt  }
0x42: {  	_ =	shalt  }
0x43: {  	_ =	shalt  }
0x44: {  	_ =	shalt  }
0x45: {  	_ =	shalt  }
0x46: {  	_ =	shalt  }
0x47: {  	_ =	shalt  }
0x48: {  	_ =	shalt  }
0x49: {  	_ =	shalt  }
0x4a: {  	_ =	shalt  }
0x4b: {  	_ =	shalt  }
0x4c: {  	_ =	shalt  }
0x4d: {  	_ =	shalt  }
0x4e: {  	_ =	shalt  }
0x4f: {  	_ =	shalt  }
0x50: {  	_ =	shalt  }
0x51: {  	_ =	shalt  }
0x52: {  	_ =	shalt  }
0x53: {  	_ =	shalt  }
0x54: {  	_ =	shalt  }
0x55: {  	_ =	shalt  }
0x56: {  	_ =	shalt  }
0x57: {  	_ =	shalt  }
0x58: {  	_ =	shalt  }
0x59: {  	_ =	shalt  }
0x5a: {  	_ =	shalt  }
0x5b: {  	_ =	shalt  }
0x5c: {  	_ =	shalt  }
0x5d: {  	_ =	shalt  }
0x5e: {  	_ =	shalt  }
0x5f: {  	_ =	shalt  }
0x60: {  	_ =	shalt  }
0x61: {  	_ =	shalt  }
0x62: {  	_ =	shalt  }
0x63: {  	_ =	shalt  }
0x64: {  	_ =	shalt  }
0x65: {  	_ =	shalt  }
0x66: {  	_ =	shalt  }
0x67: {  	_ =	shalt  }
0x68: {  	_ =	shalt  }
0x69: {  	_ =	shalt  }
0x6a: {  	_ =	shalt  }
0x6b: {  	_ =	shalt  }
0x6c: {  	_ =	shalt  }
0x6d: {  	_ =	shalt  }
0x6e: {  	_ =	shalt  }
0x6f: {  	_ =	shalt  }
0x70: {  	_ =	shalt  }
0x71: {  	_ =	shalt  }
0x72: {  	_ =	shalt  }
0x73: {  	_ =	shalt  }
0x74: {  	_ =	shalt  }
0x75: {  	_ =	shalt  }
0x76: {  	_ =	shalt  }
0x77: {  	_ =	shalt  }
0x78: {  	_ =	shalt  }
0x79: {  	_ =	shalt  }
0x7a: {  	_ =	shalt  }
0x7b: {  	_ =	shalt  }
0x7c: {  	_ =	shalt  }
0x7d: {  	_ =	shalt  }
0x7e: {  	_ =	shalt  }
0x7f: {  	_ =	shalt  }
0x80: {  	_ =	shalt  }
0x81: {  	_ =	shalt  }
0x82: {  	_ =	shalt  }
0x83: {  	_ =	shalt  }
0x84: {  	_ =	shalt  }
0x85: {  	_ =	shalt  }
0x86: {  	_ =	shalt  }
0x87: {  	_ =	shalt  }
.Lfunc_end0:
.L_simem_size_0:
called_computation.6_lowered:
.L_overlay_start_0:
0x88: {  	s2 =	sld [smem:$0x3FD9]  }
0x89: {  	s3 =	sld [smem:$0x3FFE];
	_ =	sdelay $0x1  }
0x8a: {  	s1 =	srdreg.scid  }
0x8b: {  	s0 =	sand.u32 $0x1, s1  }
0x8c: {  	s14 =	sshll.u32 s0, $0xA;
	s2 =	sadd.s32 s3, s2  }
0x8d: {  	s2 =	sadd.s32 s2, s14  }
0x8e: {  	[smem:$0x3FB8] =	sst s2  }
0x8f: {  	_ = 	snop  }
0x90: {  	s2 =	sld [smem:$0x3FD0];
	_ =	sdelay $0x2  }
0x91: {  	s15 =	simm.s32 $0xB;
	s4 =	simm.s32 $0x10  }
0x92: {  	[smem:s4], [sflag:s15] =	dma.local [hbm:s2], $0x1  }
0x93: {  	_ =	swait.eq [sflag:s15], $0x1  }
0x94: {  	[sflag:s15] =	ssyncset.done $0x0  }
0x95: {  	s16 =	sld [smem:$0x10];
	[sflag:s15] =	ssyncadd.s32 $0xFFFFFFFF  }
0x96: {  	s17 =	sld [smem:$0x11];
	(tm) =	ssettm $0x1  }
0x97: {  	s18 =	sld [smem:$0x3FFB];
	_ =	sdelay $0x3  }
0x98: {  	_ =	strace s18  }
0x99: {  	s4 =	sld [smem:$0x3FFC];
	_ =	sdelay $0x3  }
0x9a: {  	_ =	strace s4  }
0x9b: {  	s4 =	sld [smem:$0x3FFD];
	_ =	sdelay $0x3  }
0x9c: {  	_ =	strace s4  }
0x9d: {  	_ =	strace $0x8FFFFFFF  }
0x9e: {  	s19 =	sld [smem:$0x3FDB];
	_ =	sdelay $0x1  }
0x9f: {  	s5 =	simm.s32 $_scs_section_size  }
0xa0: {  	s6 =	simm.s32 $_size__tile_overlayer_lowered;
	s7 =	simm.s32 $_tile_overlayer_lowered  }
0xa1: {  	s22 =	simm.s32 $0x1BFF;
	s21 =	sshll.u32 s7, $0x1;
	s4 =	sadd.s32 s5, s19  }
0xa2: {  	s8 =	simm.s32 $0x0;
	s20 =	sshll.u32 s6, $0x1;
	s6 =	sadd.s32 s21, s4  }
0xa3: {  	[timem:s8], [sflag:s22] =	dma.local [hbm:s6], s20  }
0xa4: {  	_ =	swait.ge [sflag:s22], s20  }
0xa5: {  	s5 =	ssub.s32 $0x0, s20;
	[sflag:s22] =	ssyncset.done $0x0  }
0xa6: {  	[sflag:s22] =	ssyncadd.s32 s5;
	_ =	sdelay $0x1  }
0xa7: {  	s23 =	simm.s32 $0x1B8B  }
0xa8: {  	_ =	swait.ge [sflag:s23], $0x1  }
0xa9: {  	[sflag:s23] =	ssyncset.done $0x0  }
0xaa: {  	s25 =	simm.s32 $0x1B8E;
	s24 =	sld [smem:$0x3FFE];
	[sflag:s23] =	ssyncadd.s32 $0xFFFFFFFF  }
0xab: {  	s26 =	simm.s32 $execute0_lowered;
	[smem:$0x3FD2] =	sst s25  }
0xac: {  	s6 =	sshll.u32 s26, $0x1;
	_ =	strace $0x80000058;
	[dreg:$0x1] =	wrdreg $0xFFFFFFFF  }
0xad: {  	s28 =	simm.s32 $_size_execute0_lowered;
	s4 =	sadd.s32 s4, s6;
	[dreg:$0x0] =	wrdreg $0x0  }
0xae: {  	s6 =	sshll.u32 s28, $0x1;
	[dreg:$0x2] =	wrdreg s4  }
0xaf: {  	[dreg:$0x3] =	wrdreg s6  }
0xb0: {  	[dreg:$0x4] =	wrdreg $0xC0  }
0xb1: {  	_ =	task [dreg:s8], $0x5FFFF  }
0xb2: {  	[dreg:$0x1] =	wrdreg $0xFFFFFFFF  }
0xb3: {  	[dreg:$0x0] =	wrdreg $0x60  }
0xb4: {  	[dreg:$0x2] =	wrdreg s24  }
0xb5: {  	[dreg:$0x3] =	wrdreg s17  }
0xb6: {  	[dreg:$0x4] =	wrdreg s16  }
0xb7: {  	[dreg:$0x5] =	wrdreg $0x9  }
0xb8: {  	_ =	task.clear_ibuf [dreg:s8], $0x6FFFF;
	_ =	strace $0x90000058  }
0xb9: {  	s29 =	simm.s32 $0x9;
	_ =	strace $0x8000005A  }
0xba: {  	_ =	swait.ge [sflag:s29], $0x1  }
0xbb: {  	[sflag:s29] =	ssyncadd.s32 $0xFFFFFFFF  }
0xbc: {  	_ =	strace $0x9000005A  }
0xbd: {  	_ =	sfence  }
0xbe: {  	s30 =	sld [smem:$0x0];
	_ =	sdelay $0x2  }
0xbf: {  	s31 =	sshll.u32 s1, $0xD;
	s1 =	sshrl.u32 s1, $0x2  }
0xc0: {  	s3 =	sand.u32 $0x4000, s31;
	s1 =	sadd.s32 s1, s30  }
0xc1: {  	s0 =	sor.u32 s3, s0;
	s1 =	sshll.u32 s1, $0x11  }
0xc2: {  	s0 =	sor.u32 s1, s0  }
0xc3: {  	s0 =	sadd.s32 $0x8F2B, s0  }
0xc4: {  	[sflag:s0] =	ssyncadd.remote.s32 $0x1  }
0xc5: {  	_ =	sfence.sel $0xFFFF  }
0xc6: {  	[dreg:$0x0] =	wrdreg $0xFFFFFFFF;
	(pc) =	sbr.abs _section_cstart, $3  }
0xc7: {  	[dreg:$0x1] =	wrdreg $0xFFFFFFFF  }
0xc8: {  	_ =	task.clear_ibuf [dreg:s8], $0x2FFFF;
	_ =	strace $0x9FFFFFFF  }
0xc9: {  	(tm) =	ssettm $0x7FFFFFFF  }
tec
execute0_lowered:
.L_overlay_start_1:
0x0: {  	(tag) =	ssettag $0x1  }
0x1: {  	s13 =	rddreg [dreg:$0x0]  }
0x2: {  	s3 =	rddreg [dreg:$0x1]  }
0x3: {  	s1 =	srdreg.scid;
	s0 =	stileid.u32  }
0x4: {  	s5 =	rddreg [dreg:$0x2];
	s24 =	sand.u32 $0x1, s1;
	s4 =	sshll.u32 s0, $0x1  }
0x5: {  	s2 =	simm.s32 $0x0;
	s1 =	rddreg [dreg:$0x3];
	s14 =	sor.u32 s24, s4  }
0x6: {  	[smem:$0x7FF] =	sst s2;
	s6 =	sshll.u32 s14, $0x6  }
0x7: {  	_ =	strace $0x80000059;
	s4 =	sadd.s32 s3, s6;
	s3 =	simm.s32 $0x2  }
0x8: {  	[tilespmem:s2], [sflag:$0x2] =	stream.linear.gather [hbm4b:s4+s2], $0x200, $0x38;
	[tilespmem:$0x2C00] =	vst v63  }
0x9: {  	_ =	swait.ge [sflag:s3], $0x200  }
0xa: {  	[sflag:s3] =	ssyncset.done $0x0  }
0xb: {  	s5 =	sadd.s32 s5, s6;
	s6 =	simm.s32 $0x200;
	[sflag:s3] =	ssyncadd.s32 $0xFFFFFE00  }
0xc: {  	[tilespmem:s6], [sflag:$0x2] =	stream.linear.gather [hbm4b:s5+s2], $0x200, $0x38;
	[tilespmem:$0x2C00] =	vst v63  }
0xd: {  	_ =	swait.ge [sflag:s3], $0x200  }
0xe: {  	s8 =	simm.s32 $0x50;
	s9 =	simm.s32 $0x400;
	[sflag:s3] =	ssyncset.done $0x0  }
0xf: {  	s10 =	simm.s32 $0x1;
	s7 =	sadd.s32 $0x120200, s13;
	[sflag:s3] =	ssyncadd.s32 $0xFFFFFE00  }
0x10: {  	[tilespmem:s9], [sflag:$0x1] =	stream.indirect.gather [hbm4b:s7+s8], $0x80, s2, s8, $0xb8;
	[tilespmem:$0x2C00] =	vst v63  }
0x11: {  	s15 =	smul.u32 $0x1400, s14;
	_ =	swait.ge [sflag:s10], $0x2800  }
0x12: {  	s23 =	sadd.s32 $0x4200, s13;
	[sflag:s10] =	ssyncset.done $0x0  }
0x13: {  	s11 =	sadd.s32 s23, s15;
	[sflag:s10] =	ssyncadd.s32 $0xFFFFD800  }
0x14: {  	[hbm4b:s11+s2] =	stream.linear.scatter [tilespmem:s9], [sflag:$0x2], $0x2800, $0x38;
	[tilespmem:$0x2C00] =	vst v63  }
0x15: {  	_ =	swait.ge [sflag:s3], $0x2800  }
0x16: {  	[sflag:s3] =	ssyncset.done $0x0  }
0x17: {  	s12 =	sadd.s32 $0x11C200, s13;
	[sflag:s3] =	ssyncadd.s32 $0xFFFFD800  }
0x18: {  	[tilespmem:s9], [sflag:$0x1] =	stream.indirect.gather [hbm4b:s12+s8], $0x80, s6, s8, $0xb8;
	[tilespmem:$0x2C00] =	vst v63  }
0x19: {  	_ =	swait.ge [sflag:s10], $0x2800  }
0x1a: {  	s25 =	sadd.s32 $0x2C200, s13;
	[sflag:s10] =	ssyncset.done $0x0  }
0x1b: {  	s13 =	sadd.s32 s25, s15;
	[sflag:s10] =	ssyncadd.s32 $0xFFFFD800  }
0x1c: {  	[hbm4b:s13+s2] =	stream.linear.scatter [tilespmem:s9], [sflag:$0x2], $0x2800, $0x38;
	[tilespmem:$0x2C00] =	vst v63  }
0x1d: {  	_ =	swait.ge [sflag:s3], $0x2800  }
0x1e: {  	[sflag:s3] =	ssyncset.done $0x0  }
0x1f: {  	s30 =	smul.u32 $0xA000, s14;
	s14 =	simm.s32 $0x80;
	[sflag:s3] =	ssyncadd.s32 $0xFFFFD800  }
0x20: {  	[tilespmem:s9], [sflag:$0x1] =	stream.indirect.gather [hbm4b:s7+s8], $0x80, s14, s8, $0xb8;
	[tilespmem:$0x2C00] =	vst v63  }
0x21: {  	s26 =	sshrl.u32 s30, $0x3;
	_ =	swait.ge [sflag:s10], $0x2800  }
0x22: {  	s17 =	sadd.s32 $0x500, s26;
	[sflag:s10] =	ssyncset.done $0x0  }
0x23: {  	s15 =	sadd.s32 s23, s17;
	[sflag:s10] =	ssyncadd.s32 $0xFFFFD800  }
0x24: {  	[hbm4b:s15+s2] =	stream.linear.scatter [tilespmem:s9], [sflag:$0x2], $0x2800, $0x38;
	[tilespmem:$0x2C00] =	vst v63  }
0x25: {  	_ =	swait.ge [sflag:s3], $0x2800  }
0x26: {  	[sflag:s3] =	ssyncset.done $0x0  }
0x27: {  	s16 =	simm.s32 $0x280;
	[sflag:s3] =	ssyncadd.s32 $0xFFFFD800  }
0x28: {  	[tilespmem:s9], [sflag:$0x1] =	stream.indirect.gather [hbm4b:s12+s8], $0x80, s16, s8, $0xb8;
	[tilespmem:$0x2C00] =	vst v63  }
0x29: {  	_ =	swait.ge [sflag:s10], $0x2800  }
0x2a: {  	[sflag:s10] =	ssyncset.done $0x0  }
0x2b: {  	s17 =	sadd.s32 s25, s17;
	[sflag:s10] =	ssyncadd.s32 $0xFFFFD800  }
0x2c: {  	[hbm4b:s17+s2] =	stream.linear.scatter [tilespmem:s9], [sflag:$0x2], $0x2800, $0x38;
	[tilespmem:$0x2C00] =	vst v63  }
0x2d: {  	_ =	swait.ge [sflag:s3], $0x2800  }
0x2e: {  	[sflag:s3] =	ssyncset.done $0x0  }
0x2f: {  	s18 =	simm.s32 $0x100;
	[sflag:s3] =	ssyncadd.s32 $0xFFFFD800  }
0x30: {  	[tilespmem:s9], [sflag:$0x1] =	stream.indirect.gather [hbm4b:s7+s8], $0x80, s18, s8, $0xb8;
	[tilespmem:$0x2C00] =	vst v63  }
0x31: {  	_ =	swait.ge [sflag:s10], $0x2800  }
0x32: {  	s21 =	sadd.s32 $0xA00, s26;
	[sflag:s10] =	ssyncset.done $0x0  }
0x33: {  	s19 =	sadd.s32 s23, s21;
	[sflag:s10] =	ssyncadd.s32 $0xFFFFD800  }
0x34: {  	[hbm4b:s19+s2] =	stream.linear.scatter [tilespmem:s9], [sflag:$0x2], $0x2800, $0x38;
	[tilespmem:$0x2C00] =	vst v63  }
0x35: {  	_ =	swait.ge [sflag:s3], $0x2800  }
0x36: {  	[sflag:s3] =	ssyncset.done $0x0  }
0x37: {  	s20 =	simm.s32 $0x300;
	[sflag:s3] =	ssyncadd.s32 $0xFFFFD800  }
0x38: {  	[tilespmem:s9], [sflag:$0x1] =	stream.indirect.gather [hbm4b:s12+s8], $0x80, s20, s8, $0xb8;
	[tilespmem:$0x2C00] =	vst v63  }
0x39: {  	_ =	swait.ge [sflag:s10], $0x2800  }
0x3a: {  	[sflag:s10] =	ssyncset.done $0x0  }
0x3b: {  	s21 =	sadd.s32 s25, s21;
	[sflag:s10] =	ssyncadd.s32 $0xFFFFD800  }
0x3c: {  	[hbm4b:s21+s2] =	stream.linear.scatter [tilespmem:s9], [sflag:$0x2], $0x2800, $0x38;
	[tilespmem:$0x2C00] =	vst v63  }
0x3d: {  	_ =	swait.ge [sflag:s3], $0x2800  }
0x3e: {  	[sflag:s3] =	ssyncset.done $0x0  }
0x3f: {  	s22 =	simm.s32 $0x180;
	[sflag:s3] =	ssyncadd.s32 $0xFFFFD800  }
0x40: {  	[tilespmem:s9], [sflag:$0x1] =	stream.indirect.gather [hbm4b:s7+s8], $0x80, s22, s8, $0xb8;
	[tilespmem:$0x2C00] =	vst v63  }
0x41: {  	_ =	swait.ge [sflag:s10], $0x2800  }
0x42: {  	s26 =	sadd.s32 $0xF00, s26;
	[sflag:s10] =	ssyncset.done $0x0  }
0x43: {  	s28 =	ssub.s32 $0x2, s24;
	s23 =	sadd.s32 s23, s26;
	[sflag:s10] =	ssyncadd.s32 $0xFFFFD800  }
0x44: {  	[hbm4b:s23+s2] =	stream.linear.scatter [tilespmem:s9], [sflag:$0x2], $0x2800, $0x38;
	[tilespmem:$0x2C00] =	vst v63  }
0x45: {  	s29 =	sshrl.u32 s28, $0x1;
	_ =	swait.ge [sflag:s3], $0x2800  }
0x46: {  	s28 =	ssub.s32 s28, s29;
	[sflag:s3] =	ssyncset.done $0x0  }
0x47: {  	s24 =	simm.s32 $0x380;
	s31 =	smax.u32 s28, $0x1;
	[sflag:s3] =	ssyncadd.s32 $0xFFFFD800  }
0x48: {  	[tilespmem:s9], [sflag:$0x1] =	stream.indirect.gather [hbm4b:s12+s8], $0x80, s24, s8, $0xb8;
	[tilespmem:$0x2C00] =	vst v63  }
0x49: {  	p0 =	sne.s32 s31, $0x1;
	_ =	swait.ge [sflag:s10], $0x2800  }
.Ltmp0:
0x4a: {  	[sflag:s10] =	ssyncset.done $0x0;
	(pc) =	sbr.rel @!p0 .LBB2_2-.Ltmp0, $4  }
0x4b: {  	s25 =	sadd.s32 s25, s26;
	[sflag:s10] =	ssyncadd.s32 $0xFFFFD800  }
0x4c: {  	[hbm4b:s25+s2] =	stream.linear.scatter [tilespmem:s9], [sflag:$0x2], $0x2800, $0x38;
	[tilespmem:$0x2C00] =	vst v63  }
0x4d: {  	_ =	swait.ge [sflag:s3], $0x2800  }
0x4e: {  	s26 =	sadd.s32 $0xFFFFFFFF, s31;
	[sflag:s3] =	ssyncset.done $0x0  }
.LBB2_1:
0x4f: {  	p0 =	sne.s32 s26, $0x1;
	s26 =	sadd.s32 $0xFFFFFFFF, s26;
	[sflag:s3] =	ssyncadd.s32 $0xFFFFD800  }
0x50: {  	[tilespmem:s2], [sflag:$0x2] =	stream.linear.gather [hbm4b:s4+s2], $0x200, $0x38;
	[tilespmem:$0x2C00] =	vst v63  }
0x51: {  	_ =	swait.ge [sflag:s3], $0x200  }
0x52: {  	[sflag:s3] =	ssyncset.done $0x0  }
0x53: {  	[sflag:s3] =	ssyncadd.s32 $0xFFFFFE00  }
0x54: {  	[tilespmem:s6], [sflag:$0x2] =	stream.linear.gather [hbm4b:s5+s2], $0x200, $0x38;
	[tilespmem:$0x2C00] =	vst v63  }
0x55: {  	_ =	swait.ge [sflag:s3], $0x200  }
0x56: {  	[sflag:s3] =	ssyncset.done $0x0  }
0x57: {  	[sflag:s3] =	ssyncadd.s32 $0xFFFFFE00  }
0x58: {  	[tilespmem:s9], [sflag:$0x1] =	stream.indirect.gather [hbm4b:s7+s8], $0x80, s2, s8, $0xb8;
	[tilespmem:$0x2C00] =	vst v63  }
0x59: {  	_ =	swait.ge [sflag:s10], $0x2800  }
0x5a: {  	[sflag:s10] =	ssyncset.done $0x0  }
0x5b: {  	[sflag:s10] =	ssyncadd.s32 $0xFFFFD800  }
0x5c: {  	[hbm4b:s11+s2] =	stream.linear.scatter [tilespmem:s9], [sflag:$0x2], $0x2800, $0x38;
	[tilespmem:$0x2C00] =	vst v63  }
0x5d: {  	_ =	swait.ge [sflag:s3], $0x2800  }
0x5e: {  	[sflag:s3] =	ssyncset.done $0x0  }
0x5f: {  	[sflag:s3] =	ssyncadd.s32 $0xFFFFD800  }
0x60: {  	[tilespmem:s9], [sflag:$0x1] =	stream.indirect.gather [hbm4b:s12+s8], $0x80, s6, s8, $0xb8;
	[tilespmem:$0x2C00] =	vst v63  }
0x61: {  	_ =	swait.ge [sflag:s10], $0x2800  }
0x62: {  	[sflag:s10] =	ssyncset.done $0x0  }
0x63: {  	[sflag:s10] =	ssyncadd.s32 $0xFFFFD800  }
0x64: {  	[hbm4b:s13+s2] =	stream.linear.scatter [tilespmem:s9], [sflag:$0x2], $0x2800, $0x38;
	[tilespmem:$0x2C00] =	vst v63  }
0x65: {  	_ =	swait.ge [sflag:s3], $0x2800  }
0x66: {  	[sflag:s3] =	ssyncset.done $0x0  }
0x67: {  	[sflag:s3] =	ssyncadd.s32 $0xFFFFD800  }
0x68: {  	[tilespmem:s9], [sflag:$0x1] =	stream.indirect.gather [hbm4b:s7+s8], $0x80, s14, s8, $0xb8;
	[tilespmem:$0x2C00] =	vst v63  }
0x69: {  	_ =	swait.ge [sflag:s10], $0x2800  }
0x6a: {  	[sflag:s10] =	ssyncset.done $0x0  }
0x6b: {  	[sflag:s10] =	ssyncadd.s32 $0xFFFFD800  }
0x6c: {  	[hbm4b:s15+s2] =	stream.linear.scatter [tilespmem:s9], [sflag:$0x2], $0x2800, $0x38;
	[tilespmem:$0x2C00] =	vst v63  }
0x6d: {  	_ =	swait.ge [sflag:s3], $0x2800  }
0x6e: {  	[sflag:s3] =	ssyncset.done $0x0  }
0x6f: {  	[sflag:s3] =	ssyncadd.s32 $0xFFFFD800  }
0x70: {  	[tilespmem:s9], [sflag:$0x1] =	stream.indirect.gather [hbm4b:s12+s8], $0x80, s16, s8, $0xb8;
	[tilespmem:$0x2C00] =	vst v63  }
0x71: {  	_ =	swait.ge [sflag:s10], $0x2800  }
0x72: {  	[sflag:s10] =	ssyncset.done $0x0  }
0x73: {  	[sflag:s10] =	ssyncadd.s32 $0xFFFFD800  }
0x74: {  	[hbm4b:s17+s2] =	stream.linear.scatter [tilespmem:s9], [sflag:$0x2], $0x2800, $0x38;
	[tilespmem:$0x2C00] =	vst v63  }
0x75: {  	_ =	swait.ge [sflag:s3], $0x2800  }
0x76: {  	[sflag:s3] =	ssyncset.done $0x0  }
0x77: {  	[sflag:s3] =	ssyncadd.s32 $0xFFFFD800  }
0x78: {  	[tilespmem:s9], [sflag:$0x1] =	stream.indirect.gather [hbm4b:s7+s8], $0x80, s18, s8, $0xb8;
	[tilespmem:$0x2C00] =	vst v63  }
0x79: {  	_ =	swait.ge [sflag:s10], $0x2800  }
0x7a: {  	[sflag:s10] =	ssyncset.done $0x0  }
0x7b: {  	[sflag:s10] =	ssyncadd.s32 $0xFFFFD800  }
0x7c: {  	[hbm4b:s19+s2] =	stream.linear.scatter [tilespmem:s9], [sflag:$0x2], $0x2800, $0x38;
	[tilespmem:$0x2C00] =	vst v63  }
0x7d: {  	_ =	swait.ge [sflag:s3], $0x2800  }
0x7e: {  	[sflag:s3] =	ssyncset.done $0x0  }
0x7f: {  	[sflag:s3] =	ssyncadd.s32 $0xFFFFD800  }
0x80: {  	[tilespmem:s9], [sflag:$0x1] =	stream.indirect.gather [hbm4b:s12+s8], $0x80, s20, s8, $0xb8;
	[tilespmem:$0x2C00] =	vst v63  }
0x81: {  	_ =	swait.ge [sflag:s10], $0x2800  }
0x82: {  	[sflag:s10] =	ssyncset.done $0x0  }
0x83: {  	[sflag:s10] =	ssyncadd.s32 $0xFFFFD800  }
0x84: {  	[hbm4b:s21+s2] =	stream.linear.scatter [tilespmem:s9], [sflag:$0x2], $0x2800, $0x38;
	[tilespmem:$0x2C00] =	vst v63  }
0x85: {  	_ =	swait.ge [sflag:s3], $0x2800  }
0x86: {  	[sflag:s3] =	ssyncset.done $0x0  }
0x87: {  	[sflag:s3] =	ssyncadd.s32 $0xFFFFD800  }
0x88: {  	[tilespmem:s9], [sflag:$0x1] =	stream.indirect.gather [hbm4b:s7+s8], $0x80, s22, s8, $0xb8;
	[tilespmem:$0x2C00] =	vst v63  }
0x89: {  	_ =	swait.ge [sflag:s10], $0x2800  }
0x8a: {  	[sflag:s10] =	ssyncset.done $0x0  }
0x8b: {  	[sflag:s10] =	ssyncadd.s32 $0xFFFFD800  }
0x8c: {  	[hbm4b:s23+s2] =	stream.linear.scatter [tilespmem:s9], [sflag:$0x2], $0x2800, $0x38;
	[tilespmem:$0x2C00] =	vst v63  }
0x8d: {  	_ =	swait.ge [sflag:s3], $0x2800  }
0x8e: {  	[sflag:s3] =	ssyncset.done $0x0  }
0x8f: {  	[sflag:s3] =	ssyncadd.s32 $0xFFFFD800  }
0x90: {  	[tilespmem:s9], [sflag:$0x1] =	stream.indirect.gather [hbm4b:s12+s8], $0x80, s24, s8, $0xb8;
	[tilespmem:$0x2C00] =	vst v63  }
0x91: {  	_ =	swait.ge [sflag:s10], $0x2800  }
.Ltmp1:
0x92: {  	[sflag:s10] =	ssyncset.done $0x0;
	(pc) =	sbr.rel @p0 .LBB2_1-.Ltmp1, $4  }
0x93: {  	[sflag:s10] =	ssyncadd.s32 $0xFFFFD800  }
0x94: {  	[hbm4b:s25+s2] =	stream.linear.scatter [tilespmem:s9], [sflag:$0x2], $0x2800, $0x38;
	[tilespmem:$0x2C00] =	vst v63  }
0x95: {  	_ =	swait.ge [sflag:s3], $0x2800  }
0x96: {  	[sflag:s3] =	ssyncset.done $0x0  }
.LBB2_2:
0x97: {  	[sflag:s3] =	ssyncadd.s32 $0xFFFFD800  }
0x98: {  	_ =	sfence.sel $0x180000  }
0x99: {  	[bflag:$0x0] =	sbarrier.arrive $0xFFFF  }
0x9a: {  	p0 =	sne.s32 s0, $0x0;
	_ =	strace $0x90000059  }
0x9b: {  	s0 =	sadd.s32 @!p0 $0x100000, s1;
	[bflag:$0x2] =	sbarrier.arrive $0xFFFF  }
0x9c: {  	[sflag:s0] =	ssyncadd.tile.s32 @!p0 $0x1;
	_ =	shalt  }
.Lfunc_end2:
_tile_overlayer_lowered:
.L_overlay_start_2:
0x9d: {  	(tag) =	ssettag $0x2  }
0x9e: {  	s0 =	rddreg [dreg:$0x0];
	s2 =	stileid.u32  }
0x9f: {  	s1 =	rddreg [dreg:$0x1];
	p0 =	sne.s32 s2, $0x0  }
0xa0: {  	s3 =	rddreg [dreg:$0x2];
	[bflag:$0x3] =	sbarrier.arrive $0xFFFF;
	s2 =	simm.s32 @!p0 $0x1C02  }
0xa1: {  	[timem:s3], [sflag:s2] =	dma.local @!p0 [hbm:s0], s1  }
0xa2: {  	s0 =	simm.s32 @!p0 $0x2  }
0xa3: {  	_ =	swait.ge @!p0 [sflag:s0], s1  }
0xa4: {  	s1 =	ssub.s32 @!p0 $0x0, s1;
	[sflag:s0] =	ssyncset.done @!p0 $0x0  }
0xa5: {  	[sflag:s0] =	ssyncadd.s32 @!p0 s1  }
0xa6: {  	[bflag:$0x3] =	sbarrier.arrive $0xFFFF  }
0xa7: {  	_ =	shalt  }

</sc_bundles>
